<compile_context>
chip_gen: v7x
topology: tpu7x:2x2x1
jax: 0.10.2.dev20260603
libtpu: 0.0.44.dev20260713+nightly
codegen_flags: <defaults>
</compile_context>

<pallas_src>
import functools

import jax
import jax.numpy as jnp
from jax import lax
from jax.experimental import pallas as pl
from jax.experimental.pallas import tpu as pltpu
from jax.experimental.pallas import tpu_sc as plsc

N_DATA = 100000
F = 128
B = 1024
K = 512
TAU = 0.07
KD_T = 4.0
NC, NS, L = 2, 16, 16
NW = NC * NS
RW = B // NW
CH = 64
NCHUNK = K // CH
NG = CH // L


def _sc_body(mem0, mem1, ea, eb, idx,
             s_ab, s_aa, s_ba,
             idx_v, ea_v, eb_v, bufA, bufB, oab, oaa, oba,
             semA0, semA1, semA2, semB0, semB1, semB2, semO0, semO1):
    wid = lax.axis_index("s") * NC + lax.axis_index("c")
    base = wid * RW
    pltpu.sync_copy(idx.at[pl.ds(base, RW)], idx_v)
    pltpu.sync_copy(ea.at[pl.ds(base, RW)], ea_v)
    pltpu.sync_copy(eb.at[pl.ds(base, RW)], eb_v)
    lane = lax.iota(jnp.int32, L)
    izero = jnp.full((L,), 0, dtype=jnp.int32)
    sems = ((semA0, semB0), (semA1, semB1), (semA2, semB2))
    osems = (semO0, semO1)
    scale = jnp.float32(1.0 / TAU)

    def start_gather(r, c, slot):
        idx_ref = idx_v.at[r, pl.ds(c * CH, CH)]
        pltpu.async_copy(mem0.at[idx_ref], bufA.at[pl.ds(slot * CH, CH)],
                         sems[slot][0])
        pltpu.async_copy(mem1.at[idx_ref], bufB.at[pl.ds(slot * CH, CH)],
                         sems[slot][1])

    def wait_gather(slot):
        dummy_idx = idx_v.at[0, pl.ds(0, CH)]
        pltpu.make_async_copy(mem0.at[dummy_idx],
                              bufA.at[pl.ds(slot * CH, CH)],
                              sems[slot][0]).wait()
        pltpu.make_async_copy(mem1.at[dummy_idx],
                              bufB.at[pl.ds(slot * CH, CH)],
                              sems[slot][1]).wait()

    def compute_chunk(r, c, slot):
        rows = [lane + (slot * CH + g * L) for g in range(NG)]
        srp = izero + r

        def d_body(t, accs):
            dvec = jnp.bitwise_and(t, -L) + jnp.bitwise_and(lane + t, L - 1)
            va = plsc.load_gather(ea_v, [srp, dvec])
            vb = plsc.load_gather(eb_v, [srp, dvec])
            out = []
            for g in range(NG):
                a_ab, a_aa, a_ba = accs[3 * g:3 * g + 3]
                colA = plsc.load_gather(bufA, [rows[g], dvec])
                colB = plsc.load_gather(bufB, [rows[g], dvec])
                out += [a_ab + colA * vb,
                        a_aa + colA * va,
                        a_ba + colB * va]
            return tuple(out)

        z = jnp.zeros((L,), jnp.float32)
        accs = lax.fori_loop(0, F, d_body, (z,) * (3 * NG), unroll=2)
        rslot = jnp.bitwise_and(r, 1)
        for g in range(NG):
            off = c * CH + g * L
            oab[rslot, pl.ds(off, L)] = accs[3 * g] * scale
            oaa[rslot, pl.ds(off, L)] = accs[3 * g + 1] * scale
            oba[rslot, pl.ds(off, L)] = accs[3 * g + 2] * scale

    def start_out(r, rslot):
        pltpu.async_copy(oab.at[rslot], s_ab.at[base + r], osems[rslot])
        pltpu.async_copy(oaa.at[rslot], s_aa.at[base + r], osems[rslot])
        pltpu.async_copy(oba.at[rslot], s_ba.at[base + r], osems[rslot])

    def wait_out(rslot):
        for o, s in ((oab, s_ab), (oaa, s_aa), (oba, s_ba)):
            pltpu.make_async_copy(o.at[rslot], s.at[base], osems[rslot]).wait()

    U = RW * NCHUNK
    NSLOT = 3
    CSHIFT = NCHUNK.bit_length() - 1

    def unit_rc(u):
        return lax.shift_right_logical(u, CSHIFT), jnp.bitwise_and(u, NCHUNK - 1)

    for s in range(NSLOT):
        rs, cs = unit_rc(jnp.int32(s))
        start_gather(rs, cs, s)

    @pl.loop(0, U, step=NSLOT)
    def _trip(u):
        for s in range(NSLOT):
            @pl.when(u + s < U)
            def _(s=s):
                ru, cu = unit_rc(u + s)
                wait_gather(s)

                for o in (0, 1):
                    @pl.when(jnp.logical_and(
                        jnp.logical_and(cu == 0, ru >= 2),
                        jnp.bitwise_and(ru, 1) == o))
                    def _(o=o):
                        wait_out(o)

                compute_chunk(ru, cu, s)

                @pl.when(u + s + NSLOT < U)
                def _():
                    rn, cn = unit_rc(u + s + NSLOT)
                    start_gather(rn, cn, s)

                @pl.when(cu == NCHUNK - 1)
                def _():
                    for o in (0, 1):
                        @pl.when(jnp.bitwise_and(ru, 1) == o)
                        def _(o=o):
                            start_out(ru, o)

    wait_out(0)
    wait_out(1)


def _make_sc_kernel(interpret=False):
    mesh = plsc.VectorSubcoreMesh(core_axis_name="c", subcore_axis_name="s",
                                  num_cores=NC, num_subcores=NS)
    return pl.kernel(
        _sc_body,
        out_type=(jax.ShapeDtypeStruct((B, K), jnp.float32),) * 3,
        mesh=mesh,
        scratch_types=[
            pltpu.VMEM((RW, K), jnp.int32),
            pltpu.VMEM((RW, F), jnp.float32),
            pltpu.VMEM((RW, F), jnp.float32),
            pltpu.VMEM((3 * CH, F), jnp.float32),
            pltpu.VMEM((3 * CH, F), jnp.float32),
            pltpu.VMEM((2, K), jnp.float32),
            pltpu.VMEM((2, K), jnp.float32),
            pltpu.VMEM((2, K), jnp.float32),
            pltpu.SemaphoreType.DMA,
            pltpu.SemaphoreType.DMA,
            pltpu.SemaphoreType.DMA,
            pltpu.SemaphoreType.DMA,
            pltpu.SemaphoreType.DMA,
            pltpu.SemaphoreType.DMA,
            pltpu.SemaphoreType.DMA,
            pltpu.SemaphoreType.DMA,
        ],
        compiler_params=pltpu.CompilerParams(needs_layout_passes=False),
        interpret=interpret,
    )


def _loss_body(sab_ref, saa_ref, sba_ref, w_ref,
               vcl_ref, svcl_ref, icl_ref, sicl_ref):
    sab = sab_ref[...]
    saa = saa_ref[...]
    sba = sba_ref[...]
    w = w_ref[...]
    col = lax.broadcasted_iota(jnp.int32, (B, K), 1)
    mrest = (col >= 1).astype(jnp.float32)

    def lse(x, mask=None):
        if mask is not None:
            x = jnp.where(mask > 0, x, jnp.float32(-1e30))
        m = jnp.max(x, axis=1, keepdims=True)
        return m + jnp.log(jnp.sum(jnp.exp(x - m), axis=1, keepdims=True))

    lseA = lse(sab)
    lseB = lse(sba)
    mlppA = (sab[:, 0:1] + sab[:, 1:2] - 2.0 * lseA) * w * 0.5
    mlppB = (sba[:, 0:1] + sba[:, 1:2] - 2.0 * lseB) * w * 0.5
    icl = -(jnp.sum(mlppA) + jnp.sum(mlppB)) / B

    lse0 = lse(saa, mrest)
    lse1 = lse(sab, mrest)
    vcl = -(jnp.sum((saa[:, 1:2] - lse0) * w)
            + jnp.sum((sab[:, 1:2] - lse1) * w)) / B

    a4 = sab * jnp.float32(1.0 / KD_T)
    b4 = sba * jnp.float32(1.0 / KD_T)
    lsea4 = lse(a4)
    lseb4 = lse(b4)
    p_a4 = jnp.exp(a4 - lsea4)
    p_b4 = jnp.exp(b4 - lseb4)
    kl1 = jnp.sum(p_b4 * (b4 - a4), axis=1, keepdims=True) - lseb4 + lsea4
    kl2 = jnp.sum(p_a4 * (a4 - b4), axis=1, keepdims=True) - lsea4 + lseb4
    sicl = (KD_T * KD_T) * jnp.sum(w * (kl1 + kl2)) / B

    i04 = saa * jnp.float32(1.0 / KD_T)
    i14 = sab * jnp.float32(1.0 / KD_T)
    lse04 = lse(i04, mrest)
    lse14 = lse(i14, mrest)
    p04 = jnp.exp(i04 - lse04) * mrest
    p14 = jnp.exp(i14 - lse14) * mrest
    klv1 = jnp.sum(p14 * (i14 - i04), axis=1, keepdims=True) - lse14 + lse04
    klv2 = jnp.sum(p04 * (i04 - i14), axis=1, keepdims=True) - lse04 + lse14
    svcl = (KD_T * KD_T) * jnp.sum(w * (klv1 + klv2)) / B

    vcl_ref[0, 0] = vcl
    svcl_ref[0, 0] = svcl
    icl_ref[0, 0] = icl
    sicl_ref[0, 0] = sicl


def _loss_call(s_ab, s_aa, s_ba, weight, interpret=False):
    return pl.pallas_call(
        _loss_body,
        out_shape=[jax.ShapeDtypeStruct((1, 1), jnp.float32)] * 4,
        out_specs=[pl.BlockSpec(memory_space=pltpu.SMEM)] * 4,
        interpret=interpret,
    )(s_ab, s_aa, s_ba, weight)


def kernel(embeddings_a, embeddings_b, a, b, pos_idx, neg_idx, weight,
           memory_0, memory_1):
    del a, b
    idx = jnp.concatenate([pos_idx.astype(jnp.int32),
                           neg_idx.astype(jnp.int32)], axis=1)
    sc = _make_sc_kernel()
    s_ab, s_aa, s_ba = sc(memory_0, memory_1, embeddings_a, embeddings_b, idx)
    vcl, svcl, icl, sicl = _loss_call(s_ab, s_aa, s_ba, weight)
    return (vcl[0, 0], svcl[0, 0], icl[0, 0], sicl[0, 0])

# --- scband reference (transcript-rebuilt; emitter-appended) ---
"""Pipeline reference for scband-contrast-memory-46059229282496 (READ-ONLY COPY).

The authoritative reference and input builder live on the scoring server;
editing this copy changes nothing except your own understanding.
"""

import jax, jax.numpy as jnp
import numpy as np
import math

N_DATA = 100000
FEAT = 128
POS_K = 1
NEG_K = 510
TAU = 0.07
KD_T = 4.0
B = 1024


def _kldiv(y_s, y_t, weights, T):
    log_p_s = jax.nn.log_softmax(y_s / T, axis=1)
    log_p_t = jax.nn.log_softmax(y_t / T, axis=1)
    p_t = jax.nn.softmax(y_t / T, axis=1)
    input_size = p_t.shape[0]
    return (T ** 2) * (weights * p_t * (log_p_t - log_p_s)).sum() / input_size


def setup_inputs(seed: int = 0) -> dict:
    key = jax.random.key(seed)
    ks = jax.random.split(key, 8)
    stdv = 1.0 / math.sqrt(FEAT / 3)
    memory_0 = jax.random.uniform(ks[0], (N_DATA, FEAT), minval=-stdv, maxval=stdv, dtype=jnp.float32)
    memory_1 = jax.random.uniform(ks[1], (N_DATA, FEAT), minval=-stdv, maxval=stdv, dtype=jnp.float32)
    embeddings_a = jax.random.normal(ks[2], (B, FEAT), dtype=jnp.float32)
    embeddings_b = jax.random.normal(ks[3], (B, FEAT), dtype=jnp.float32)
    pos_idx = jax.random.randint(ks[4], (B, POS_K + 1), 0, N_DATA, dtype=jnp.int64 if jax.config.jax_enable_x64 else jnp.int32)
    neg_idx = jax.random.randint(ks[5], (B, NEG_K), 0, N_DATA, dtype=jnp.int64 if jax.config.jax_enable_x64 else jnp.int32)
    weight = jax.random.uniform(ks[6], (B, 1), dtype=jnp.float32)
    return {
        'embeddings_a': embeddings_a,
        'embeddings_b': embeddings_b,
        'a': 0,
        'b': 1,
        'pos_idx': pos_idx,
        'neg_idx': neg_idx,
        'weight': weight,
        'memory_0': memory_0,
        'memory_1': memory_1,
    }


def reference(embeddings_a, embeddings_b, a, b, pos_idx, neg_idx, weight, memory_0, memory_1):
    sg = jax.lax.stop_gradient
    mem_a = jnp.where(a == 0, memory_0, memory_1)
    mem_b = jnp.where(b == 0, memory_0, memory_1)
    batchSize = embeddings_a.shape[0]
    idx = jnp.concatenate([pos_idx, neg_idx], axis=1)
    K = POS_K + NEG_K + 1

    inter_logits = []
    soft_icl_loss = 0.0
    neg_rep = sg(jnp.take(mem_a, idx.reshape(-1), axis=0)).reshape(batchSize, K, FEAT)
    cos_simi_ij = jnp.einsum('bkd,bd->bk', neg_rep, embeddings_b) / TAU
    inter_logits.append(cos_simi_ij)
    neg_rep = sg(jnp.take(mem_b, idx.reshape(-1), axis=0)).reshape(batchSize, K, FEAT)
    cos_simi_ji = jnp.einsum('bkd,bd->bk', neg_rep, embeddings_a) / TAU
    inter_logits.append(cos_simi_ji)
    soft_icl_loss += _kldiv(cos_simi_ij, sg(cos_simi_ji), weight, KD_T)
    soft_icl_loss += _kldiv(cos_simi_ji, sg(cos_simi_ij), weight, KD_T)

    mask = jnp.zeros((batchSize, K), dtype=jnp.float32).at[:, :POS_K + 1].set(1.0)
    icl_loss = 0.0
    for logit in inter_logits:
        log_prob = logit - jnp.log(jnp.exp(logit).sum(axis=1, keepdims=True))
        mean_log_prob_pos = (mask * log_prob * weight).sum(axis=1) / mask.sum(axis=1)
        icl_loss += -mean_log_prob_pos.mean()

    intra_logits = []
    idx2 = idx[:, 1:]
    K2 = POS_K + NEG_K
    neg_rep_a = sg(jnp.take(mem_a, idx2.reshape(-1), axis=0)).reshape(batchSize, K2, FEAT)
    cos_simi = jnp.einsum('bkd,bd->bk', neg_rep_a, embeddings_a) / TAU
    intra_logits.append(cos_simi)
    neg_rep_b = sg(jnp.take(mem_a, idx2.reshape(-1), axis=0)).reshape(batchSize, K2, FEAT)
    cos_simi = jnp.einsum('bkd,bd->bk', neg_rep_b, embeddings_b) / TAU
    intra_logits.append(cos_simi)

    soft_vcl_loss = 0.0
    soft_vcl_loss += _kldiv(intra_logits[0], sg(intra_logits[1]), weight, KD_T)
    soft_vcl_loss += _kldiv(intra_logits[1], sg(intra_logits[0]), weight, KD_T)

    vcl_loss = 0.0
    mask2 = jnp.zeros((batchSize, K2), dtype=jnp.float32).at[:, :POS_K].set(1.0)
    for logit in intra_logits:
        log_prob = logit - jnp.log(jnp.exp(logit).sum(axis=1, keepdims=True))
        mean_log_prob_pos = (mask2 * log_prob * weight).sum(axis=1) / mask2.sum(axis=1)
        vcl_loss += -mean_log_prob_pos.mean()

    return (vcl_loss, soft_vcl_loss, icl_loss, soft_icl_loss)

if __name__ == "__main__":
    import jax
    _d = setup_inputs()
    print(jax.jit(kernel)(*tuple(_d.values())))

</pallas_src>

<mosaic_0001>
#map = affine_map<(d0, d1) -> (0, 0)>
module attributes {stable_mosaic.version = 14 : i64} {
  func.func @_sc_body(%arg0: i32, %arg1: i32, %arg2: memref<100000x128xf32, #tpu.memory_space<hbm>>, %arg3: memref<100000x128xf32, #tpu.memory_space<hbm>>, %arg4: memref<1024x128xf32, #tpu.memory_space<hbm>>, %arg5: memref<1024x128xf32, #tpu.memory_space<hbm>>, %arg6: memref<1024x512xi32, #tpu.memory_space<hbm>>, %arg7: memref<1024x512xf32, #tpu.memory_space<hbm>>, %arg8: memref<1024x512xf32, #tpu.memory_space<hbm>>, %arg9: memref<1024x512xf32, #tpu.memory_space<hbm>>, %arg10: memref<32x512xi32, #tpu.memory_space<vmem>>, %arg11: memref<32x128xf32, #tpu.memory_space<vmem>>, %arg12: memref<32x128xf32, #tpu.memory_space<vmem>>, %arg13: memref<192x128xf32, #tpu.memory_space<vmem>>, %arg14: memref<192x128xf32, #tpu.memory_space<vmem>>, %arg15: memref<2x512xf32, #tpu.memory_space<vmem>>, %arg16: memref<2x512xf32, #tpu.memory_space<vmem>>, %arg17: memref<2x512xf32, #tpu.memory_space<vmem>>, %arg18: memref<!tpu.dma_semaphore, #tpu.memory_space<semaphore_mem>>, %arg19: memref<!tpu.dma_semaphore, #tpu.memory_space<semaphore_mem>>, %arg20: memref<!tpu.dma_semaphore, #tpu.memory_space<semaphore_mem>>, %arg21: memref<!tpu.dma_semaphore, #tpu.memory_space<semaphore_mem>>, %arg22: memref<!tpu.dma_semaphore, #tpu.memory_space<semaphore_mem>>, %arg23: memref<!tpu.dma_semaphore, #tpu.memory_space<semaphore_mem>>, %arg24: memref<!tpu.dma_semaphore, #tpu.memory_space<semaphore_mem>>, %arg25: memref<!tpu.dma_semaphore, #tpu.memory_space<semaphore_mem>>) attributes {dimension_semantics = [#tpu.dimension_semantics<core_parallel>, #tpu.dimension_semantics<subcore_parallel>], iteration_bounds = array<i64: 2, 16>, scalar_prefetch = 0 : i64, scratch_operands = 16 : i64, tpu.core_type = #tpu.core_type<sc_vector_subcore>, window_params = [{transform_indices = #map}, {transform_indices = #map}, {transform_indices = #map}, {transform_indices = #map}, {transform_indices = #map}, {transform_indices = #map}, {transform_indices = #map}, {transform_indices = #map}]} {
    %mul3A = arith.constant 2 : i32
    %mul3A_0 = arith.muli %arg1, %mul3A : i32
    %add3A = arith.addi %mul3A_0, %arg0 : i32
    %mul3A_1 = arith.constant 32 : i32
    %mul3A_2 = arith.muli %add3A, %mul3A_1 : i32
    "tpu.region"() ({
      %run_scoped3A = tpu.sem_alloc : memref<!tpu.dma_semaphore, #tpu.memory_space<semaphore_mem>>
      %dma_start3A_155 = arith.constant 0 : i32
      %dma_start3A_156 = tpu.memref_slice %arg6[%mul3A_2, %dma_start3A_155] : memref<1024x512xi32, #tpu.memory_space<hbm>> -> memref<32x512xi32, #tpu.memory_space<hbm>>
      %dma_start3A_157 = arith.constant 0 : i32
      %dma_start3A_158 = tpu.memref_slice %arg6[%mul3A_2, %dma_start3A_157] : memref<1024x512xi32, #tpu.memory_space<hbm>> -> memref<32x512xi32, #tpu.memory_space<hbm>>
      tpu.enqueue_dma source(%dma_start3A_158 : memref<32x512xi32, #tpu.memory_space<hbm>>) target(%arg10 : memref<32x512xi32, #tpu.memory_space<vmem>>) target_semaphore(%run_scoped3A : memref<!tpu.dma_semaphore, #tpu.memory_space<semaphore_mem>>)
      %dma_wait3A_159 = arith.constant 0 : i32
      %dma_wait3A_160 = tpu.memref_slice %arg6[%mul3A_2, %dma_wait3A_159] : memref<1024x512xi32, #tpu.memory_space<hbm>> -> memref<32x512xi32, #tpu.memory_space<hbm>>
      %dma_wait3A_161 = arith.constant 0 : i32
      %dma_wait3A_162 = tpu.memref_slice %arg6[%mul3A_2, %dma_wait3A_161] : memref<1024x512xi32, #tpu.memory_space<hbm>> -> memref<32x512xi32, #tpu.memory_space<hbm>>
      tpu.wait_dma2 semaphore(%run_scoped3A : memref<!tpu.dma_semaphore, #tpu.memory_space<semaphore_mem>>) src(%dma_wait3A_162 : memref<32x512xi32, #tpu.memory_space<hbm>>) dst(%arg10 : memref<32x512xi32, #tpu.memory_space<vmem>>)
      tpu.yield
    }) : () -> ()
    "tpu.region"() ({
      %run_scoped3A = tpu.sem_alloc : memref<!tpu.dma_semaphore, #tpu.memory_space<semaphore_mem>>
      %dma_start3A_155 = arith.constant 0 : i32
      %dma_start3A_156 = tpu.memref_slice %arg4[%mul3A_2, %dma_start3A_155] : memref<1024x128xf32, #tpu.memory_space<hbm>> -> memref<32x128xf32, #tpu.memory_space<hbm>>
      %dma_start3A_157 = arith.constant 0 : i32
      %dma_start3A_158 = tpu.memref_slice %arg4[%mul3A_2, %dma_start3A_157] : memref<1024x128xf32, #tpu.memory_space<hbm>> -> memref<32x128xf32, #tpu.memory_space<hbm>>
      tpu.enqueue_dma source(%dma_start3A_158 : memref<32x128xf32, #tpu.memory_space<hbm>>) target(%arg11 : memref<32x128xf32, #tpu.memory_space<vmem>>) target_semaphore(%run_scoped3A : memref<!tpu.dma_semaphore, #tpu.memory_space<semaphore_mem>>)
      %dma_wait3A_159 = arith.constant 0 : i32
      %dma_wait3A_160 = tpu.memref_slice %arg4[%mul3A_2, %dma_wait3A_159] : memref<1024x128xf32, #tpu.memory_space<hbm>> -> memref<32x128xf32, #tpu.memory_space<hbm>>
      %dma_wait3A_161 = arith.constant 0 : i32
      %dma_wait3A_162 = tpu.memref_slice %arg4[%mul3A_2, %dma_wait3A_161] : memref<1024x128xf32, #tpu.memory_space<hbm>> -> memref<32x128xf32, #tpu.memory_space<hbm>>
      tpu.wait_dma2 semaphore(%run_scoped3A : memref<!tpu.dma_semaphore, #tpu.memory_space<semaphore_mem>>) src(%dma_wait3A_162 : memref<32x128xf32, #tpu.memory_space<hbm>>) dst(%arg11 : memref<32x128xf32, #tpu.memory_space<vmem>>)
      tpu.yield
    }) : () -> ()
    "tpu.region"() ({
      %run_scoped3A = tpu.sem_alloc : memref<!tpu.dma_semaphore, #tpu.memory_space<semaphore_mem>>
      %dma_start3A_155 = arith.constant 0 : i32
      %dma_start3A_156 = tpu.memref_slice %arg5[%mul3A_2, %dma_start3A_155] : memref<1024x128xf32, #tpu.memory_space<hbm>> -> memref<32x128xf32, #tpu.memory_space<hbm>>
      %dma_start3A_157 = arith.constant 0 : i32
      %dma_start3A_158 = tpu.memref_slice %arg5[%mul3A_2, %dma_start3A_157] : memref<1024x128xf32, #tpu.memory_space<hbm>> -> memref<32x128xf32, #tpu.memory_space<hbm>>
      tpu.enqueue_dma source(%dma_start3A_158 : memref<32x128xf32, #tpu.memory_space<hbm>>) target(%arg12 : memref<32x128xf32, #tpu.memory_space<vmem>>) target_semaphore(%run_scoped3A : memref<!tpu.dma_semaphore, #tpu.memory_space<semaphore_mem>>)
      %dma_wait3A_159 = arith.constant 0 : i32
      %dma_wait3A_160 = tpu.memref_slice %arg5[%mul3A_2, %dma_wait3A_159] : memref<1024x128xf32, #tpu.memory_space<hbm>> -> memref<32x128xf32, #tpu.memory_space<hbm>>
      %dma_wait3A_161 = arith.constant 0 : i32
      %dma_wait3A_162 = tpu.memref_slice %arg5[%mul3A_2, %dma_wait3A_161] : memref<1024x128xf32, #tpu.memory_space<hbm>> -> memref<32x128xf32, #tpu.memory_space<hbm>>
      tpu.wait_dma2 semaphore(%run_scoped3A : memref<!tpu.dma_semaphore, #tpu.memory_space<semaphore_mem>>) src(%dma_wait3A_162 : memref<32x128xf32, #tpu.memory_space<hbm>>) dst(%arg12 : memref<32x128xf32, #tpu.memory_space<vmem>>)
      tpu.yield
    }) : () -> ()
    %iota3A = tpu.iota {dimensions = array<i32: 0>} : vector<16xi32>
    %broadcast_in_dim3A = arith.constant 0 : i32
    %broadcast_in_dim3A_3 = vector.broadcast %broadcast_in_dim3A : i32 to vector<16xi32>
    %shift_right_logical3A = arith.constant 0 : i32
    %shift_right_logical3A_4 = arith.constant 3 : i32
    %shift_right_logical3A_5 = arith.shrui %shift_right_logical3A, %shift_right_logical3A_4 : i32
    %and3A = arith.constant 0 : i32
    %and3A_6 = arith.constant 7 : i32
    %and3A_7 = arith.andi %and3A, %and3A_6 : i32
    %mul3A_8 = arith.constant 64 : i32
    %mul3A_9 = arith.muli %and3A_7, %mul3A_8 : i32
    %dma_start3A = arith.constant 0 : i32
    %dma_start3A_10 = arith.constant 0 : i32
    %dma_start3A_11 = tpu.memref_slice %arg13[%dma_start3A, %dma_start3A_10] : memref<192x128xf32, #tpu.memory_space<vmem>> -> memref<64x128xf32, #tpu.memory_space<vmem>>
    %dma_start3A_12 = tpu.memref_slice %arg10[%shift_right_logical3A_5, %mul3A_9] : memref<32x512xi32, #tpu.memory_space<vmem>> -> memref<1x64xi32, #tpu.memory_space<vmem>>
    %dma_start3A_13 = tpu.memref_squeeze %dma_start3A_12 : memref<1x64xi32, #tpu.memory_space<vmem>> -> memref<64xi32, #tpu.memory_space<vmem>>
    %dma_start3A_14 = arith.constant 0 : i32
    %dma_start3A_15 = arith.constant 0 : i32
    %dma_start3A_16 = tpu.memref_slice %arg2[%dma_start3A_14, %dma_start3A_15] : memref<100000x128xf32, #tpu.memory_space<hbm>> -> memref<100000x128xf32, #tpu.memory_space<hbm>>
    tpu.enqueue_indirect_dma source(%dma_start3A_16 : memref<100000x128xf32, #tpu.memory_space<hbm>>) target(%dma_start3A_11 : memref<64x128xf32, #tpu.memory_space<vmem>>) offsets(%dma_start3A_13 : memref<64xi32, #tpu.memory_space<vmem>>) semaphore(%arg18 : memref<!tpu.dma_semaphore, #tpu.memory_space<semaphore_mem>>)
    %dma_start3A_17 = arith.constant 0 : i32
    %dma_start3A_18 = arith.constant 0 : i32
    %dma_start3A_19 = tpu.memref_slice %arg14[%dma_start3A_17, %dma_start3A_18] : memref<192x128xf32, #tpu.memory_space<vmem>> -> memref<64x128xf32, #tpu.memory_space<vmem>>
    %dma_start3A_20 = tpu.memref_slice %arg10[%shift_right_logical3A_5, %mul3A_9] : memref<32x512xi32, #tpu.memory_space<vmem>> -> memref<1x64xi32, #tpu.memory_space<vmem>>
    %dma_start3A_21 = tpu.memref_squeeze %dma_start3A_20 : memref<1x64xi32, #tpu.memory_space<vmem>> -> memref<64xi32, #tpu.memory_space<vmem>>
    %dma_start3A_22 = arith.constant 0 : i32
    %dma_start3A_23 = arith.constant 0 : i32
    %dma_start3A_24 = tpu.memref_slice %arg3[%dma_start3A_22, %dma_start3A_23] : memref<100000x128xf32, #tpu.memory_space<hbm>> -> memref<100000x128xf32, #tpu.memory_space<hbm>>
    tpu.enqueue_indirect_dma source(%dma_start3A_24 : memref<100000x128xf32, #tpu.memory_space<hbm>>) target(%dma_start3A_19 : memref<64x128xf32, #tpu.memory_space<vmem>>) offsets(%dma_start3A_21 : memref<64xi32, #tpu.memory_space<vmem>>) semaphore(%arg21 : memref<!tpu.dma_semaphore, #tpu.memory_space<semaphore_mem>>)
    %shift_right_logical3A_25 = arith.constant 1 : i32
    %shift_right_logical3A_26 = arith.constant 3 : i32
    %shift_right_logical3A_27 = arith.shrui %shift_right_logical3A_25, %shift_right_logical3A_26 : i32
    %and3A_28 = arith.constant 1 : i32
    %and3A_29 = arith.constant 7 : i32
    %and3A_30 = arith.andi %and3A_28, %and3A_29 : i32
    %mul3A_31 = arith.constant 64 : i32
    %mul3A_32 = arith.muli %and3A_30, %mul3A_31 : i32
    %dma_start3A_33 = arith.constant 64 : i32
    %dma_start3A_34 = arith.constant 0 : i32
    %dma_start3A_35 = tpu.memref_slice %arg13[%dma_start3A_33, %dma_start3A_34] : memref<192x128xf32, #tpu.memory_space<vmem>> -> memref<64x128xf32, #tpu.memory_space<vmem>>
    %dma_start3A_36 = tpu.memref_slice %arg10[%shift_right_logical3A_27, %mul3A_32] : memref<32x512xi32, #tpu.memory_space<vmem>> -> memref<1x64xi32, #tpu.memory_space<vmem>>
    %dma_start3A_37 = tpu.memref_squeeze %dma_start3A_36 : memref<1x64xi32, #tpu.memory_space<vmem>> -> memref<64xi32, #tpu.memory_space<vmem>>
    %dma_start3A_38 = arith.constant 0 : i32
    %dma_start3A_39 = arith.constant 0 : i32
    %dma_start3A_40 = tpu.memref_slice %arg2[%dma_start3A_38, %dma_start3A_39] : memref<100000x128xf32, #tpu.memory_space<hbm>> -> memref<100000x128xf32, #tpu.memory_space<hbm>>
    tpu.enqueue_indirect_dma source(%dma_start3A_40 : memref<100000x128xf32, #tpu.memory_space<hbm>>) target(%dma_start3A_35 : memref<64x128xf32, #tpu.memory_space<vmem>>) offsets(%dma_start3A_37 : memref<64xi32, #tpu.memory_space<vmem>>) semaphore(%arg19 : memref<!tpu.dma_semaphore, #tpu.memory_space<semaphore_mem>>)
    %dma_start3A_41 = arith.constant 64 : i32
    %dma_start3A_42 = arith.constant 0 : i32
    %dma_start3A_43 = tpu.memref_slice %arg14[%dma_start3A_41, %dma_start3A_42] : memref<192x128xf32, #tpu.memory_space<vmem>> -> memref<64x128xf32, #tpu.memory_space<vmem>>
    %dma_start3A_44 = tpu.memref_slice %arg10[%shift_right_logical3A_27, %mul3A_32] : memref<32x512xi32, #tpu.memory_space<vmem>> -> memref<1x64xi32, #tpu.memory_space<vmem>>
    %dma_start3A_45 = tpu.memref_squeeze %dma_start3A_44 : memref<1x64xi32, #tpu.memory_space<vmem>> -> memref<64xi32, #tpu.memory_space<vmem>>
    %dma_start3A_46 = arith.constant 0 : i32
    %dma_start3A_47 = arith.constant 0 : i32
    %dma_start3A_48 = tpu.memref_slice %arg3[%dma_start3A_46, %dma_start3A_47] : memref<100000x128xf32, #tpu.memory_space<hbm>> -> memref<100000x128xf32, #tpu.memory_space<hbm>>
    tpu.enqueue_indirect_dma source(%dma_start3A_48 : memref<100000x128xf32, #tpu.memory_space<hbm>>) target(%dma_start3A_43 : memref<64x128xf32, #tpu.memory_space<vmem>>) offsets(%dma_start3A_45 : memref<64xi32, #tpu.memory_space<vmem>>) semaphore(%arg22 : memref<!tpu.dma_semaphore, #tpu.memory_space<semaphore_mem>>)
    %shift_right_logical3A_49 = arith.constant 2 : i32
    %shift_right_logical3A_50 = arith.constant 3 : i32
    %shift_right_logical3A_51 = arith.shrui %shift_right_logical3A_49, %shift_right_logical3A_50 : i32
    %and3A_52 = arith.constant 2 : i32
    %and3A_53 = arith.constant 7 : i32
    %and3A_54 = arith.andi %and3A_52, %and3A_53 : i32
    %mul3A_55 = arith.constant 64 : i32
    %mul3A_56 = arith.muli %and3A_54, %mul3A_55 : i32
    %dma_start3A_57 = arith.constant 128 : i32
    %dma_start3A_58 = arith.constant 0 : i32
    %dma_start3A_59 = tpu.memref_slice %arg13[%dma_start3A_57, %dma_start3A_58] : memref<192x128xf32, #tpu.memory_space<vmem>> -> memref<64x128xf32, #tpu.memory_space<vmem>>
    %dma_start3A_60 = tpu.memref_slice %arg10[%shift_right_logical3A_51, %mul3A_56] : memref<32x512xi32, #tpu.memory_space<vmem>> -> memref<1x64xi32, #tpu.memory_space<vmem>>
    %dma_start3A_61 = tpu.memref_squeeze %dma_start3A_60 : memref<1x64xi32, #tpu.memory_space<vmem>> -> memref<64xi32, #tpu.memory_space<vmem>>
    %dma_start3A_62 = arith.constant 0 : i32
    %dma_start3A_63 = arith.constant 0 : i32
    %dma_start3A_64 = tpu.memref_slice %arg2[%dma_start3A_62, %dma_start3A_63] : memref<100000x128xf32, #tpu.memory_space<hbm>> -> memref<100000x128xf32, #tpu.memory_space<hbm>>
    tpu.enqueue_indirect_dma source(%dma_start3A_64 : memref<100000x128xf32, #tpu.memory_space<hbm>>) target(%dma_start3A_59 : memref<64x128xf32, #tpu.memory_space<vmem>>) offsets(%dma_start3A_61 : memref<64xi32, #tpu.memory_space<vmem>>) semaphore(%arg20 : memref<!tpu.dma_semaphore, #tpu.memory_space<semaphore_mem>>)
    %dma_start3A_65 = arith.constant 128 : i32
    %dma_start3A_66 = arith.constant 0 : i32
    %dma_start3A_67 = tpu.memref_slice %arg14[%dma_start3A_65, %dma_start3A_66] : memref<192x128xf32, #tpu.memory_space<vmem>> -> memref<64x128xf32, #tpu.memory_space<vmem>>
    %dma_start3A_68 = tpu.memref_slice %arg10[%shift_right_logical3A_51, %mul3A_56] : memref<32x512xi32, #tpu.memory_space<vmem>> -> memref<1x64xi32, #tpu.memory_space<vmem>>
    %dma_start3A_69 = tpu.memref_squeeze %dma_start3A_68 : memref<1x64xi32, #tpu.memory_space<vmem>> -> memref<64xi32, #tpu.memory_space<vmem>>
    %dma_start3A_70 = arith.constant 0 : i32
    %dma_start3A_71 = arith.constant 0 : i32
    %dma_start3A_72 = tpu.memref_slice %arg3[%dma_start3A_70, %dma_start3A_71] : memref<100000x128xf32, #tpu.memory_space<hbm>> -> memref<100000x128xf32, #tpu.memory_space<hbm>>
    tpu.enqueue_indirect_dma source(%dma_start3A_72 : memref<100000x128xf32, #tpu.memory_space<hbm>>) target(%dma_start3A_67 : memref<64x128xf32, #tpu.memory_space<vmem>>) offsets(%dma_start3A_69 : memref<64xi32, #tpu.memory_space<vmem>>) semaphore(%arg23 : memref<!tpu.dma_semaphore, #tpu.memory_space<semaphore_mem>>)
    %scan3A = arith.constant 14.2857141 : f32
    %scan3A_73 = arith.constant 0 : i32
    %scan3A_74 = arith.constant 86 : i32
    %scan3A_75 = arith.addi %scan3A_73, %scan3A_74 : i32
    %scan3A_76 = arith.constant 1 : i32
    scf.for %scan3A_155 = %scan3A_73 to %scan3A_75 step %scan3A_76  : i32 {
      %mul3A_156 = arith.constant 3 : i32
      %mul3A_157 = arith.muli %scan3A_155, %mul3A_156 : i32
      %add3A_158 = arith.constant 0 : i32
      %add3A_159 = arith.addi %add3A_158, %mul3A_157 : i32
      %add3A_160 = arith.constant 0 : i32
      %add3A_161 = arith.addi %add3A_159, %add3A_160 : i32
      %lt3A = arith.constant 256 : i32
      %lt3A_162 = arith.cmpi slt, %add3A_161, %lt3A : i32
      %convert_element_type3A = arith.extui %lt3A_162 : i1 to i32
      %cond3A = arith.constant 0 : i32
      %cond3A_163 = arith.cmpi ne, %convert_element_type3A, %cond3A : i32
      scf.if %cond3A_163 {
        %add3A_178 = arith.constant 0 : i32
        %add3A_179 = arith.addi %add3A_159, %add3A_178 : i32
        %shift_right_logical3A_180 = arith.constant 3 : i32
        %shift_right_logical3A_181 = arith.shrui %add3A_179, %shift_right_logical3A_180 : i32
        %and3A_182 = arith.constant 7 : i32
        %and3A_183 = arith.andi %add3A_179, %and3A_182 : i32
        %dma_wait3A_184 = arith.constant 0 : i32
        %dma_wait3A_185 = arith.constant 0 : i32
        %dma_wait3A_186 = arith.constant 0 : i32
        %dma_wait3A_187 = tpu.memref_slice %arg13[%dma_wait3A_185, %dma_wait3A_186] : memref<192x128xf32, #tpu.memory_space<vmem>> -> memref<64x128xf32, #tpu.memory_space<vmem>>
        %dma_wait3A_188 = arith.constant 0 : i32
        %dma_wait3A_189 = tpu.memref_slice %arg10[%dma_wait3A_184, %dma_wait3A_188] : memref<32x512xi32, #tpu.memory_space<vmem>> -> memref<1x64xi32, #tpu.memory_space<vmem>>
        %dma_wait3A_190 = tpu.memref_squeeze %dma_wait3A_189 : memref<1x64xi32, #tpu.memory_space<vmem>> -> memref<64xi32, #tpu.memory_space<vmem>>
        %dma_wait3A_191 = arith.constant 0 : i32
        %dma_wait3A_192 = arith.constant 0 : i32
        %dma_wait3A_193 = tpu.memref_slice %arg2[%dma_wait3A_191, %dma_wait3A_192] : memref<100000x128xf32, #tpu.memory_space<hbm>> -> memref<100000x128xf32, #tpu.memory_space<hbm>>
        tpu.wait_indirect_dma semaphore(%arg18 : memref<!tpu.dma_semaphore, #tpu.memory_space<semaphore_mem>>) src(%dma_wait3A_193 : memref<100000x128xf32, #tpu.memory_space<hbm>>) dst(%dma_wait3A_187 : memref<64x128xf32, #tpu.memory_space<vmem>>)
        %dma_wait3A_194 = arith.constant 0 : i32
        %dma_wait3A_195 = arith.constant 0 : i32
        %dma_wait3A_196 = arith.constant 0 : i32
        %dma_wait3A_197 = tpu.memref_slice %arg14[%dma_wait3A_195, %dma_wait3A_196] : memref<192x128xf32, #tpu.memory_space<vmem>> -> memref<64x128xf32, #tpu.memory_space<vmem>>
        %dma_wait3A_198 = arith.constant 0 : i32
        %dma_wait3A_199 = tpu.memref_slice %arg10[%dma_wait3A_194, %dma_wait3A_198] : memref<32x512xi32, #tpu.memory_space<vmem>> -> memref<1x64xi32, #tpu.memory_space<vmem>>
        %dma_wait3A_200 = tpu.memref_squeeze %dma_wait3A_199 : memref<1x64xi32, #tpu.memory_space<vmem>> -> memref<64xi32, #tpu.memory_space<vmem>>
        %dma_wait3A_201 = arith.constant 0 : i32
        %dma_wait3A_202 = arith.constant 0 : i32
        %dma_wait3A_203 = tpu.memref_slice %arg3[%dma_wait3A_201, %dma_wait3A_202] : memref<100000x128xf32, #tpu.memory_space<hbm>> -> memref<100000x128xf32, #tpu.memory_space<hbm>>
        tpu.wait_indirect_dma semaphore(%arg21 : memref<!tpu.dma_semaphore, #tpu.memory_space<semaphore_mem>>) src(%dma_wait3A_203 : memref<100000x128xf32, #tpu.memory_space<hbm>>) dst(%dma_wait3A_197 : memref<64x128xf32, #tpu.memory_space<vmem>>)
        %eq3A = arith.constant 0 : i32
        %eq3A_204 = arith.cmpi eq, %and3A_183, %eq3A : i32
        %ge3A = arith.constant 2 : i32
        %ge3A_205 = arith.cmpi sge, %shift_right_logical3A_181, %ge3A : i32
        %and3A_206 = arith.andi %eq3A_204, %ge3A_205 : i1
        %and3A_207 = arith.constant 1 : i32
        %and3A_208 = arith.andi %shift_right_logical3A_181, %and3A_207 : i32
        %eq3A_209 = arith.constant 0 : i32
        %eq3A_210 = arith.cmpi eq, %and3A_208, %eq3A_209 : i32
        %and3A_211 = arith.andi %and3A_206, %eq3A_210 : i1
        %convert_element_type3A_212 = arith.extui %and3A_211 : i1 to i32
        %cond3A_213 = arith.constant 0 : i32
        %cond3A_214 = arith.cmpi ne, %convert_element_type3A_212, %cond3A_213 : i32
        scf.if %cond3A_214 {
          %dma_wait3A_341 = arith.constant 0 : i32
          %dma_wait3A_342 = arith.constant 0 : i32
          %dma_wait3A_343 = tpu.memref_slice %arg15[%dma_wait3A_341, %dma_wait3A_342] : memref<2x512xf32, #tpu.memory_space<vmem>> -> memref<1x512xf32, #tpu.memory_space<vmem>>
          %dma_wait3A_344 = tpu.memref_squeeze %dma_wait3A_343 : memref<1x512xf32, #tpu.memory_space<vmem>> -> memref<512xf32, #tpu.memory_space<vmem>>
          %dma_wait3A_345 = arith.constant 0 : i32
          %dma_wait3A_346 = tpu.memref_slice %arg7[%mul3A_2, %dma_wait3A_345] : memref<1024x512xf32, #tpu.memory_space<hbm>> -> memref<1x512xf32, #tpu.memory_space<hbm>>
          %dma_wait3A_347 = tpu.memref_squeeze %dma_wait3A_346 : memref<1x512xf32, #tpu.memory_space<hbm>> -> memref<512xf32, #tpu.memory_space<hbm>>
          %dma_wait3A_348 = arith.constant 0 : i32
          %dma_wait3A_349 = tpu.memref_slice %arg7[%mul3A_2, %dma_wait3A_348] : memref<1024x512xf32, #tpu.memory_space<hbm>> -> memref<1x512xf32, #tpu.memory_space<hbm>>
          %dma_wait3A_350 = tpu.memref_squeeze %dma_wait3A_349 : memref<1x512xf32, #tpu.memory_space<hbm>> -> memref<512xf32, #tpu.memory_space<hbm>>
          %dma_wait3A_351 = arith.constant 0 : i32
          %dma_wait3A_352 = tpu.memref_slice %arg15[%dma_wait3A_341, %dma_wait3A_351] : memref<2x512xf32, #tpu.memory_space<vmem>> -> memref<1x512xf32, #tpu.memory_space<vmem>>
          %dma_wait3A_353 = tpu.memref_squeeze %dma_wait3A_352 : memref<1x512xf32, #tpu.memory_space<vmem>> -> memref<512xf32, #tpu.memory_space<vmem>>
          tpu.wait_dma2 semaphore(%arg24 : memref<!tpu.dma_semaphore, #tpu.memory_space<semaphore_mem>>) src(%dma_wait3A_353 : memref<512xf32, #tpu.memory_space<vmem>>) dst(%dma_wait3A_350 : memref<512xf32, #tpu.memory_space<hbm>>)
          %dma_wait3A_354 = arith.constant 0 : i32
          %dma_wait3A_355 = arith.constant 0 : i32
          %dma_wait3A_356 = tpu.memref_slice %arg16[%dma_wait3A_354, %dma_wait3A_355] : memref<2x512xf32, #tpu.memory_space<vmem>> -> memref<1x512xf32, #tpu.memory_space<vmem>>
          %dma_wait3A_357 = tpu.memref_squeeze %dma_wait3A_356 : memref<1x512xf32, #tpu.memory_space<vmem>> -> memref<512xf32, #tpu.memory_space<vmem>>
          %dma_wait3A_358 = arith.constant 0 : i32
          %dma_wait3A_359 = tpu.memref_slice %arg8[%mul3A_2, %dma_wait3A_358] : memref<1024x512xf32, #tpu.memory_space<hbm>> -> memref<1x512xf32, #tpu.memory_space<hbm>>
          %dma_wait3A_360 = tpu.memref_squeeze %dma_wait3A_359 : memref<1x512xf32, #tpu.memory_space<hbm>> -> memref<512xf32, #tpu.memory_space<hbm>>
          %dma_wait3A_361 = arith.constant 0 : i32
          %dma_wait3A_362 = tpu.memref_slice %arg8[%mul3A_2, %dma_wait3A_361] : memref<1024x512xf32, #tpu.memory_space<hbm>> -> memref<1x512xf32, #tpu.memory_space<hbm>>
          %dma_wait3A_363 = tpu.memref_squeeze %dma_wait3A_362 : memref<1x512xf32, #tpu.memory_space<hbm>> -> memref<512xf32, #tpu.memory_space<hbm>>
          %dma_wait3A_364 = arith.constant 0 : i32
          %dma_wait3A_365 = tpu.memref_slice %arg16[%dma_wait3A_354, %dma_wait3A_364] : memref<2x512xf32, #tpu.memory_space<vmem>> -> memref<1x512xf32, #tpu.memory_space<vmem>>
          %dma_wait3A_366 = tpu.memref_squeeze %dma_wait3A_365 : memref<1x512xf32, #tpu.memory_space<vmem>> -> memref<512xf32, #tpu.memory_space<vmem>>
          tpu.wait_dma2 semaphore(%arg24 : memref<!tpu.dma_semaphore, #tpu.memory_space<semaphore_mem>>) src(%dma_wait3A_366 : memref<512xf32, #tpu.memory_space<vmem>>) dst(%dma_wait3A_363 : memref<512xf32, #tpu.memory_space<hbm>>)
          %dma_wait3A_367 = arith.constant 0 : i32
          %dma_wait3A_368 = arith.constant 0 : i32
          %dma_wait3A_369 = tpu.memref_slice %arg17[%dma_wait3A_367, %dma_wait3A_368] : memref<2x512xf32, #tpu.memory_space<vmem>> -> memref<1x512xf32, #tpu.memory_space<vmem>>
          %dma_wait3A_370 = tpu.memref_squeeze %dma_wait3A_369 : memref<1x512xf32, #tpu.memory_space<vmem>> -> memref<512xf32, #tpu.memory_space<vmem>>
          %dma_wait3A_371 = arith.constant 0 : i32
          %dma_wait3A_372 = tpu.memref_slice %arg9[%mul3A_2, %dma_wait3A_371] : memref<1024x512xf32, #tpu.memory_space<hbm>> -> memref<1x512xf32, #tpu.memory_space<hbm>>
          %dma_wait3A_373 = tpu.memref_squeeze %dma_wait3A_372 : memref<1x512xf32, #tpu.memory_space<hbm>> -> memref<512xf32, #tpu.memory_space<hbm>>
          %dma_wait3A_374 = arith.constant 0 : i32
          %dma_wait3A_375 = tpu.memref_slice %arg9[%mul3A_2, %dma_wait3A_374] : memref<1024x512xf32, #tpu.memory_space<hbm>> -> memref<1x512xf32, #tpu.memory_space<hbm>>
          %dma_wait3A_376 = tpu.memref_squeeze %dma_wait3A_375 : memref<1x512xf32, #tpu.memory_space<hbm>> -> memref<512xf32, #tpu.memory_space<hbm>>
          %dma_wait3A_377 = arith.constant 0 : i32
          %dma_wait3A_378 = tpu.memref_slice %arg17[%dma_wait3A_367, %dma_wait3A_377] : memref<2x512xf32, #tpu.memory_space<vmem>> -> memref<1x512xf32, #tpu.memory_space<vmem>>
          %dma_wait3A_379 = tpu.memref_squeeze %dma_wait3A_378 : memref<1x512xf32, #tpu.memory_space<vmem>> -> memref<512xf32, #tpu.memory_space<vmem>>
          tpu.wait_dma2 semaphore(%arg24 : memref<!tpu.dma_semaphore, #tpu.memory_space<semaphore_mem>>) src(%dma_wait3A_379 : memref<512xf32, #tpu.memory_space<vmem>>) dst(%dma_wait3A_376 : memref<512xf32, #tpu.memory_space<hbm>>)
        } else {
        }
        %eq3A_215 = arith.constant 0 : i32
        %eq3A_216 = arith.cmpi eq, %and3A_183, %eq3A_215 : i32
        %ge3A_217 = arith.constant 2 : i32
        %ge3A_218 = arith.cmpi sge, %shift_right_logical3A_181, %ge3A_217 : i32
        %and3A_219 = arith.andi %eq3A_216, %ge3A_218 : i1
        %and3A_220 = arith.constant 1 : i32
        %and3A_221 = arith.andi %shift_right_logical3A_181, %and3A_220 : i32
        %eq3A_222 = arith.constant 1 : i32
        %eq3A_223 = arith.cmpi eq, %and3A_221, %eq3A_222 : i32
        %and3A_224 = arith.andi %and3A_219, %eq3A_223 : i1
        %convert_element_type3A_225 = arith.extui %and3A_224 : i1 to i32
        %cond3A_226 = arith.constant 0 : i32
        %cond3A_227 = arith.cmpi ne, %convert_element_type3A_225, %cond3A_226 : i32
        scf.if %cond3A_227 {
          %dma_wait3A_341 = arith.constant 1 : i32
          %dma_wait3A_342 = arith.constant 0 : i32
          %dma_wait3A_343 = tpu.memref_slice %arg15[%dma_wait3A_341, %dma_wait3A_342] : memref<2x512xf32, #tpu.memory_space<vmem>> -> memref<1x512xf32, #tpu.memory_space<vmem>>
          %dma_wait3A_344 = tpu.memref_squeeze %dma_wait3A_343 : memref<1x512xf32, #tpu.memory_space<vmem>> -> memref<512xf32, #tpu.memory_space<vmem>>
          %dma_wait3A_345 = arith.constant 0 : i32
          %dma_wait3A_346 = tpu.memref_slice %arg7[%mul3A_2, %dma_wait3A_345] : memref<1024x512xf32, #tpu.memory_space<hbm>> -> memref<1x512xf32, #tpu.memory_space<hbm>>
          %dma_wait3A_347 = tpu.memref_squeeze %dma_wait3A_346 : memref<1x512xf32, #tpu.memory_space<hbm>> -> memref<512xf32, #tpu.memory_space<hbm>>
          %dma_wait3A_348 = arith.constant 0 : i32
          %dma_wait3A_349 = tpu.memref_slice %arg7[%mul3A_2, %dma_wait3A_348] : memref<1024x512xf32, #tpu.memory_space<hbm>> -> memref<1x512xf32, #tpu.memory_space<hbm>>
          %dma_wait3A_350 = tpu.memref_squeeze %dma_wait3A_349 : memref<1x512xf32, #tpu.memory_space<hbm>> -> memref<512xf32, #tpu.memory_space<hbm>>
          %dma_wait3A_351 = arith.constant 0 : i32
          %dma_wait3A_352 = tpu.memref_slice %arg15[%dma_wait3A_341, %dma_wait3A_351] : memref<2x512xf32, #tpu.memory_space<vmem>> -> memref<1x512xf32, #tpu.memory_space<vmem>>
          %dma_wait3A_353 = tpu.memref_squeeze %dma_wait3A_352 : memref<1x512xf32, #tpu.memory_space<vmem>> -> memref<512xf32, #tpu.memory_space<vmem>>
          tpu.wait_dma2 semaphore(%arg25 : memref<!tpu.dma_semaphore, #tpu.memory_space<semaphore_mem>>) src(%dma_wait3A_353 : memref<512xf32, #tpu.memory_space<vmem>>) dst(%dma_wait3A_350 : memref<512xf32, #tpu.memory_space<hbm>>)
          %dma_wait3A_354 = arith.constant 1 : i32
          %dma_wait3A_355 = arith.constant 0 : i32
          %dma_wait3A_356 = tpu.memref_slice %arg16[%dma_wait3A_354, %dma_wait3A_355] : memref<2x512xf32, #tpu.memory_space<vmem>> -> memref<1x512xf32, #tpu.memory_space<vmem>>
          %dma_wait3A_357 = tpu.memref_squeeze %dma_wait3A_356 : memref<1x512xf32, #tpu.memory_space<vmem>> -> memref<512xf32, #tpu.memory_space<vmem>>
          %dma_wait3A_358 = arith.constant 0 : i32
          %dma_wait3A_359 = tpu.memref_slice %arg8[%mul3A_2, %dma_wait3A_358] : memref<1024x512xf32, #tpu.memory_space<hbm>> -> memref<1x512xf32, #tpu.memory_space<hbm>>
          %dma_wait3A_360 = tpu.memref_squeeze %dma_wait3A_359 : memref<1x512xf32, #tpu.memory_space<hbm>> -> memref<512xf32, #tpu.memory_space<hbm>>
          %dma_wait3A_361 = arith.constant 0 : i32
          %dma_wait3A_362 = tpu.memref_slice %arg8[%mul3A_2, %dma_wait3A_361] : memref<1024x512xf32, #tpu.memory_space<hbm>> -> memref<1x512xf32, #tpu.memory_space<hbm>>
          %dma_wait3A_363 = tpu.memref_squeeze %dma_wait3A_362 : memref<1x512xf32, #tpu.memory_space<hbm>> -> memref<512xf32, #tpu.memory_space<hbm>>
          %dma_wait3A_364 = arith.constant 0 : i32
          %dma_wait3A_365 = tpu.memref_slice %arg16[%dma_wait3A_354, %dma_wait3A_364] : memref<2x512xf32, #tpu.memory_space<vmem>> -> memref<1x512xf32, #tpu.memory_space<vmem>>
          %dma_wait3A_366 = tpu.memref_squeeze %dma_wait3A_365 : memref<1x512xf32, #tpu.memory_space<vmem>> -> memref<512xf32, #tpu.memory_space<vmem>>
          tpu.wait_dma2 semaphore(%arg25 : memref<!tpu.dma_semaphore, #tpu.memory_space<semaphore_mem>>) src(%dma_wait3A_366 : memref<512xf32, #tpu.memory_space<vmem>>) dst(%dma_wait3A_363 : memref<512xf32, #tpu.memory_space<hbm>>)
          %dma_wait3A_367 = arith.constant 1 : i32
          %dma_wait3A_368 = arith.constant 0 : i32
          %dma_wait3A_369 = tpu.memref_slice %arg17[%dma_wait3A_367, %dma_wait3A_368] : memref<2x512xf32, #tpu.memory_space<vmem>> -> memref<1x512xf32, #tpu.memory_space<vmem>>
          %dma_wait3A_370 = tpu.memref_squeeze %dma_wait3A_369 : memref<1x512xf32, #tpu.memory_space<vmem>> -> memref<512xf32, #tpu.memory_space<vmem>>
          %dma_wait3A_371 = arith.constant 0 : i32
          %dma_wait3A_372 = tpu.memref_slice %arg9[%mul3A_2, %dma_wait3A_371] : memref<1024x512xf32, #tpu.memory_space<hbm>> -> memref<1x512xf32, #tpu.memory_space<hbm>>
          %dma_wait3A_373 = tpu.memref_squeeze %dma_wait3A_372 : memref<1x512xf32, #tpu.memory_space<hbm>> -> memref<512xf32, #tpu.memory_space<hbm>>
          %dma_wait3A_374 = arith.constant 0 : i32
          %dma_wait3A_375 = tpu.memref_slice %arg9[%mul3A_2, %dma_wait3A_374] : memref<1024x512xf32, #tpu.memory_space<hbm>> -> memref<1x512xf32, #tpu.memory_space<hbm>>
          %dma_wait3A_376 = tpu.memref_squeeze %dma_wait3A_375 : memref<1x512xf32, #tpu.memory_space<hbm>> -> memref<512xf32, #tpu.memory_space<hbm>>
          %dma_wait3A_377 = arith.constant 0 : i32
          %dma_wait3A_378 = tpu.memref_slice %arg17[%dma_wait3A_367, %dma_wait3A_377] : memref<2x512xf32, #tpu.memory_space<vmem>> -> memref<1x512xf32, #tpu.memory_space<vmem>>
          %dma_wait3A_379 = tpu.memref_squeeze %dma_wait3A_378 : memref<1x512xf32, #tpu.memory_space<vmem>> -> memref<512xf32, #tpu.memory_space<vmem>>
          tpu.wait_dma2 semaphore(%arg25 : memref<!tpu.dma_semaphore, #tpu.memory_space<semaphore_mem>>) src(%dma_wait3A_379 : memref<512xf32, #tpu.memory_space<vmem>>) dst(%dma_wait3A_376 : memref<512xf32, #tpu.memory_space<hbm>>)
        } else {
        }
        %add3A_228 = arith.constant 0 : i32
        %add3A_229 = vector.broadcast %add3A_228 : i32 to vector<16xi32>
        %add3A_230 = arith.addi %iota3A, %add3A_229 : vector<16xi32>
        %add3A_231 = arith.constant 16 : i32
        %add3A_232 = vector.broadcast %add3A_231 : i32 to vector<16xi32>
        %add3A_233 = arith.addi %iota3A, %add3A_232 : vector<16xi32>
        %add3A_234 = arith.constant 32 : i32
        %add3A_235 = vector.broadcast %add3A_234 : i32 to vector<16xi32>
        %add3A_236 = arith.addi %iota3A, %add3A_235 : vector<16xi32>
        %add3A_237 = arith.constant 48 : i32
        %add3A_238 = vector.broadcast %add3A_237 : i32 to vector<16xi32>
        %add3A_239 = arith.addi %iota3A, %add3A_238 : vector<16xi32>
        %add3A_240 = vector.broadcast %shift_right_logical3A_181 : i32 to vector<16xi32>
        %add3A_241 = arith.addi %broadcast_in_dim3A_3, %add3A_240 : vector<16xi32>
        %broadcast_in_dim3A_242 = arith.constant 0.000000e+00 : f32
        %broadcast_in_dim3A_243 = vector.broadcast %broadcast_in_dim3A_242 : f32 to vector<16xf32>
        %scan3A_244 = arith.constant 0 : i32
        %scan3A_245 = arith.constant 128 : i32
        %scan3A_246 = arith.addi %scan3A_244, %scan3A_245 : i32
        %scan3A_247 = arith.constant 2 : i32
        %scan3A_248:12 = scf.for %scan3A_341 = %scan3A_244 to %scan3A_246 step %scan3A_247 iter_args(%scan3A_342 = %broadcast_in_dim3A_243, %scan3A_343 = %broadcast_in_dim3A_243, %scan3A_344 = %broadcast_in_dim3A_243, %scan3A_345 = %broadcast_in_dim3A_243, %scan3A_346 = %broadcast_in_dim3A_243, %scan3A_347 = %broadcast_in_dim3A_243, %scan3A_348 = %broadcast_in_dim3A_243, %scan3A_349 = %broadcast_in_dim3A_243, %scan3A_350 = %broadcast_in_dim3A_243, %scan3A_351 = %broadcast_in_dim3A_243, %scan3A_352 = %broadcast_in_dim3A_243, %scan3A_353 = %broadcast_in_dim3A_243) -> (vector<16xf32>, vector<16xf32>, vector<16xf32>, vector<16xf32>, vector<16xf32>, vector<16xf32>, vector<16xf32>, vector<16xf32>, vector<16xf32>, vector<16xf32>, vector<16xf32>, vector<16xf32>)  : i32 {
          %and3A_354 = arith.constant -16 : i32
          %and3A_355 = arith.andi %scan3A_341, %and3A_354 : i32
          %add3A_356 = vector.broadcast %scan3A_341 : i32 to vector<16xi32>
          %add3A_357 = arith.addi %iota3A, %add3A_356 : vector<16xi32>
          %and3A_358 = arith.constant 15 : i32
          %and3A_359 = vector.broadcast %and3A_358 : i32 to vector<16xi32>
          %and3A_360 = arith.andi %add3A_357, %and3A_359 : vector<16xi32>
          %add3A_361 = vector.broadcast %and3A_355 : i32 to vector<16xi32>
          %add3A_362 = arith.addi %add3A_361, %and3A_360 : vector<16xi32>
          %gather3A = tpu.vector_load_idx %arg11[%add3A_241, %add3A_362] : memref<32x128xf32, #tpu.memory_space<vmem>>[vector<16xi32>, vector<16xi32>], vector<16xf32>,
          %gather3A_363 = tpu.vector_load_idx %arg12[%add3A_241, %add3A_362] : memref<32x128xf32, #tpu.memory_space<vmem>>[vector<16xi32>, vector<16xi32>], vector<16xf32>,
          %gather3A_364 = tpu.vector_load_idx %arg13[%add3A_230, %add3A_362] : memref<192x128xf32, #tpu.memory_space<vmem>>[vector<16xi32>, vector<16xi32>], vector<16xf32>,
          %gather3A_365 = tpu.vector_load_idx %arg14[%add3A_230, %add3A_362] : memref<192x128xf32, #tpu.memory_space<vmem>>[vector<16xi32>, vector<16xi32>], vector<16xf32>,
          %mul3A_366 = arith.mulf %gather3A_364, %gather3A_363 : vector<16xf32>
          %add3A_367 = arith.addf %scan3A_342, %mul3A_366 : vector<16xf32>
          %mul3A_368 = arith.mulf %gather3A_364, %gather3A : vector<16xf32>
          %add3A_369 = arith.addf %scan3A_343, %mul3A_368 : vector<16xf32>
          %mul3A_370 = arith.mulf %gather3A_365, %gather3A : vector<16xf32>
          %add3A_371 = arith.addf %scan3A_344, %mul3A_370 : vector<16xf32>
          %gather3A_372 = tpu.vector_load_idx %arg13[%add3A_233, %add3A_362] : memref<192x128xf32, #tpu.memory_space<vmem>>[vector<16xi32>, vector<16xi32>], vector<16xf32>,
          %gather3A_373 = tpu.vector_load_idx %arg14[%add3A_233, %add3A_362] : memref<192x128xf32, #tpu.memory_space<vmem>>[vector<16xi32>, vector<16xi32>], vector<16xf32>,
          %mul3A_374 = arith.mulf %gather3A_372, %gather3A_363 : vector<16xf32>
          %add3A_375 = arith.addf %scan3A_345, %mul3A_374 : vector<16xf32>
          %mul3A_376 = arith.mulf %gather3A_372, %gather3A : vector<16xf32>
          %add3A_377 = arith.addf %scan3A_346, %mul3A_376 : vector<16xf32>
          %mul3A_378 = arith.mulf %gather3A_373, %gather3A : vector<16xf32>
          %add3A_379 = arith.addf %scan3A_347, %mul3A_378 : vector<16xf32>
          %gather3A_380 = tpu.vector_load_idx %arg13[%add3A_236, %add3A_362] : memref<192x128xf32, #tpu.memory_space<vmem>>[vector<16xi32>, vector<16xi32>], vector<16xf32>,
          %gather3A_381 = tpu.vector_load_idx %arg14[%add3A_236, %add3A_362] : memref<192x128xf32, #tpu.memory_space<vmem>>[vector<16xi32>, vector<16xi32>], vector<16xf32>,
          %mul3A_382 = arith.mulf %gather3A_380, %gather3A_363 : vector<16xf32>
          %add3A_383 = arith.addf %scan3A_348, %mul3A_382 : vector<16xf32>
          %mul3A_384 = arith.mulf %gather3A_380, %gather3A : vector<16xf32>
          %add3A_385 = arith.addf %scan3A_349, %mul3A_384 : vector<16xf32>
          %mul3A_386 = arith.mulf %gather3A_381, %gather3A : vector<16xf32>
          %add3A_387 = arith.addf %scan3A_350, %mul3A_386 : vector<16xf32>
          %gather3A_388 = tpu.vector_load_idx %arg13[%add3A_239, %add3A_362] : memref<192x128xf32, #tpu.memory_space<vmem>>[vector<16xi32>, vector<16xi32>], vector<16xf32>,
          %gather3A_389 = tpu.vector_load_idx %arg14[%add3A_239, %add3A_362] : memref<192x128xf32, #tpu.memory_space<vmem>>[vector<16xi32>, vector<16xi32>], vector<16xf32>,
          %mul3A_390 = arith.mulf %gather3A_388, %gather3A_363 : vector<16xf32>
          %add3A_391 = arith.addf %scan3A_351, %mul3A_390 : vector<16xf32>
          %mul3A_392 = arith.mulf %gather3A_388, %gather3A : vector<16xf32>
          %add3A_393 = arith.addf %scan3A_352, %mul3A_392 : vector<16xf32>
          %mul3A_394 = arith.mulf %gather3A_389, %gather3A : vector<16xf32>
          %add3A_395 = arith.addf %scan3A_353, %mul3A_394 : vector<16xf32>
          %scan3A_396 = arith.constant 1 : i32
          %scan3A_397 = arith.addi %scan3A_341, %scan3A_396 : i32
          %and3A_398 = arith.constant -16 : i32
          %and3A_399 = arith.andi %scan3A_397, %and3A_398 : i32
          %add3A_400 = vector.broadcast %scan3A_397 : i32 to vector<16xi32>
          %add3A_401 = arith.addi %iota3A, %add3A_400 : vector<16xi32>
          %and3A_402 = arith.constant 15 : i32
          %and3A_403 = vector.broadcast %and3A_402 : i32 to vector<16xi32>
          %and3A_404 = arith.andi %add3A_401, %and3A_403 : vector<16xi32>
          %add3A_405 = vector.broadcast %and3A_399 : i32 to vector<16xi32>
          %add3A_406 = arith.addi %add3A_405, %and3A_404 : vector<16xi32>
          %gather3A_407 = tpu.vector_load_idx %arg11[%add3A_241, %add3A_406] : memref<32x128xf32, #tpu.memory_space<vmem>>[vector<16xi32>, vector<16xi32>], vector<16xf32>,
          %gather3A_408 = tpu.vector_load_idx %arg12[%add3A_241, %add3A_406] : memref<32x128xf32, #tpu.memory_space<vmem>>[vector<16xi32>, vector<16xi32>], vector<16xf32>,
          %gather3A_409 = tpu.vector_load_idx %arg13[%add3A_230, %add3A_406] : memref<192x128xf32, #tpu.memory_space<vmem>>[vector<16xi32>, vector<16xi32>], vector<16xf32>,
          %gather3A_410 = tpu.vector_load_idx %arg14[%add3A_230, %add3A_406] : memref<192x128xf32, #tpu.memory_space<vmem>>[vector<16xi32>, vector<16xi32>], vector<16xf32>,
          %mul3A_411 = arith.mulf %gather3A_409, %gather3A_408 : vector<16xf32>
          %add3A_412 = arith.addf %add3A_367, %mul3A_411 : vector<16xf32>
          %mul3A_413 = arith.mulf %gather3A_409, %gather3A_407 : vector<16xf32>
          %add3A_414 = arith.addf %add3A_369, %mul3A_413 : vector<16xf32>
          %mul3A_415 = arith.mulf %gather3A_410, %gather3A_407 : vector<16xf32>
          %add3A_416 = arith.addf %add3A_371, %mul3A_415 : vector<16xf32>
          %gather3A_417 = tpu.vector_load_idx %arg13[%add3A_233, %add3A_406] : memref<192x128xf32, #tpu.memory_space<vmem>>[vector<16xi32>, vector<16xi32>], vector<16xf32>,
          %gather3A_418 = tpu.vector_load_idx %arg14[%add3A_233, %add3A_406] : memref<192x128xf32, #tpu.memory_space<vmem>>[vector<16xi32>, vector<16xi32>], vector<16xf32>,
          %mul3A_419 = arith.mulf %gather3A_417, %gather3A_408 : vector<16xf32>
          %add3A_420 = arith.addf %add3A_375, %mul3A_419 : vector<16xf32>
          %mul3A_421 = arith.mulf %gather3A_417, %gather3A_407 : vector<16xf32>
          %add3A_422 = arith.addf %add3A_377, %mul3A_421 : vector<16xf32>
          %mul3A_423 = arith.mulf %gather3A_418, %gather3A_407 : vector<16xf32>
          %add3A_424 = arith.addf %add3A_379, %mul3A_423 : vector<16xf32>
          %gather3A_425 = tpu.vector_load_idx %arg13[%add3A_236, %add3A_406] : memref<192x128xf32, #tpu.memory_space<vmem>>[vector<16xi32>, vector<16xi32>], vector<16xf32>,
          %gather3A_426 = tpu.vector_load_idx %arg14[%add3A_236, %add3A_406] : memref<192x128xf32, #tpu.memory_space<vmem>>[vector<16xi32>, vector<16xi32>], vector<16xf32>,
          %mul3A_427 = arith.mulf %gather3A_425, %gather3A_408 : vector<16xf32>
          %add3A_428 = arith.addf %add3A_383, %mul3A_427 : vector<16xf32>
          %mul3A_429 = arith.mulf %gather3A_425, %gather3A_407 : vector<16xf32>
          %add3A_430 = arith.addf %add3A_385, %mul3A_429 : vector<16xf32>
          %mul3A_431 = arith.mulf %gather3A_426, %gather3A_407 : vector<16xf32>
          %add3A_432 = arith.addf %add3A_387, %mul3A_431 : vector<16xf32>
          %gather3A_433 = tpu.vector_load_idx %arg13[%add3A_239, %add3A_406] : memref<192x128xf32, #tpu.memory_space<vmem>>[vector<16xi32>, vector<16xi32>], vector<16xf32>,
          %gather3A_434 = tpu.vector_load_idx %arg14[%add3A_239, %add3A_406] : memref<192x128xf32, #tpu.memory_space<vmem>>[vector<16xi32>, vector<16xi32>], vector<16xf32>,
          %mul3A_435 = arith.mulf %gather3A_433, %gather3A_408 : vector<16xf32>
          %add3A_436 = arith.addf %add3A_391, %mul3A_435 : vector<16xf32>
          %mul3A_437 = arith.mulf %gather3A_433, %gather3A_407 : vector<16xf32>
          %add3A_438 = arith.addf %add3A_393, %mul3A_437 : vector<16xf32>
          %mul3A_439 = arith.mulf %gather3A_434, %gather3A_407 : vector<16xf32>
          %add3A_440 = arith.addf %add3A_395, %mul3A_439 : vector<16xf32>
          scf.yield %add3A_412, %add3A_414, %add3A_416, %add3A_420, %add3A_422, %add3A_424, %add3A_428, %add3A_430, %add3A_432, %add3A_436, %add3A_438, %add3A_440 : vector<16xf32>, vector<16xf32>, vector<16xf32>, vector<16xf32>, vector<16xf32>, vector<16xf32>, vector<16xf32>, vector<16xf32>, vector<16xf32>, vector<16xf32>, vector<16xf32>, vector<16xf32>
        }
        %scan3A_249 = arith.constant 128 : i32
        %and3A_250 = arith.constant 1 : i32
        %and3A_251 = arith.andi %shift_right_logical3A_181, %and3A_250 : i32
        %mul3A_252 = arith.constant 64 : i32
        %mul3A_253 = arith.muli %and3A_183, %mul3A_252 : i32
        %add3A_254 = arith.constant 0 : i32
        %add3A_255 = arith.addi %mul3A_253, %add3A_254 : i32
        %mul3A_256 = vector.broadcast %scan3A : f32 to vector<16xf32>
        %mul3A_257 = arith.mulf %scan3A_248#0, %mul3A_256 : vector<16xf32>
        %swap3A = arith.index_cast %and3A_251 : i32 to index
        %swap3A_258 = arith.index_cast %add3A_255 : i32 to index
        %swap3A_259 = tpu.vector_load %arg15[%swap3A, %swap3A_258] {strides = array<i32>} : memref<2x512xf32, #tpu.memory_space<vmem>>, vector<16xf32>,
        tpu.vector_store %arg15[%swap3A, %swap3A_258], %mul3A_257 {strides = array<i32>} : memref<2x512xf32, #tpu.memory_space<vmem>>, vector<16xf32>,
        %mul3A_260 = vector.broadcast %scan3A : f32 to vector<16xf32>
        %mul3A_261 = arith.mulf %scan3A_248#1, %mul3A_260 : vector<16xf32>
        %swap3A_262 = arith.index_cast %and3A_251 : i32 to index
        %swap3A_263 = arith.index_cast %add3A_255 : i32 to index
        %swap3A_264 = tpu.vector_load %arg16[%swap3A_262, %swap3A_263] {strides = array<i32>} : memref<2x512xf32, #tpu.memory_space<vmem>>, vector<16xf32>,
        tpu.vector_store %arg16[%swap3A_262, %swap3A_263], %mul3A_261 {strides = array<i32>} : memref<2x512xf32, #tpu.memory_space<vmem>>, vector<16xf32>,
        %mul3A_265 = vector.broadcast %scan3A : f32 to vector<16xf32>
        %mul3A_266 = arith.mulf %scan3A_248#2, %mul3A_265 : vector<16xf32>
        %swap3A_267 = arith.index_cast %and3A_251 : i32 to index
        %swap3A_268 = arith.index_cast %add3A_255 : i32 to index
        %swap3A_269 = tpu.vector_load %arg17[%swap3A_267, %swap3A_268] {strides = array<i32>} : memref<2x512xf32, #tpu.memory_space<vmem>>, vector<16xf32>,
        tpu.vector_store %arg17[%swap3A_267, %swap3A_268], %mul3A_266 {strides = array<i32>} : memref<2x512xf32, #tpu.memory_space<vmem>>, vector<16xf32>,
        %mul3A_270 = arith.constant 64 : i32
        %mul3A_271 = arith.muli %and3A_183, %mul3A_270 : i32
        %add3A_272 = arith.constant 16 : i32
        %add3A_273 = arith.addi %mul3A_271, %add3A_272 : i32
        %mul3A_274 = vector.broadcast %scan3A : f32 to vector<16xf32>
        %mul3A_275 = arith.mulf %scan3A_248#3, %mul3A_274 : vector<16xf32>
        %swap3A_276 = arith.index_cast %and3A_251 : i32 to index
        %swap3A_277 = arith.index_cast %add3A_273 : i32 to index
        %swap3A_278 = tpu.vector_load %arg15[%swap3A_276, %swap3A_277] {strides = array<i32>} : memref<2x512xf32, #tpu.memory_space<vmem>>, vector<16xf32>,
        tpu.vector_store %arg15[%swap3A_276, %swap3A_277], %mul3A_275 {strides = array<i32>} : memref<2x512xf32, #tpu.memory_space<vmem>>, vector<16xf32>,
        %mul3A_279 = vector.broadcast %scan3A : f32 to vector<16xf32>
        %mul3A_280 = arith.mulf %scan3A_248#4, %mul3A_279 : vector<16xf32>
        %swap3A_281 = arith.index_cast %and3A_251 : i32 to index
        %swap3A_282 = arith.index_cast %add3A_273 : i32 to index
        %swap3A_283 = tpu.vector_load %arg16[%swap3A_281, %swap3A_282] {strides = array<i32>} : memref<2x512xf32, #tpu.memory_space<vmem>>, vector<16xf32>,
        tpu.vector_store %arg16[%swap3A_281, %swap3A_282], %mul3A_280 {strides = array<i32>} : memref<2x512xf32, #tpu.memory_space<vmem>>, vector<16xf32>,
        %mul3A_284 = vector.broadcast %scan3A : f32 to vector<16xf32>
        %mul3A_285 = arith.mulf %scan3A_248#5, %mul3A_284 : vector<16xf32>
        %swap3A_286 = arith.index_cast %and3A_251 : i32 to index
        %swap3A_287 = arith.index_cast %add3A_273 : i32 to index
        %swap3A_288 = tpu.vector_load %arg17[%swap3A_286, %swap3A_287] {strides = array<i32>} : memref<2x512xf32, #tpu.memory_space<vmem>>, vector<16xf32>,
        tpu.vector_store %arg17[%swap3A_286, %swap3A_287], %mul3A_285 {strides = array<i32>} : memref<2x512xf32, #tpu.memory_space<vmem>>, vector<16xf32>,
        %mul3A_289 = arith.constant 64 : i32
        %mul3A_290 = arith.muli %and3A_183, %mul3A_289 : i32
        %add3A_291 = arith.constant 32 : i32
        %add3A_292 = arith.addi %mul3A_290, %add3A_291 : i32
        %mul3A_293 = vector.broadcast %scan3A : f32 to vector<16xf32>
        %mul3A_294 = arith.mulf %scan3A_248#6, %mul3A_293 : vector<16xf32>
        %swap3A_295 = arith.index_cast %and3A_251 : i32 to index
        %swap3A_296 = arith.index_cast %add3A_292 : i32 to index
        %swap3A_297 = tpu.vector_load %arg15[%swap3A_295, %swap3A_296] {strides = array<i32>} : memref<2x512xf32, #tpu.memory_space<vmem>>, vector<16xf32>,
        tpu.vector_store %arg15[%swap3A_295, %swap3A_296], %mul3A_294 {strides = array<i32>} : memref<2x512xf32, #tpu.memory_space<vmem>>, vector<16xf32>,
        %mul3A_298 = vector.broadcast %scan3A : f32 to vector<16xf32>
        %mul3A_299 = arith.mulf %scan3A_248#7, %mul3A_298 : vector<16xf32>
        %swap3A_300 = arith.index_cast %and3A_251 : i32 to index
        %swap3A_301 = arith.index_cast %add3A_292 : i32 to index
        %swap3A_302 = tpu.vector_load %arg16[%swap3A_300, %swap3A_301] {strides = array<i32>} : memref<2x512xf32, #tpu.memory_space<vmem>>, vector<16xf32>,
        tpu.vector_store %arg16[%swap3A_300, %swap3A_301], %mul3A_299 {strides = array<i32>} : memref<2x512xf32, #tpu.memory_space<vmem>>, vector<16xf32>,
        %mul3A_303 = vector.broadcast %scan3A : f32 to vector<16xf32>
        %mul3A_304 = arith.mulf %scan3A_248#8, %mul3A_303 : vector<16xf32>
        %swap3A_305 = arith.index_cast %and3A_251 : i32 to index
        %swap3A_306 = arith.index_cast %add3A_292 : i32 to index
        %swap3A_307 = tpu.vector_load %arg17[%swap3A_305, %swap3A_306] {strides = array<i32>} : memref<2x512xf32, #tpu.memory_space<vmem>>, vector<16xf32>,
        tpu.vector_store %arg17[%swap3A_305, %swap3A_306], %mul3A_304 {strides = array<i32>} : memref<2x512xf32, #tpu.memory_space<vmem>>, vector<16xf32>,
        %mul3A_308 = arith.constant 64 : i32
        %mul3A_309 = arith.muli %and3A_183, %mul3A_308 : i32
        %add3A_310 = arith.constant 48 : i32
        %add3A_311 = arith.addi %mul3A_309, %add3A_310 : i32
        %mul3A_312 = vector.broadcast %scan3A : f32 to vector<16xf32>
        %mul3A_313 = arith.mulf %scan3A_248#9, %mul3A_312 : vector<16xf32>
        %swap3A_314 = arith.index_cast %and3A_251 : i32 to index
        %swap3A_315 = arith.index_cast %add3A_311 : i32 to index
        %swap3A_316 = tpu.vector_load %arg15[%swap3A_314, %swap3A_315] {strides = array<i32>} : memref<2x512xf32, #tpu.memory_space<vmem>>, vector<16xf32>,
        tpu.vector_store %arg15[%swap3A_314, %swap3A_315], %mul3A_313 {strides = array<i32>} : memref<2x512xf32, #tpu.memory_space<vmem>>, vector<16xf32>,
        %mul3A_317 = vector.broadcast %scan3A : f32 to vector<16xf32>
        %mul3A_318 = arith.mulf %scan3A_248#10, %mul3A_317 : vector<16xf32>
        %swap3A_319 = arith.index_cast %and3A_251 : i32 to index
        %swap3A_320 = arith.index_cast %add3A_311 : i32 to index
        %swap3A_321 = tpu.vector_load %arg16[%swap3A_319, %swap3A_320] {strides = array<i32>} : memref<2x512xf32, #tpu.memory_space<vmem>>, vector<16xf32>,
        tpu.vector_store %arg16[%swap3A_319, %swap3A_320], %mul3A_318 {strides = array<i32>} : memref<2x512xf32, #tpu.memory_space<vmem>>, vector<16xf32>,
        %mul3A_322 = vector.broadcast %scan3A : f32 to vector<16xf32>
        %mul3A_323 = arith.mulf %scan3A_248#11, %mul3A_322 : vector<16xf32>
        %swap3A_324 = arith.index_cast %and3A_251 : i32 to index
        %swap3A_325 = arith.index_cast %add3A_311 : i32 to index
        %swap3A_326 = tpu.vector_load %arg17[%swap3A_324, %swap3A_325] {strides = array<i32>} : memref<2x512xf32, #tpu.memory_space<vmem>>, vector<16xf32>,
        tpu.vector_store %arg17[%swap3A_324, %swap3A_325], %mul3A_323 {strides = array<i32>} : memref<2x512xf32, #tpu.memory_space<vmem>>, vector<16xf32>,
        %add3A_327 = arith.constant 0 : i32
        %add3A_328 = arith.addi %add3A_159, %add3A_327 : i32
        %add3A_329 = arith.constant 3 : i32
        %add3A_330 = arith.addi %add3A_328, %add3A_329 : i32
        %lt3A_331 = arith.constant 256 : i32
        %lt3A_332 = arith.cmpi slt, %add3A_330, %lt3A_331 : i32
        %convert_element_type3A_333 = arith.extui %lt3A_332 : i1 to i32
        %cond3A_334 = arith.constant 0 : i32
        %cond3A_335 = arith.cmpi ne, %convert_element_type3A_333, %cond3A_334 : i32
        scf.if %cond3A_335 {
          %add3A_341 = arith.constant 0 : i32
          %add3A_342 = arith.addi %add3A_159, %add3A_341 : i32
          %add3A_343 = arith.constant 3 : i32
          %add3A_344 = arith.addi %add3A_342, %add3A_343 : i32
          %shift_right_logical3A_345 = arith.constant 3 : i32
          %shift_right_logical3A_346 = arith.shrui %add3A_344, %shift_right_logical3A_345 : i32
          %and3A_347 = arith.constant 7 : i32
          %and3A_348 = arith.andi %add3A_344, %and3A_347 : i32
          %mul3A_349 = arith.constant 64 : i32
          %mul3A_350 = arith.muli %and3A_348, %mul3A_349 : i32
          %dma_start3A_351 = arith.constant 0 : i32
          %dma_start3A_352 = arith.constant 0 : i32
          %dma_start3A_353 = tpu.memref_slice %arg13[%dma_start3A_351, %dma_start3A_352] : memref<192x128xf32, #tpu.memory_space<vmem>> -> memref<64x128xf32, #tpu.memory_space<vmem>>
          %dma_start3A_354 = tpu.memref_slice %arg10[%shift_right_logical3A_346, %mul3A_350] : memref<32x512xi32, #tpu.memory_space<vmem>> -> memref<1x64xi32, #tpu.memory_space<vmem>>
          %dma_start3A_355 = tpu.memref_squeeze %dma_start3A_354 : memref<1x64xi32, #tpu.memory_space<vmem>> -> memref<64xi32, #tpu.memory_space<vmem>>
          %dma_start3A_356 = arith.constant 0 : i32
          %dma_start3A_357 = arith.constant 0 : i32
          %dma_start3A_358 = tpu.memref_slice %arg2[%dma_start3A_356, %dma_start3A_357] : memref<100000x128xf32, #tpu.memory_space<hbm>> -> memref<100000x128xf32, #tpu.memory_space<hbm>>
          tpu.enqueue_indirect_dma source(%dma_start3A_358 : memref<100000x128xf32, #tpu.memory_space<hbm>>) target(%dma_start3A_353 : memref<64x128xf32, #tpu.memory_space<vmem>>) offsets(%dma_start3A_355 : memref<64xi32, #tpu.memory_space<vmem>>) semaphore(%arg18 : memref<!tpu.dma_semaphore, #tpu.memory_space<semaphore_mem>>)
          %dma_start3A_359 = arith.constant 0 : i32
          %dma_start3A_360 = arith.constant 0 : i32
          %dma_start3A_361 = tpu.memref_slice %arg14[%dma_start3A_359, %dma_start3A_360] : memref<192x128xf32, #tpu.memory_space<vmem>> -> memref<64x128xf32, #tpu.memory_space<vmem>>
          %dma_start3A_362 = tpu.memref_slice %arg10[%shift_right_logical3A_346, %mul3A_350] : memref<32x512xi32, #tpu.memory_space<vmem>> -> memref<1x64xi32, #tpu.memory_space<vmem>>
          %dma_start3A_363 = tpu.memref_squeeze %dma_start3A_362 : memref<1x64xi32, #tpu.memory_space<vmem>> -> memref<64xi32, #tpu.memory_space<vmem>>
          %dma_start3A_364 = arith.constant 0 : i32
          %dma_start3A_365 = arith.constant 0 : i32
          %dma_start3A_366 = tpu.memref_slice %arg3[%dma_start3A_364, %dma_start3A_365] : memref<100000x128xf32, #tpu.memory_space<hbm>> -> memref<100000x128xf32, #tpu.memory_space<hbm>>
          tpu.enqueue_indirect_dma source(%dma_start3A_366 : memref<100000x128xf32, #tpu.memory_space<hbm>>) target(%dma_start3A_361 : memref<64x128xf32, #tpu.memory_space<vmem>>) offsets(%dma_start3A_363 : memref<64xi32, #tpu.memory_space<vmem>>) semaphore(%arg21 : memref<!tpu.dma_semaphore, #tpu.memory_space<semaphore_mem>>)
        } else {
        }
        %eq3A_336 = arith.constant 7 : i32
        %eq3A_337 = arith.cmpi eq, %and3A_183, %eq3A_336 : i32
        %convert_element_type3A_338 = arith.extui %eq3A_337 : i1 to i32
        %cond3A_339 = arith.constant 0 : i32
        %cond3A_340 = arith.cmpi ne, %convert_element_type3A_338, %cond3A_339 : i32
        scf.if %cond3A_340 {
          %and3A_341 = arith.constant 1 : i32
          %and3A_342 = arith.andi %shift_right_logical3A_181, %and3A_341 : i32
          %eq3A_343 = arith.constant 0 : i32
          %eq3A_344 = arith.cmpi eq, %and3A_342, %eq3A_343 : i32
          %convert_element_type3A_345 = arith.extui %eq3A_344 : i1 to i32
          %cond3A_346 = arith.constant 0 : i32
          %cond3A_347 = arith.cmpi ne, %convert_element_type3A_345, %cond3A_346 : i32
          scf.if %cond3A_347 {
            %add3A_355 = arith.addi %mul3A_2, %shift_right_logical3A_181 : i32
            %dma_start3A_356 = arith.constant 0 : i32
            %dma_start3A_357 = arith.constant 0 : i32
            %dma_start3A_358 = tpu.memref_slice %arg15[%dma_start3A_356, %dma_start3A_357] : memref<2x512xf32, #tpu.memory_space<vmem>> -> memref<1x512xf32, #tpu.memory_space<vmem>>
            %dma_start3A_359 = tpu.memref_squeeze %dma_start3A_358 : memref<1x512xf32, #tpu.memory_space<vmem>> -> memref<512xf32, #tpu.memory_space<vmem>>
            %dma_start3A_360 = arith.constant 0 : i32
            %dma_start3A_361 = tpu.memref_slice %arg7[%add3A_355, %dma_start3A_360] : memref<1024x512xf32, #tpu.memory_space<hbm>> -> memref<1x512xf32, #tpu.memory_space<hbm>>
            %dma_start3A_362 = tpu.memref_squeeze %dma_start3A_361 : memref<1x512xf32, #tpu.memory_space<hbm>> -> memref<512xf32, #tpu.memory_space<hbm>>
            %dma_start3A_363 = arith.constant 0 : i32
            %dma_start3A_364 = tpu.memref_slice %arg7[%add3A_355, %dma_start3A_363] : memref<1024x512xf32, #tpu.memory_space<hbm>> -> memref<1x512xf32, #tpu.memory_space<hbm>>
            %dma_start3A_365 = tpu.memref_squeeze %dma_start3A_364 : memref<1x512xf32, #tpu.memory_space<hbm>> -> memref<512xf32, #tpu.memory_space<hbm>>
            %dma_start3A_366 = arith.constant 0 : i32
            %dma_start3A_367 = tpu.memref_slice %arg15[%dma_start3A_356, %dma_start3A_366] : memref<2x512xf32, #tpu.memory_space<vmem>> -> memref<1x512xf32, #tpu.memory_space<vmem>>
            %dma_start3A_368 = tpu.memref_squeeze %dma_start3A_367 : memref<1x512xf32, #tpu.memory_space<vmem>> -> memref<512xf32, #tpu.memory_space<vmem>>
            tpu.enqueue_dma source(%dma_start3A_368 : memref<512xf32, #tpu.memory_space<vmem>>) target(%dma_start3A_365 : memref<512xf32, #tpu.memory_space<hbm>>) target_semaphore(%arg24 : memref<!tpu.dma_semaphore, #tpu.memory_space<semaphore_mem>>)
            %add3A_369 = arith.addi %mul3A_2, %shift_right_logical3A_181 : i32
            %dma_start3A_370 = arith.constant 0 : i32
            %dma_start3A_371 = arith.constant 0 : i32
            %dma_start3A_372 = tpu.memref_slice %arg16[%dma_start3A_370, %dma_start3A_371] : memref<2x512xf32, #tpu.memory_space<vmem>> -> memref<1x512xf32, #tpu.memory_space<vmem>>
            %dma_start3A_373 = tpu.memref_squeeze %dma_start3A_372 : memref<1x512xf32, #tpu.memory_space<vmem>> -> memref<512xf32, #tpu.memory_space<vmem>>
            %dma_start3A_374 = arith.constant 0 : i32
            %dma_start3A_375 = tpu.memref_slice %arg8[%add3A_369, %dma_start3A_374] : memref<1024x512xf32, #tpu.memory_space<hbm>> -> memref<1x512xf32, #tpu.memory_space<hbm>>
            %dma_start3A_376 = tpu.memref_squeeze %dma_start3A_375 : memref<1x512xf32, #tpu.memory_space<hbm>> -> memref<512xf32, #tpu.memory_space<hbm>>
            %dma_start3A_377 = arith.constant 0 : i32
            %dma_start3A_378 = tpu.memref_slice %arg8[%add3A_369, %dma_start3A_377] : memref<1024x512xf32, #tpu.memory_space<hbm>> -> memref<1x512xf32, #tpu.memory_space<hbm>>
            %dma_start3A_379 = tpu.memref_squeeze %dma_start3A_378 : memref<1x512xf32, #tpu.memory_space<hbm>> -> memref<512xf32, #tpu.memory_space<hbm>>
            %dma_start3A_380 = arith.constant 0 : i32
            %dma_start3A_381 = tpu.memref_slice %arg16[%dma_start3A_370, %dma_start3A_380] : memref<2x512xf32, #tpu.memory_space<vmem>> -> memref<1x512xf32, #tpu.memory_space<vmem>>
            %dma_start3A_382 = tpu.memref_squeeze %dma_start3A_381 : memref<1x512xf32, #tpu.memory_space<vmem>> -> memref<512xf32, #tpu.memory_space<vmem>>
            tpu.enqueue_dma source(%dma_start3A_382 : memref<512xf32, #tpu.memory_space<vmem>>) target(%dma_start3A_379 : memref<512xf32, #tpu.memory_space<hbm>>) target_semaphore(%arg24 : memref<!tpu.dma_semaphore, #tpu.memory_space<semaphore_mem>>)
            %add3A_383 = arith.addi %mul3A_2, %shift_right_logical3A_181 : i32
            %dma_start3A_384 = arith.constant 0 : i32
            %dma_start3A_385 = arith.constant 0 : i32
            %dma_start3A_386 = tpu.memref_slice %arg17[%dma_start3A_384, %dma_start3A_385] : memref<2x512xf32, #tpu.memory_space<vmem>> -> memref<1x512xf32, #tpu.memory_space<vmem>>
            %dma_start3A_387 = tpu.memref_squeeze %dma_start3A_386 : memref<1x512xf32, #tpu.memory_space<vmem>> -> memref<512xf32, #tpu.memory_space<vmem>>
            %dma_start3A_388 = arith.constant 0 : i32
            %dma_start3A_389 = tpu.memref_slice %arg9[%add3A_383, %dma_start3A_388] : memref<1024x512xf32, #tpu.memory_space<hbm>> -> memref<1x512xf32, #tpu.memory_space<hbm>>
            %dma_start3A_390 = tpu.memref_squeeze %dma_start3A_389 : memref<1x512xf32, #tpu.memory_space<hbm>> -> memref<512xf32, #tpu.memory_space<hbm>>
            %dma_start3A_391 = arith.constant 0 : i32
            %dma_start3A_392 = tpu.memref_slice %arg9[%add3A_383, %dma_start3A_391] : memref<1024x512xf32, #tpu.memory_space<hbm>> -> memref<1x512xf32, #tpu.memory_space<hbm>>
            %dma_start3A_393 = tpu.memref_squeeze %dma_start3A_392 : memref<1x512xf32, #tpu.memory_space<hbm>> -> memref<512xf32, #tpu.memory_space<hbm>>
            %dma_start3A_394 = arith.constant 0 : i32
            %dma_start3A_395 = tpu.memref_slice %arg17[%dma_start3A_384, %dma_start3A_394] : memref<2x512xf32, #tpu.memory_space<vmem>> -> memref<1x512xf32, #tpu.memory_space<vmem>>
            %dma_start3A_396 = tpu.memref_squeeze %dma_start3A_395 : memref<1x512xf32, #tpu.memory_space<vmem>> -> memref<512xf32, #tpu.memory_space<vmem>>
            tpu.enqueue_dma source(%dma_start3A_396 : memref<512xf32, #tpu.memory_space<vmem>>) target(%dma_start3A_393 : memref<512xf32, #tpu.memory_space<hbm>>) target_semaphore(%arg24 : memref<!tpu.dma_semaphore, #tpu.memory_space<semaphore_mem>>)
          } else {
          }
          %and3A_348 = arith.constant 1 : i32
          %and3A_349 = arith.andi %shift_right_logical3A_181, %and3A_348 : i32
          %eq3A_350 = arith.constant 1 : i32
          %eq3A_351 = arith.cmpi eq, %and3A_349, %eq3A_350 : i32
          %convert_element_type3A_352 = arith.extui %eq3A_351 : i1 to i32
          %cond3A_353 = arith.constant 0 : i32
          %cond3A_354 = arith.cmpi ne, %convert_element_type3A_352, %cond3A_353 : i32
          scf.if %cond3A_354 {
            %add3A_355 = arith.addi %mul3A_2, %shift_right_logical3A_181 : i32
            %dma_start3A_356 = arith.constant 1 : i32
            %dma_start3A_357 = arith.constant 0 : i32
            %dma_start3A_358 = tpu.memref_slice %arg15[%dma_start3A_356, %dma_start3A_357] : memref<2x512xf32, #tpu.memory_space<vmem>> -> memref<1x512xf32, #tpu.memory_space<vmem>>
            %dma_start3A_359 = tpu.memref_squeeze %dma_start3A_358 : memref<1x512xf32, #tpu.memory_space<vmem>> -> memref<512xf32, #tpu.memory_space<vmem>>
            %dma_start3A_360 = arith.constant 0 : i32
            %dma_start3A_361 = tpu.memref_slice %arg7[%add3A_355, %dma_start3A_360] : memref<1024x512xf32, #tpu.memory_space<hbm>> -> memref<1x512xf32, #tpu.memory_space<hbm>>
            %dma_start3A_362 = tpu.memref_squeeze %dma_start3A_361 : memref<1x512xf32, #tpu.memory_space<hbm>> -> memref<512xf32, #tpu.memory_space<hbm>>
            %dma_start3A_363 = arith.constant 0 : i32
            %dma_start3A_364 = tpu.memref_slice %arg7[%add3A_355, %dma_start3A_363] : memref<1024x512xf32, #tpu.memory_space<hbm>> -> memref<1x512xf32, #tpu.memory_space<hbm>>
            %dma_start3A_365 = tpu.memref_squeeze %dma_start3A_364 : memref<1x512xf32, #tpu.memory_space<hbm>> -> memref<512xf32, #tpu.memory_space<hbm>>
            %dma_start3A_366 = arith.constant 0 : i32
            %dma_start3A_367 = tpu.memref_slice %arg15[%dma_start3A_356, %dma_start3A_366] : memref<2x512xf32, #tpu.memory_space<vmem>> -> memref<1x512xf32, #tpu.memory_space<vmem>>
            %dma_start3A_368 = tpu.memref_squeeze %dma_start3A_367 : memref<1x512xf32, #tpu.memory_space<vmem>> -> memref<512xf32, #tpu.memory_space<vmem>>
            tpu.enqueue_dma source(%dma_start3A_368 : memref<512xf32, #tpu.memory_space<vmem>>) target(%dma_start3A_365 : memref<512xf32, #tpu.memory_space<hbm>>) target_semaphore(%arg25 : memref<!tpu.dma_semaphore, #tpu.memory_space<semaphore_mem>>)
            %add3A_369 = arith.addi %mul3A_2, %shift_right_logical3A_181 : i32
            %dma_start3A_370 = arith.constant 1 : i32
            %dma_start3A_371 = arith.constant 0 : i32
            %dma_start3A_372 = tpu.memref_slice %arg16[%dma_start3A_370, %dma_start3A_371] : memref<2x512xf32, #tpu.memory_space<vmem>> -> memref<1x512xf32, #tpu.memory_space<vmem>>
            %dma_start3A_373 = tpu.memref_squeeze %dma_start3A_372 : memref<1x512xf32, #tpu.memory_space<vmem>> -> memref<512xf32, #tpu.memory_space<vmem>>
            %dma_start3A_374 = arith.constant 0 : i32
            %dma_start3A_375 = tpu.memref_slice %arg8[%add3A_369, %dma_start3A_374] : memref<1024x512xf32, #tpu.memory_space<hbm>> -> memref<1x512xf32, #tpu.memory_space<hbm>>
            %dma_start3A_376 = tpu.memref_squeeze %dma_start3A_375 : memref<1x512xf32, #tpu.memory_space<hbm>> -> memref<512xf32, #tpu.memory_space<hbm>>
            %dma_start3A_377 = arith.constant 0 : i32
            %dma_start3A_378 = tpu.memref_slice %arg8[%add3A_369, %dma_start3A_377] : memref<1024x512xf32, #tpu.memory_space<hbm>> -> memref<1x512xf32, #tpu.memory_space<hbm>>
            %dma_start3A_379 = tpu.memref_squeeze %dma_start3A_378 : memref<1x512xf32, #tpu.memory_space<hbm>> -> memref<512xf32, #tpu.memory_space<hbm>>
            %dma_start3A_380 = arith.constant 0 : i32
            %dma_start3A_381 = tpu.memref_slice %arg16[%dma_start3A_370, %dma_start3A_380] : memref<2x512xf32, #tpu.memory_space<vmem>> -> memref<1x512xf32, #tpu.memory_space<vmem>>
            %dma_start3A_382 = tpu.memref_squeeze %dma_start3A_381 : memref<1x512xf32, #tpu.memory_space<vmem>> -> memref<512xf32, #tpu.memory_space<vmem>>
            tpu.enqueue_dma source(%dma_start3A_382 : memref<512xf32, #tpu.memory_space<vmem>>) target(%dma_start3A_379 : memref<512xf32, #tpu.memory_space<hbm>>) target_semaphore(%arg25 : memref<!tpu.dma_semaphore, #tpu.memory_space<semaphore_mem>>)
            %add3A_383 = arith.addi %mul3A_2, %shift_right_logical3A_181 : i32
            %dma_start3A_384 = arith.constant 1 : i32
            %dma_start3A_385 = arith.constant 0 : i32
            %dma_start3A_386 = tpu.memref_slice %arg17[%dma_start3A_384, %dma_start3A_385] : memref<2x512xf32, #tpu.memory_space<vmem>> -> memref<1x512xf32, #tpu.memory_space<vmem>>
            %dma_start3A_387 = tpu.memref_squeeze %dma_start3A_386 : memref<1x512xf32, #tpu.memory_space<vmem>> -> memref<512xf32, #tpu.memory_space<vmem>>
            %dma_start3A_388 = arith.constant 0 : i32
            %dma_start3A_389 = tpu.memref_slice %arg9[%add3A_383, %dma_start3A_388] : memref<1024x512xf32, #tpu.memory_space<hbm>> -> memref<1x512xf32, #tpu.memory_space<hbm>>
            %dma_start3A_390 = tpu.memref_squeeze %dma_start3A_389 : memref<1x512xf32, #tpu.memory_space<hbm>> -> memref<512xf32, #tpu.memory_space<hbm>>
            %dma_start3A_391 = arith.constant 0 : i32
            %dma_start3A_392 = tpu.memref_slice %arg9[%add3A_383, %dma_start3A_391] : memref<1024x512xf32, #tpu.memory_space<hbm>> -> memref<1x512xf32, #tpu.memory_space<hbm>>
            %dma_start3A_393 = tpu.memref_squeeze %dma_start3A_392 : memref<1x512xf32, #tpu.memory_space<hbm>> -> memref<512xf32, #tpu.memory_space<hbm>>
            %dma_start3A_394 = arith.constant 0 : i32
            %dma_start3A_395 = tpu.memref_slice %arg17[%dma_start3A_384, %dma_start3A_394] : memref<2x512xf32, #tpu.memory_space<vmem>> -> memref<1x512xf32, #tpu.memory_space<vmem>>
            %dma_start3A_396 = tpu.memref_squeeze %dma_start3A_395 : memref<1x512xf32, #tpu.memory_space<vmem>> -> memref<512xf32, #tpu.memory_space<vmem>>
            tpu.enqueue_dma source(%dma_start3A_396 : memref<512xf32, #tpu.memory_space<vmem>>) target(%dma_start3A_393 : memref<512xf32, #tpu.memory_space<hbm>>) target_semaphore(%arg25 : memref<!tpu.dma_semaphore, #tpu.memory_space<semaphore_mem>>)
          } else {
          }
        } else {
        }
      } else {
      }
      %add3A_164 = arith.constant 1 : i32
      %add3A_165 = arith.addi %add3A_159, %add3A_164 : i32
      %lt3A_166 = arith.constant 256 : i32
      %lt3A_167 = arith.cmpi slt, %add3A_165, %lt3A_166 : i32
      %convert_element_type3A_168 = arith.extui %lt3A_167 : i1 to i32
      %cond3A_169 = arith.constant 0 : i32
      %cond3A_170 = arith.cmpi ne, %convert_element_type3A_168, %cond3A_169 : i32
      scf.if %cond3A_170 {
        %add3A_178 = arith.constant 1 : i32
        %add3A_179 = arith.addi %add3A_159, %add3A_178 : i32
        %shift_right_logical3A_180 = arith.constant 3 : i32
        %shift_right_logical3A_181 = arith.shrui %add3A_179, %shift_right_logical3A_180 : i32
        %and3A_182 = arith.constant 7 : i32
        %and3A_183 = arith.andi %add3A_179, %and3A_182 : i32
        %dma_wait3A_184 = arith.constant 0 : i32
        %dma_wait3A_185 = arith.constant 64 : i32
        %dma_wait3A_186 = arith.constant 0 : i32
        %dma_wait3A_187 = tpu.memref_slice %arg13[%dma_wait3A_185, %dma_wait3A_186] : memref<192x128xf32, #tpu.memory_space<vmem>> -> memref<64x128xf32, #tpu.memory_space<vmem>>
        %dma_wait3A_188 = arith.constant 0 : i32
        %dma_wait3A_189 = tpu.memref_slice %arg10[%dma_wait3A_184, %dma_wait3A_188] : memref<32x512xi32, #tpu.memory_space<vmem>> -> memref<1x64xi32, #tpu.memory_space<vmem>>
        %dma_wait3A_190 = tpu.memref_squeeze %dma_wait3A_189 : memref<1x64xi32, #tpu.memory_space<vmem>> -> memref<64xi32, #tpu.memory_space<vmem>>
        %dma_wait3A_191 = arith.constant 0 : i32
        %dma_wait3A_192 = arith.constant 0 : i32
        %dma_wait3A_193 = tpu.memref_slice %arg2[%dma_wait3A_191, %dma_wait3A_192] : memref<100000x128xf32, #tpu.memory_space<hbm>> -> memref<100000x128xf32, #tpu.memory_space<hbm>>
        tpu.wait_indirect_dma semaphore(%arg19 : memref<!tpu.dma_semaphore, #tpu.memory_space<semaphore_mem>>) src(%dma_wait3A_193 : memref<100000x128xf32, #tpu.memory_space<hbm>>) dst(%dma_wait3A_187 : memref<64x128xf32, #tpu.memory_space<vmem>>)
        %dma_wait3A_194 = arith.constant 0 : i32
        %dma_wait3A_195 = arith.constant 64 : i32
        %dma_wait3A_196 = arith.constant 0 : i32
        %dma_wait3A_197 = tpu.memref_slice %arg14[%dma_wait3A_195, %dma_wait3A_196] : memref<192x128xf32, #tpu.memory_space<vmem>> -> memref<64x128xf32, #tpu.memory_space<vmem>>
        %dma_wait3A_198 = arith.constant 0 : i32
        %dma_wait3A_199 = tpu.memref_slice %arg10[%dma_wait3A_194, %dma_wait3A_198] : memref<32x512xi32, #tpu.memory_space<vmem>> -> memref<1x64xi32, #tpu.memory_space<vmem>>
        %dma_wait3A_200 = tpu.memref_squeeze %dma_wait3A_199 : memref<1x64xi32, #tpu.memory_space<vmem>> -> memref<64xi32, #tpu.memory_space<vmem>>
        %dma_wait3A_201 = arith.constant 0 : i32
        %dma_wait3A_202 = arith.constant 0 : i32
        %dma_wait3A_203 = tpu.memref_slice %arg3[%dma_wait3A_201, %dma_wait3A_202] : memref<100000x128xf32, #tpu.memory_space<hbm>> -> memref<100000x128xf32, #tpu.memory_space<hbm>>
        tpu.wait_indirect_dma semaphore(%arg22 : memref<!tpu.dma_semaphore, #tpu.memory_space<semaphore_mem>>) src(%dma_wait3A_203 : memref<100000x128xf32, #tpu.memory_space<hbm>>) dst(%dma_wait3A_197 : memref<64x128xf32, #tpu.memory_space<vmem>>)
        %eq3A = arith.constant 0 : i32
        %eq3A_204 = arith.cmpi eq, %and3A_183, %eq3A : i32
        %ge3A = arith.constant 2 : i32
        %ge3A_205 = arith.cmpi sge, %shift_right_logical3A_181, %ge3A : i32
        %and3A_206 = arith.andi %eq3A_204, %ge3A_205 : i1
        %and3A_207 = arith.constant 1 : i32
        %and3A_208 = arith.andi %shift_right_logical3A_181, %and3A_207 : i32
        %eq3A_209 = arith.constant 0 : i32
        %eq3A_210 = arith.cmpi eq, %and3A_208, %eq3A_209 : i32
        %and3A_211 = arith.andi %and3A_206, %eq3A_210 : i1
        %convert_element_type3A_212 = arith.extui %and3A_211 : i1 to i32
        %cond3A_213 = arith.constant 0 : i32
        %cond3A_214 = arith.cmpi ne, %convert_element_type3A_212, %cond3A_213 : i32
        scf.if %cond3A_214 {
          %dma_wait3A_341 = arith.constant 0 : i32
          %dma_wait3A_342 = arith.constant 0 : i32
          %dma_wait3A_343 = tpu.memref_slice %arg15[%dma_wait3A_341, %dma_wait3A_342] : memref<2x512xf32, #tpu.memory_space<vmem>> -> memref<1x512xf32, #tpu.memory_space<vmem>>
          %dma_wait3A_344 = tpu.memref_squeeze %dma_wait3A_343 : memref<1x512xf32, #tpu.memory_space<vmem>> -> memref<512xf32, #tpu.memory_space<vmem>>
          %dma_wait3A_345 = arith.constant 0 : i32
          %dma_wait3A_346 = tpu.memref_slice %arg7[%mul3A_2, %dma_wait3A_345] : memref<1024x512xf32, #tpu.memory_space<hbm>> -> memref<1x512xf32, #tpu.memory_space<hbm>>
          %dma_wait3A_347 = tpu.memref_squeeze %dma_wait3A_346 : memref<1x512xf32, #tpu.memory_space<hbm>> -> memref<512xf32, #tpu.memory_space<hbm>>
          %dma_wait3A_348 = arith.constant 0 : i32
          %dma_wait3A_349 = tpu.memref_slice %arg7[%mul3A_2, %dma_wait3A_348] : memref<1024x512xf32, #tpu.memory_space<hbm>> -> memref<1x512xf32, #tpu.memory_space<hbm>>
          %dma_wait3A_350 = tpu.memref_squeeze %dma_wait3A_349 : memref<1x512xf32, #tpu.memory_space<hbm>> -> memref<512xf32, #tpu.memory_space<hbm>>
          %dma_wait3A_351 = arith.constant 0 : i32
          %dma_wait3A_352 = tpu.memref_slice %arg15[%dma_wait3A_341, %dma_wait3A_351] : memref<2x512xf32, #tpu.memory_space<vmem>> -> memref<1x512xf32, #tpu.memory_space<vmem>>
          %dma_wait3A_353 = tpu.memref_squeeze %dma_wait3A_352 : memref<1x512xf32, #tpu.memory_space<vmem>> -> memref<512xf32, #tpu.memory_space<vmem>>
          tpu.wait_dma2 semaphore(%arg24 : memref<!tpu.dma_semaphore, #tpu.memory_space<semaphore_mem>>) src(%dma_wait3A_353 : memref<512xf32, #tpu.memory_space<vmem>>) dst(%dma_wait3A_350 : memref<512xf32, #tpu.memory_space<hbm>>)
          %dma_wait3A_354 = arith.constant 0 : i32
          %dma_wait3A_355 = arith.constant 0 : i32
          %dma_wait3A_356 = tpu.memref_slice %arg16[%dma_wait3A_354, %dma_wait3A_355] : memref<2x512xf32, #tpu.memory_space<vmem>> -> memref<1x512xf32, #tpu.memory_space<vmem>>
          %dma_wait3A_357 = tpu.memref_squeeze %dma_wait3A_356 : memref<1x512xf32, #tpu.memory_space<vmem>> -> memref<512xf32, #tpu.memory_space<vmem>>
          %dma_wait3A_358 = arith.constant 0 : i32
          %dma_wait3A_359 = tpu.memref_slice %arg8[%mul3A_2, %dma_wait3A_358] : memref<1024x512xf32, #tpu.memory_space<hbm>> -> memref<1x512xf32, #tpu.memory_space<hbm>>
          %dma_wait3A_360 = tpu.memref_squeeze %dma_wait3A_359 : memref<1x512xf32, #tpu.memory_space<hbm>> -> memref<512xf32, #tpu.memory_space<hbm>>
          %dma_wait3A_361 = arith.constant 0 : i32
          %dma_wait3A_362 = tpu.memref_slice %arg8[%mul3A_2, %dma_wait3A_361] : memref<1024x512xf32, #tpu.memory_space<hbm>> -> memref<1x512xf32, #tpu.memory_space<hbm>>
          %dma_wait3A_363 = tpu.memref_squeeze %dma_wait3A_362 : memref<1x512xf32, #tpu.memory_space<hbm>> -> memref<512xf32, #tpu.memory_space<hbm>>
          %dma_wait3A_364 = arith.constant 0 : i32
          %dma_wait3A_365 = tpu.memref_slice %arg16[%dma_wait3A_354, %dma_wait3A_364] : memref<2x512xf32, #tpu.memory_space<vmem>> -> memref<1x512xf32, #tpu.memory_space<vmem>>
          %dma_wait3A_366 = tpu.memref_squeeze %dma_wait3A_365 : memref<1x512xf32, #tpu.memory_space<vmem>> -> memref<512xf32, #tpu.memory_space<vmem>>
          tpu.wait_dma2 semaphore(%arg24 : memref<!tpu.dma_semaphore, #tpu.memory_space<semaphore_mem>>) src(%dma_wait3A_366 : memref<512xf32, #tpu.memory_space<vmem>>) dst(%dma_wait3A_363 : memref<512xf32, #tpu.memory_space<hbm>>)
          %dma_wait3A_367 = arith.constant 0 : i32
          %dma_wait3A_368 = arith.constant 0 : i32
          %dma_wait3A_369 = tpu.memref_slice %arg17[%dma_wait3A_367, %dma_wait3A_368] : memref<2x512xf32, #tpu.memory_space<vmem>> -> memref<1x512xf32, #tpu.memory_space<vmem>>
          %dma_wait3A_370 = tpu.memref_squeeze %dma_wait3A_369 : memref<1x512xf32, #tpu.memory_space<vmem>> -> memref<512xf32, #tpu.memory_space<vmem>>
          %dma_wait3A_371 = arith.constant 0 : i32
          %dma_wait3A_372 = tpu.memref_slice %arg9[%mul3A_2, %dma_wait3A_371] : memref<1024x512xf32, #tpu.memory_space<hbm>> -> memref<1x512xf32, #tpu.memory_space<hbm>>
          %dma_wait3A_373 = tpu.memref_squeeze %dma_wait3A_372 : memref<1x512xf32, #tpu.memory_space<hbm>> -> memref<512xf32, #tpu.memory_space<hbm>>
          %dma_wait3A_374 = arith.constant 0 : i32
          %dma_wait3A_375 = tpu.memref_slice %arg9[%mul3A_2, %dma_wait3A_374] : memref<1024x512xf32, #tpu.memory_space<hbm>> -> memref<1x512xf32, #tpu.memory_space<hbm>>
          %dma_wait3A_376 = tpu.memref_squeeze %dma_wait3A_375 : memref<1x512xf32, #tpu.memory_space<hbm>> -> memref<512xf32, #tpu.memory_space<hbm>>
          %dma_wait3A_377 = arith.constant 0 : i32
          %dma_wait3A_378 = tpu.memref_slice %arg17[%dma_wait3A_367, %dma_wait3A_377] : memref<2x512xf32, #tpu.memory_space<vmem>> -> memref<1x512xf32, #tpu.memory_space<vmem>>
          %dma_wait3A_379 = tpu.memref_squeeze %dma_wait3A_378 : memref<1x512xf32, #tpu.memory_space<vmem>> -> memref<512xf32, #tpu.memory_space<vmem>>
          tpu.wait_dma2 semaphore(%arg24 : memref<!tpu.dma_semaphore, #tpu.memory_space<semaphore_mem>>) src(%dma_wait3A_379 : memref<512xf32, #tpu.memory_space<vmem>>) dst(%dma_wait3A_376 : memref<512xf32, #tpu.memory_space<hbm>>)
        } else {
        }
        %eq3A_215 = arith.constant 0 : i32
        %eq3A_216 = arith.cmpi eq, %and3A_183, %eq3A_215 : i32
        %ge3A_217 = arith.constant 2 : i32
        %ge3A_218 = arith.cmpi sge, %shift_right_logical3A_181, %ge3A_217 : i32
        %and3A_219 = arith.andi %eq3A_216, %ge3A_218 : i1
        %and3A_220 = arith.constant 1 : i32
        %and3A_221 = arith.andi %shift_right_logical3A_181, %and3A_220 : i32
        %eq3A_222 = arith.constant 1 : i32
        %eq3A_223 = arith.cmpi eq, %and3A_221, %eq3A_222 : i32
        %and3A_224 = arith.andi %and3A_219, %eq3A_223 : i1
        %convert_element_type3A_225 = arith.extui %and3A_224 : i1 to i32
        %cond3A_226 = arith.constant 0 : i32
        %cond3A_227 = arith.cmpi ne, %convert_element_type3A_225, %cond3A_226 : i32
        scf.if %cond3A_227 {
          %dma_wait3A_341 = arith.constant 1 : i32
          %dma_wait3A_342 = arith.constant 0 : i32
          %dma_wait3A_343 = tpu.memref_slice %arg15[%dma_wait3A_341, %dma_wait3A_342] : memref<2x512xf32, #tpu.memory_space<vmem>> -> memref<1x512xf32, #tpu.memory_space<vmem>>
          %dma_wait3A_344 = tpu.memref_squeeze %dma_wait3A_343 : memref<1x512xf32, #tpu.memory_space<vmem>> -> memref<512xf32, #tpu.memory_space<vmem>>
          %dma_wait3A_345 = arith.constant 0 : i32
          %dma_wait3A_346 = tpu.memref_slice %arg7[%mul3A_2, %dma_wait3A_345] : memref<1024x512xf32, #tpu.memory_space<hbm>> -> memref<1x512xf32, #tpu.memory_space<hbm>>
          %dma_wait3A_347 = tpu.memref_squeeze %dma_wait3A_346 : memref<1x512xf32, #tpu.memory_space<hbm>> -> memref<512xf32, #tpu.memory_space<hbm>>
          %dma_wait3A_348 = arith.constant 0 : i32
          %dma_wait3A_349 = tpu.memref_slice %arg7[%mul3A_2, %dma_wait3A_348] : memref<1024x512xf32, #tpu.memory_space<hbm>> -> memref<1x512xf32, #tpu.memory_space<hbm>>
          %dma_wait3A_350 = tpu.memref_squeeze %dma_wait3A_349 : memref<1x512xf32, #tpu.memory_space<hbm>> -> memref<512xf32, #tpu.memory_space<hbm>>
          %dma_wait3A_351 = arith.constant 0 : i32
          %dma_wait3A_352 = tpu.memref_slice %arg15[%dma_wait3A_341, %dma_wait3A_351] : memref<2x512xf32, #tpu.memory_space<vmem>> -> memref<1x512xf32, #tpu.memory_space<vmem>>
          %dma_wait3A_353 = tpu.memref_squeeze %dma_wait3A_352 : memref<1x512xf32, #tpu.memory_space<vmem>> -> memref<512xf32, #tpu.memory_space<vmem>>
          tpu.wait_dma2 semaphore(%arg25 : memref<!tpu.dma_semaphore, #tpu.memory_space<semaphore_mem>>) src(%dma_wait3A_353 : memref<512xf32, #tpu.memory_space<vmem>>) dst(%dma_wait3A_350 : memref<512xf32, #tpu.memory_space<hbm>>)
          %dma_wait3A_354 = arith.constant 1 : i32
          %dma_wait3A_355 = arith.constant 0 : i32
          %dma_wait3A_356 = tpu.memref_slice %arg16[%dma_wait3A_354, %dma_wait3A_355] : memref<2x512xf32, #tpu.memory_space<vmem>> -> memref<1x512xf32, #tpu.memory_space<vmem>>
          %dma_wait3A_357 = tpu.memref_squeeze %dma_wait3A_356 : memref<1x512xf32, #tpu.memory_space<vmem>> -> memref<512xf32, #tpu.memory_space<vmem>>
          %dma_wait3A_358 = arith.constant 0 : i32
          %dma_wait3A_359 = tpu.memref_slice %arg8[%mul3A_2, %dma_wait3A_358] : memref<1024x512xf32, #tpu.memory_space<hbm>> -> memref<1x512xf32, #tpu.memory_space<hbm>>
          %dma_wait3A_360 = tpu.memref_squeeze %dma_wait3A_359 : memref<1x512xf32, #tpu.memory_space<hbm>> -> memref<512xf32, #tpu.memory_space<hbm>>
          %dma_wait3A_361 = arith.constant 0 : i32
          %dma_wait3A_362 = tpu.memref_slice %arg8[%mul3A_2, %dma_wait3A_361] : memref<1024x512xf32, #tpu.memory_space<hbm>> -> memref<1x512xf32, #tpu.memory_space<hbm>>
          %dma_wait3A_363 = tpu.memref_squeeze %dma_wait3A_362 : memref<1x512xf32, #tpu.memory_space<hbm>> -> memref<512xf32, #tpu.memory_space<hbm>>
          %dma_wait3A_364 = arith.constant 0 : i32
          %dma_wait3A_365 = tpu.memref_slice %arg16[%dma_wait3A_354, %dma_wait3A_364] : memref<2x512xf32, #tpu.memory_space<vmem>> -> memref<1x512xf32, #tpu.memory_space<vmem>>
          %dma_wait3A_366 = tpu.memref_squeeze %dma_wait3A_365 : memref<1x512xf32, #tpu.memory_space<vmem>> -> memref<512xf32, #tpu.memory_space<vmem>>
          tpu.wait_dma2 semaphore(%arg25 : memref<!tpu.dma_semaphore, #tpu.memory_space<semaphore_mem>>) src(%dma_wait3A_366 : memref<512xf32, #tpu.memory_space<vmem>>) dst(%dma_wait3A_363 : memref<512xf32, #tpu.memory_space<hbm>>)
          %dma_wait3A_367 = arith.constant 1 : i32
          %dma_wait3A_368 = arith.constant 0 : i32
          %dma_wait3A_369 = tpu.memref_slice %arg17[%dma_wait3A_367, %dma_wait3A_368] : memref<2x512xf32, #tpu.memory_space<vmem>> -> memref<1x512xf32, #tpu.memory_space<vmem>>
          %dma_wait3A_370 = tpu.memref_squeeze %dma_wait3A_369 : memref<1x512xf32, #tpu.memory_space<vmem>> -> memref<512xf32, #tpu.memory_space<vmem>>
          %dma_wait3A_371 = arith.constant 0 : i32
          %dma_wait3A_372 = tpu.memref_slice %arg9[%mul3A_2, %dma_wait3A_371] : memref<1024x512xf32, #tpu.memory_space<hbm>> -> memref<1x512xf32, #tpu.memory_space<hbm>>
          %dma_wait3A_373 = tpu.memref_squeeze %dma_wait3A_372 : memref<1x512xf32, #tpu.memory_space<hbm>> -> memref<512xf32, #tpu.memory_space<hbm>>
          %dma_wait3A_374 = arith.constant 0 : i32
          %dma_wait3A_375 = tpu.memref_slice %arg9[%mul3A_2, %dma_wait3A_374] : memref<1024x512xf32, #tpu.memory_space<hbm>> -> memref<1x512xf32, #tpu.memory_space<hbm>>
          %dma_wait3A_376 = tpu.memref_squeeze %dma_wait3A_375 : memref<1x512xf32, #tpu.memory_space<hbm>> -> memref<512xf32, #tpu.memory_space<hbm>>
          %dma_wait3A_377 = arith.constant 0 : i32
          %dma_wait3A_378 = tpu.memref_slice %arg17[%dma_wait3A_367, %dma_wait3A_377] : memref<2x512xf32, #tpu.memory_space<vmem>> -> memref<1x512xf32, #tpu.memory_space<vmem>>
          %dma_wait3A_379 = tpu.memref_squeeze %dma_wait3A_378 : memref<1x512xf32, #tpu.memory_space<vmem>> -> memref<512xf32, #tpu.memory_space<vmem>>
          tpu.wait_dma2 semaphore(%arg25 : memref<!tpu.dma_semaphore, #tpu.memory_space<semaphore_mem>>) src(%dma_wait3A_379 : memref<512xf32, #tpu.memory_space<vmem>>) dst(%dma_wait3A_376 : memref<512xf32, #tpu.memory_space<hbm>>)
        } else {
        }
        %add3A_228 = arith.constant 64 : i32
        %add3A_229 = vector.broadcast %add3A_228 : i32 to vector<16xi32>
        %add3A_230 = arith.addi %iota3A, %add3A_229 : vector<16xi32>
        %add3A_231 = arith.constant 80 : i32
        %add3A_232 = vector.broadcast %add3A_231 : i32 to vector<16xi32>
        %add3A_233 = arith.addi %iota3A, %add3A_232 : vector<16xi32>
        %add3A_234 = arith.constant 96 : i32
        %add3A_235 = vector.broadcast %add3A_234 : i32 to vector<16xi32>
        %add3A_236 = arith.addi %iota3A, %add3A_235 : vector<16xi32>
        %add3A_237 = arith.constant 112 : i32
        %add3A_238 = vector.broadcast %add3A_237 : i32 to vector<16xi32>
        %add3A_239 = arith.addi %iota3A, %add3A_238 : vector<16xi32>
        %add3A_240 = vector.broadcast %shift_right_logical3A_181 : i32 to vector<16xi32>
        %add3A_241 = arith.addi %broadcast_in_dim3A_3, %add3A_240 : vector<16xi32>
        %broadcast_in_dim3A_242 = arith.constant 0.000000e+00 : f32
        %broadcast_in_dim3A_243 = vector.broadcast %broadcast_in_dim3A_242 : f32 to vector<16xf32>
        %scan3A_244 = arith.constant 0 : i32
        %scan3A_245 = arith.constant 128 : i32
        %scan3A_246 = arith.addi %scan3A_244, %scan3A_245 : i32
        %scan3A_247 = arith.constant 2 : i32
        %scan3A_248:12 = scf.for %scan3A_341 = %scan3A_244 to %scan3A_246 step %scan3A_247 iter_args(%scan3A_342 = %broadcast_in_dim3A_243, %scan3A_343 = %broadcast_in_dim3A_243, %scan3A_344 = %broadcast_in_dim3A_243, %scan3A_345 = %broadcast_in_dim3A_243, %scan3A_346 = %broadcast_in_dim3A_243, %scan3A_347 = %broadcast_in_dim3A_243, %scan3A_348 = %broadcast_in_dim3A_243, %scan3A_349 = %broadcast_in_dim3A_243, %scan3A_350 = %broadcast_in_dim3A_243, %scan3A_351 = %broadcast_in_dim3A_243, %scan3A_352 = %broadcast_in_dim3A_243, %scan3A_353 = %broadcast_in_dim3A_243) -> (vector<16xf32>, vector<16xf32>, vector<16xf32>, vector<16xf32>, vector<16xf32>, vector<16xf32>, vector<16xf32>, vector<16xf32>, vector<16xf32>, vector<16xf32>, vector<16xf32>, vector<16xf32>)  : i32 {
          %and3A_354 = arith.constant -16 : i32
          %and3A_355 = arith.andi %scan3A_341, %and3A_354 : i32
          %add3A_356 = vector.broadcast %scan3A_341 : i32 to vector<16xi32>
          %add3A_357 = arith.addi %iota3A, %add3A_356 : vector<16xi32>
          %and3A_358 = arith.constant 15 : i32
          %and3A_359 = vector.broadcast %and3A_358 : i32 to vector<16xi32>
          %and3A_360 = arith.andi %add3A_357, %and3A_359 : vector<16xi32>
          %add3A_361 = vector.broadcast %and3A_355 : i32 to vector<16xi32>
          %add3A_362 = arith.addi %add3A_361, %and3A_360 : vector<16xi32>
          %gather3A = tpu.vector_load_idx %arg11[%add3A_241, %add3A_362] : memref<32x128xf32, #tpu.memory_space<vmem>>[vector<16xi32>, vector<16xi32>], vector<16xf32>,
          %gather3A_363 = tpu.vector_load_idx %arg12[%add3A_241, %add3A_362] : memref<32x128xf32, #tpu.memory_space<vmem>>[vector<16xi32>, vector<16xi32>], vector<16xf32>,
          %gather3A_364 = tpu.vector_load_idx %arg13[%add3A_230, %add3A_362] : memref<192x128xf32, #tpu.memory_space<vmem>>[vector<16xi32>, vector<16xi32>], vector<16xf32>,
          %gather3A_365 = tpu.vector_load_idx %arg14[%add3A_230, %add3A_362] : memref<192x128xf32, #tpu.memory_space<vmem>>[vector<16xi32>, vector<16xi32>], vector<16xf32>,
          %mul3A_366 = arith.mulf %gather3A_364, %gather3A_363 : vector<16xf32>
          %add3A_367 = arith.addf %scan3A_342, %mul3A_366 : vector<16xf32>
          %mul3A_368 = arith.mulf %gather3A_364, %gather3A : vector<16xf32>
          %add3A_369 = arith.addf %scan3A_343, %mul3A_368 : vector<16xf32>
          %mul3A_370 = arith.mulf %gather3A_365, %gather3A : vector<16xf32>
          %add3A_371 = arith.addf %scan3A_344, %mul3A_370 : vector<16xf32>
          %gather3A_372 = tpu.vector_load_idx %arg13[%add3A_233, %add3A_362] : memref<192x128xf32, #tpu.memory_space<vmem>>[vector<16xi32>, vector<16xi32>], vector<16xf32>,
          %gather3A_373 = tpu.vector_load_idx %arg14[%add3A_233, %add3A_362] : memref<192x128xf32, #tpu.memory_space<vmem>>[vector<16xi32>, vector<16xi32>], vector<16xf32>,
          %mul3A_374 = arith.mulf %gather3A_372, %gather3A_363 : vector<16xf32>
          %add3A_375 = arith.addf %scan3A_345, %mul3A_374 : vector<16xf32>
          %mul3A_376 = arith.mulf %gather3A_372, %gather3A : vector<16xf32>
          %add3A_377 = arith.addf %scan3A_346, %mul3A_376 : vector<16xf32>
          %mul3A_378 = arith.mulf %gather3A_373, %gather3A : vector<16xf32>
          %add3A_379 = arith.addf %scan3A_347, %mul3A_378 : vector<16xf32>
          %gather3A_380 = tpu.vector_load_idx %arg13[%add3A_236, %add3A_362] : memref<192x128xf32, #tpu.memory_space<vmem>>[vector<16xi32>, vector<16xi32>], vector<16xf32>,
          %gather3A_381 = tpu.vector_load_idx %arg14[%add3A_236, %add3A_362] : memref<192x128xf32, #tpu.memory_space<vmem>>[vector<16xi32>, vector<16xi32>], vector<16xf32>,
          %mul3A_382 = arith.mulf %gather3A_380, %gather3A_363 : vector<16xf32>
          %add3A_383 = arith.addf %scan3A_348, %mul3A_382 : vector<16xf32>
          %mul3A_384 = arith.mulf %gather3A_380, %gather3A : vector<16xf32>
          %add3A_385 = arith.addf %scan3A_349, %mul3A_384 : vector<16xf32>
          %mul3A_386 = arith.mulf %gather3A_381, %gather3A : vector<16xf32>
          %add3A_387 = arith.addf %scan3A_350, %mul3A_386 : vector<16xf32>
          %gather3A_388 = tpu.vector_load_idx %arg13[%add3A_239, %add3A_362] : memref<192x128xf32, #tpu.memory_space<vmem>>[vector<16xi32>, vector<16xi32>], vector<16xf32>,
          %gather3A_389 = tpu.vector_load_idx %arg14[%add3A_239, %add3A_362] : memref<192x128xf32, #tpu.memory_space<vmem>>[vector<16xi32>, vector<16xi32>], vector<16xf32>,
          %mul3A_390 = arith.mulf %gather3A_388, %gather3A_363 : vector<16xf32>
          %add3A_391 = arith.addf %scan3A_351, %mul3A_390 : vector<16xf32>
          %mul3A_392 = arith.mulf %gather3A_388, %gather3A : vector<16xf32>
          %add3A_393 = arith.addf %scan3A_352, %mul3A_392 : vector<16xf32>
          %mul3A_394 = arith.mulf %gather3A_389, %gather3A : vector<16xf32>
          %add3A_395 = arith.addf %scan3A_353, %mul3A_394 : vector<16xf32>
          %scan3A_396 = arith.constant 1 : i32
          %scan3A_397 = arith.addi %scan3A_341, %scan3A_396 : i32
          %and3A_398 = arith.constant -16 : i32
          %and3A_399 = arith.andi %scan3A_397, %and3A_398 : i32
          %add3A_400 = vector.broadcast %scan3A_397 : i32 to vector<16xi32>
          %add3A_401 = arith.addi %iota3A, %add3A_400 : vector<16xi32>
          %and3A_402 = arith.constant 15 : i32
          %and3A_403 = vector.broadcast %and3A_402 : i32 to vector<16xi32>
          %and3A_404 = arith.andi %add3A_401, %and3A_403 : vector<16xi32>
          %add3A_405 = vector.broadcast %and3A_399 : i32 to vector<16xi32>
          %add3A_406 = arith.addi %add3A_405, %and3A_404 : vector<16xi32>
          %gather3A_407 = tpu.vector_load_idx %arg11[%add3A_241, %add3A_406] : memref<32x128xf32, #tpu.memory_space<vmem>>[vector<16xi32>, vector<16xi32>], vector<16xf32>,
          %gather3A_408 = tpu.vector_load_idx %arg12[%add3A_241, %add3A_406] : memref<32x128xf32, #tpu.memory_space<vmem>>[vector<16xi32>, vector<16xi32>], vector<16xf32>,
          %gather3A_409 = tpu.vector_load_idx %arg13[%add3A_230, %add3A_406] : memref<192x128xf32, #tpu.memory_space<vmem>>[vector<16xi32>, vector<16xi32>], vector<16xf32>,
          %gather3A_410 = tpu.vector_load_idx %arg14[%add3A_230, %add3A_406] : memref<192x128xf32, #tpu.memory_space<vmem>>[vector<16xi32>, vector<16xi32>], vector<16xf32>,
          %mul3A_411 = arith.mulf %gather3A_409, %gather3A_408 : vector<16xf32>
          %add3A_412 = arith.addf %add3A_367, %mul3A_411 : vector<16xf32>
          %mul3A_413 = arith.mulf %gather3A_409, %gather3A_407 : vector<16xf32>
          %add3A_414 = arith.addf %add3A_369, %mul3A_413 : vector<16xf32>
          %mul3A_415 = arith.mulf %gather3A_410, %gather3A_407 : vector<16xf32>
          %add3A_416 = arith.addf %add3A_371, %mul3A_415 : vector<16xf32>
          %gather3A_417 = tpu.vector_load_idx %arg13[%add3A_233, %add3A_406] : memref<192x128xf32, #tpu.memory_space<vmem>>[vector<16xi32>, vector<16xi32>], vector<16xf32>,
          %gather3A_418 = tpu.vector_load_idx %arg14[%add3A_233, %add3A_406] : memref<192x128xf32, #tpu.memory_space<vmem>>[vector<16xi32>, vector<16xi32>], vector<16xf32>,
          %mul3A_419 = arith.mulf %gather3A_417, %gather3A_408 : vector<16xf32>
          %add3A_420 = arith.addf %add3A_375, %mul3A_419 : vector<16xf32>
          %mul3A_421 = arith.mulf %gather3A_417, %gather3A_407 : vector<16xf32>
          %add3A_422 = arith.addf %add3A_377, %mul3A_421 : vector<16xf32>
          %mul3A_423 = arith.mulf %gather3A_418, %gather3A_407 : vector<16xf32>
          %add3A_424 = arith.addf %add3A_379, %mul3A_423 : vector<16xf32>
          %gather3A_425 = tpu.vector_load_idx %arg13[%add3A_236, %add3A_406] : memref<192x128xf32, #tpu.memory_space<vmem>>[vector<16xi32>, vector<16xi32>], vector<16xf32>,
          %gather3A_426 = tpu.vector_load_idx %arg14[%add3A_236, %add3A_406] : memref<192x128xf32, #tpu.memory_space<vmem>>[vector<16xi32>, vector<16xi32>], vector<16xf32>,
          %mul3A_427 = arith.mulf %gather3A_425, %gather3A_408 : vector<16xf32>
          %add3A_428 = arith.addf %add3A_383, %mul3A_427 : vector<16xf32>
          %mul3A_429 = arith.mulf %gather3A_425, %gather3A_407 : vector<16xf32>
          %add3A_430 = arith.addf %add3A_385, %mul3A_429 : vector<16xf32>
          %mul3A_431 = arith.mulf %gather3A_426, %gather3A_407 : vector<16xf32>
          %add3A_432 = arith.addf %add3A_387, %mul3A_431 : vector<16xf32>
          %gather3A_433 = tpu.vector_load_idx %arg13[%add3A_239, %add3A_406] : memref<192x128xf32, #tpu.memory_space<vmem>>[vector<16xi32>, vector<16xi32>], vector<16xf32>,
          %gather3A_434 = tpu.vector_load_idx %arg14[%add3A_239, %add3A_406] : memref<192x128xf32, #tpu.memory_space<vmem>>[vector<16xi32>, vector<16xi32>], vector<16xf32>,
          %mul3A_435 = arith.mulf %gather3A_433, %gather3A_408 : vector<16xf32>
          %add3A_436 = arith.addf %add3A_391, %mul3A_435 : vector<16xf32>
          %mul3A_437 = arith.mulf %gather3A_433, %gather3A_407 : vector<16xf32>
          %add3A_438 = arith.addf %add3A_393, %mul3A_437 : vector<16xf32>
          %mul3A_439 = arith.mulf %gather3A_434, %gather3A_407 : vector<16xf32>
          %add3A_440 = arith.addf %add3A_395, %mul3A_439 : vector<16xf32>
          scf.yield %add3A_412, %add3A_414, %add3A_416, %add3A_420, %add3A_422, %add3A_424, %add3A_428, %add3A_430, %add3A_432, %add3A_436, %add3A_438, %add3A_440 : vector<16xf32>, vector<16xf32>, vector<16xf32>, vector<16xf32>, vector<16xf32>, vector<16xf32>, vector<16xf32>, vector<16xf32>, vector<16xf32>, vector<16xf32>, vector<16xf32>, vector<16xf32>
        }
        %scan3A_249 = arith.constant 128 : i32
        %and3A_250 = arith.constant 1 : i32
        %and3A_251 = arith.andi %shift_right_logical3A_181, %and3A_250 : i32
        %mul3A_252 = arith.constant 64 : i32
        %mul3A_253 = arith.muli %and3A_183, %mul3A_252 : i32
        %add3A_254 = arith.constant 0 : i32
        %add3A_255 = arith.addi %mul3A_253, %add3A_254 : i32
        %mul3A_256 = vector.broadcast %scan3A : f32 to vector<16xf32>
        %mul3A_257 = arith.mulf %scan3A_248#0, %mul3A_256 : vector<16xf32>
        %swap3A = arith.index_cast %and3A_251 : i32 to index
        %swap3A_258 = arith.index_cast %add3A_255 : i32 to index
        %swap3A_259 = tpu.vector_load %arg15[%swap3A, %swap3A_258] {strides = array<i32>} : memref<2x512xf32, #tpu.memory_space<vmem>>, vector<16xf32>,
        tpu.vector_store %arg15[%swap3A, %swap3A_258], %mul3A_257 {strides = array<i32>} : memref<2x512xf32, #tpu.memory_space<vmem>>, vector<16xf32>,
        %mul3A_260 = vector.broadcast %scan3A : f32 to vector<16xf32>
        %mul3A_261 = arith.mulf %scan3A_248#1, %mul3A_260 : vector<16xf32>
        %swap3A_262 = arith.index_cast %and3A_251 : i32 to index
        %swap3A_263 = arith.index_cast %add3A_255 : i32 to index
        %swap3A_264 = tpu.vector_load %arg16[%swap3A_262, %swap3A_263] {strides = array<i32>} : memref<2x512xf32, #tpu.memory_space<vmem>>, vector<16xf32>,
        tpu.vector_store %arg16[%swap3A_262, %swap3A_263], %mul3A_261 {strides = array<i32>} : memref<2x512xf32, #tpu.memory_space<vmem>>, vector<16xf32>,
        %mul3A_265 = vector.broadcast %scan3A : f32 to vector<16xf32>
        %mul3A_266 = arith.mulf %scan3A_248#2, %mul3A_265 : vector<16xf32>
        %swap3A_267 = arith.index_cast %and3A_251 : i32 to index
        %swap3A_268 = arith.index_cast %add3A_255 : i32 to index
        %swap3A_269 = tpu.vector_load %arg17[%swap3A_267, %swap3A_268] {strides = array<i32>} : memref<2x512xf32, #tpu.memory_space<vmem>>, vector<16xf32>,
        tpu.vector_store %arg17[%swap3A_267, %swap3A_268], %mul3A_266 {strides = array<i32>} : memref<2x512xf32, #tpu.memory_space<vmem>>, vector<16xf32>,
        %mul3A_270 = arith.constant 64 : i32
        %mul3A_271 = arith.muli %and3A_183, %mul3A_270 : i32
        %add3A_272 = arith.constant 16 : i32
        %add3A_273 = arith.addi %mul3A_271, %add3A_272 : i32
        %mul3A_274 = vector.broadcast %scan3A : f32 to vector<16xf32>
        %mul3A_275 = arith.mulf %scan3A_248#3, %mul3A_274 : vector<16xf32>
        %swap3A_276 = arith.index_cast %and3A_251 : i32 to index
        %swap3A_277 = arith.index_cast %add3A_273 : i32 to index
        %swap3A_278 = tpu.vector_load %arg15[%swap3A_276, %swap3A_277] {strides = array<i32>} : memref<2x512xf32, #tpu.memory_space<vmem>>, vector<16xf32>,
        tpu.vector_store %arg15[%swap3A_276, %swap3A_277], %mul3A_275 {strides = array<i32>} : memref<2x512xf32, #tpu.memory_space<vmem>>, vector<16xf32>,
        %mul3A_279 = vector.broadcast %scan3A : f32 to vector<16xf32>
        %mul3A_280 = arith.mulf %scan3A_248#4, %mul3A_279 : vector<16xf32>
        %swap3A_281 = arith.index_cast %and3A_251 : i32 to index
        %swap3A_282 = arith.index_cast %add3A_273 : i32 to index
        %swap3A_283 = tpu.vector_load %arg16[%swap3A_281, %swap3A_282] {strides = array<i32>} : memref<2x512xf32, #tpu.memory_space<vmem>>, vector<16xf32>,
        tpu.vector_store %arg16[%swap3A_281, %swap3A_282], %mul3A_280 {strides = array<i32>} : memref<2x512xf32, #tpu.memory_space<vmem>>, vector<16xf32>,
        %mul3A_284 = vector.broadcast %scan3A : f32 to vector<16xf32>
        %mul3A_285 = arith.mulf %scan3A_248#5, %mul3A_284 : vector<16xf32>
        %swap3A_286 = arith.index_cast %and3A_251 : i32 to index
        %swap3A_287 = arith.index_cast %add3A_273 : i32 to index
        %swap3A_288 = tpu.vector_load %arg17[%swap3A_286, %swap3A_287] {strides = array<i32>} : memref<2x512xf32, #tpu.memory_space<vmem>>, vector<16xf32>,
        tpu.vector_store %arg17[%swap3A_286, %swap3A_287], %mul3A_285 {strides = array<i32>} : memref<2x512xf32, #tpu.memory_space<vmem>>, vector<16xf32>,
        %mul3A_289 = arith.constant 64 : i32
        %mul3A_290 = arith.muli %and3A_183, %mul3A_289 : i32
        %add3A_291 = arith.constant 32 : i32
        %add3A_292 = arith.addi %mul3A_290, %add3A_291 : i32
        %mul3A_293 = vector.broadcast %scan3A : f32 to vector<16xf32>
        %mul3A_294 = arith.mulf %scan3A_248#6, %mul3A_293 : vector<16xf32>
        %swap3A_295 = arith.index_cast %and3A_251 : i32 to index
        %swap3A_296 = arith.index_cast %add3A_292 : i32 to index
        %swap3A_297 = tpu.vector_load %arg15[%swap3A_295, %swap3A_296] {strides = array<i32>} : memref<2x512xf32, #tpu.memory_space<vmem>>, vector<16xf32>,
        tpu.vector_store %arg15[%swap3A_295, %swap3A_296], %mul3A_294 {strides = array<i32>} : memref<2x512xf32, #tpu.memory_space<vmem>>, vector<16xf32>,
        %mul3A_298 = vector.broadcast %scan3A : f32 to vector<16xf32>
        %mul3A_299 = arith.mulf %scan3A_248#7, %mul3A_298 : vector<16xf32>
        %swap3A_300 = arith.index_cast %and3A_251 : i32 to index
        %swap3A_301 = arith.index_cast %add3A_292 : i32 to index
        %swap3A_302 = tpu.vector_load %arg16[%swap3A_300, %swap3A_301] {strides = array<i32>} : memref<2x512xf32, #tpu.memory_space<vmem>>, vector<16xf32>,
        tpu.vector_store %arg16[%swap3A_300, %swap3A_301], %mul3A_299 {strides = array<i32>} : memref<2x512xf32, #tpu.memory_space<vmem>>, vector<16xf32>,
        %mul3A_303 = vector.broadcast %scan3A : f32 to vector<16xf32>
        %mul3A_304 = arith.mulf %scan3A_248#8, %mul3A_303 : vector<16xf32>
        %swap3A_305 = arith.index_cast %and3A_251 : i32 to index
        %swap3A_306 = arith.index_cast %add3A_292 : i32 to index
        %swap3A_307 = tpu.vector_load %arg17[%swap3A_305, %swap3A_306] {strides = array<i32>} : memref<2x512xf32, #tpu.memory_space<vmem>>, vector<16xf32>,
        tpu.vector_store %arg17[%swap3A_305, %swap3A_306], %mul3A_304 {strides = array<i32>} : memref<2x512xf32, #tpu.memory_space<vmem>>, vector<16xf32>,
        %mul3A_308 = arith.constant 64 : i32
        %mul3A_309 = arith.muli %and3A_183, %mul3A_308 : i32
        %add3A_310 = arith.constant 48 : i32
        %add3A_311 = arith.addi %mul3A_309, %add3A_310 : i32
        %mul3A_312 = vector.broadcast %scan3A : f32 to vector<16xf32>
        %mul3A_313 = arith.mulf %scan3A_248#9, %mul3A_312 : vector<16xf32>
        %swap3A_314 = arith.index_cast %and3A_251 : i32 to index
        %swap3A_315 = arith.index_cast %add3A_311 : i32 to index
        %swap3A_316 = tpu.vector_load %arg15[%swap3A_314, %swap3A_315] {strides = array<i32>} : memref<2x512xf32, #tpu.memory_space<vmem>>, vector<16xf32>,
        tpu.vector_store %arg15[%swap3A_314, %swap3A_315], %mul3A_313 {strides = array<i32>} : memref<2x512xf32, #tpu.memory_space<vmem>>, vector<16xf32>,
        %mul3A_317 = vector.broadcast %scan3A : f32 to vector<16xf32>
        %mul3A_318 = arith.mulf %scan3A_248#10, %mul3A_317 : vector<16xf32>
        %swap3A_319 = arith.index_cast %and3A_251 : i32 to index
        %swap3A_320 = arith.index_cast %add3A_311 : i32 to index
        %swap3A_321 = tpu.vector_load %arg16[%swap3A_319, %swap3A_320] {strides = array<i32>} : memref<2x512xf32, #tpu.memory_space<vmem>>, vector<16xf32>,
        tpu.vector_store %arg16[%swap3A_319, %swap3A_320], %mul3A_318 {strides = array<i32>} : memref<2x512xf32, #tpu.memory_space<vmem>>, vector<16xf32>,
        %mul3A_322 = vector.broadcast %scan3A : f32 to vector<16xf32>
        %mul3A_323 = arith.mulf %scan3A_248#11, %mul3A_322 : vector<16xf32>
        %swap3A_324 = arith.index_cast %and3A_251 : i32 to index
        %swap3A_325 = arith.index_cast %add3A_311 : i32 to index
        %swap3A_326 = tpu.vector_load %arg17[%swap3A_324, %swap3A_325] {strides = array<i32>} : memref<2x512xf32, #tpu.memory_space<vmem>>, vector<16xf32>,
        tpu.vector_store %arg17[%swap3A_324, %swap3A_325], %mul3A_323 {strides = array<i32>} : memref<2x512xf32, #tpu.memory_space<vmem>>, vector<16xf32>,
        %add3A_327 = arith.constant 1 : i32
        %add3A_328 = arith.addi %add3A_159, %add3A_327 : i32
        %add3A_329 = arith.constant 3 : i32
        %add3A_330 = arith.addi %add3A_328, %add3A_329 : i32
        %lt3A_331 = arith.constant 256 : i32
        %lt3A_332 = arith.cmpi slt, %add3A_330, %lt3A_331 : i32
        %convert_element_type3A_333 = arith.extui %lt3A_332 : i1 to i32
        %cond3A_334 = arith.constant 0 : i32
        %cond3A_335 = arith.cmpi ne, %convert_element_type3A_333, %cond3A_334 : i32
        scf.if %cond3A_335 {
          %add3A_341 = arith.constant 1 : i32
          %add3A_342 = arith.addi %add3A_159, %add3A_341 : i32
          %add3A_343 = arith.constant 3 : i32
          %add3A_344 = arith.addi %add3A_342, %add3A_343 : i32
          %shift_right_logical3A_345 = arith.constant 3 : i32
          %shift_right_logical3A_346 = arith.shrui %add3A_344, %shift_right_logical3A_345 : i32
          %and3A_347 = arith.constant 7 : i32
          %and3A_348 = arith.andi %add3A_344, %and3A_347 : i32
          %mul3A_349 = arith.constant 64 : i32
          %mul3A_350 = arith.muli %and3A_348, %mul3A_349 : i32
          %dma_start3A_351 = arith.constant 64 : i32
          %dma_start3A_352 = arith.constant 0 : i32
          %dma_start3A_353 = tpu.memref_slice %arg13[%dma_start3A_351, %dma_start3A_352] : memref<192x128xf32, #tpu.memory_space<vmem>> -> memref<64x128xf32, #tpu.memory_space<vmem>>
          %dma_start3A_354 = tpu.memref_slice %arg10[%shift_right_logical3A_346, %mul3A_350] : memref<32x512xi32, #tpu.memory_space<vmem>> -> memref<1x64xi32, #tpu.memory_space<vmem>>
          %dma_start3A_355 = tpu.memref_squeeze %dma_start3A_354 : memref<1x64xi32, #tpu.memory_space<vmem>> -> memref<64xi32, #tpu.memory_space<vmem>>
          %dma_start3A_356 = arith.constant 0 : i32
          %dma_start3A_357 = arith.constant 0 : i32
          %dma_start3A_358 = tpu.memref_slice %arg2[%dma_start3A_356, %dma_start3A_357] : memref<100000x128xf32, #tpu.memory_space<hbm>> -> memref<100000x128xf32, #tpu.memory_space<hbm>>
          tpu.enqueue_indirect_dma source(%dma_start3A_358 : memref<100000x128xf32, #tpu.memory_space<hbm>>) target(%dma_start3A_353 : memref<64x128xf32, #tpu.memory_space<vmem>>) offsets(%dma_start3A_355 : memref<64xi32, #tpu.memory_space<vmem>>) semaphore(%arg19 : memref<!tpu.dma_semaphore, #tpu.memory_space<semaphore_mem>>)
          %dma_start3A_359 = arith.constant 64 : i32
          %dma_start3A_360 = arith.constant 0 : i32
          %dma_start3A_361 = tpu.memref_slice %arg14[%dma_start3A_359, %dma_start3A_360] : memref<192x128xf32, #tpu.memory_space<vmem>> -> memref<64x128xf32, #tpu.memory_space<vmem>>
          %dma_start3A_362 = tpu.memref_slice %arg10[%shift_right_logical3A_346, %mul3A_350] : memref<32x512xi32, #tpu.memory_space<vmem>> -> memref<1x64xi32, #tpu.memory_space<vmem>>
          %dma_start3A_363 = tpu.memref_squeeze %dma_start3A_362 : memref<1x64xi32, #tpu.memory_space<vmem>> -> memref<64xi32, #tpu.memory_space<vmem>>
          %dma_start3A_364 = arith.constant 0 : i32
          %dma_start3A_365 = arith.constant 0 : i32
          %dma_start3A_366 = tpu.memref_slice %arg3[%dma_start3A_364, %dma_start3A_365] : memref<100000x128xf32, #tpu.memory_space<hbm>> -> memref<100000x128xf32, #tpu.memory_space<hbm>>
          tpu.enqueue_indirect_dma source(%dma_start3A_366 : memref<100000x128xf32, #tpu.memory_space<hbm>>) target(%dma_start3A_361 : memref<64x128xf32, #tpu.memory_space<vmem>>) offsets(%dma_start3A_363 : memref<64xi32, #tpu.memory_space<vmem>>) semaphore(%arg22 : memref<!tpu.dma_semaphore, #tpu.memory_space<semaphore_mem>>)
        } else {
        }
        %eq3A_336 = arith.constant 7 : i32
        %eq3A_337 = arith.cmpi eq, %and3A_183, %eq3A_336 : i32
        %convert_element_type3A_338 = arith.extui %eq3A_337 : i1 to i32
        %cond3A_339 = arith.constant 0 : i32
        %cond3A_340 = arith.cmpi ne, %convert_element_type3A_338, %cond3A_339 : i32
        scf.if %cond3A_340 {
          %and3A_341 = arith.constant 1 : i32
          %and3A_342 = arith.andi %shift_right_logical3A_181, %and3A_341 : i32
          %eq3A_343 = arith.constant 0 : i32
          %eq3A_344 = arith.cmpi eq, %and3A_342, %eq3A_343 : i32
          %convert_element_type3A_345 = arith.extui %eq3A_344 : i1 to i32
          %cond3A_346 = arith.constant 0 : i32
          %cond3A_347 = arith.cmpi ne, %convert_element_type3A_345, %cond3A_346 : i32
          scf.if %cond3A_347 {
            %add3A_355 = arith.addi %mul3A_2, %shift_right_logical3A_181 : i32
            %dma_start3A_356 = arith.constant 0 : i32
            %dma_start3A_357 = arith.constant 0 : i32
            %dma_start3A_358 = tpu.memref_slice %arg15[%dma_start3A_356, %dma_start3A_357] : memref<2x512xf32, #tpu.memory_space<vmem>> -> memref<1x512xf32, #tpu.memory_space<vmem>>
            %dma_start3A_359 = tpu.memref_squeeze %dma_start3A_358 : memref<1x512xf32, #tpu.memory_space<vmem>> -> memref<512xf32, #tpu.memory_space<vmem>>
            %dma_start3A_360 = arith.constant 0 : i32
            %dma_start3A_361 = tpu.memref_slice %arg7[%add3A_355, %dma_start3A_360] : memref<1024x512xf32, #tpu.memory_space<hbm>> -> memref<1x512xf32, #tpu.memory_space<hbm>>
            %dma_start3A_362 = tpu.memref_squeeze %dma_start3A_361 : memref<1x512xf32, #tpu.memory_space<hbm>> -> memref<512xf32, #tpu.memory_space<hbm>>
            %dma_start3A_363 = arith.constant 0 : i32
            %dma_start3A_364 = tpu.memref_slice %arg7[%add3A_355, %dma_start3A_363] : memref<1024x512xf32, #tpu.memory_space<hbm>> -> memref<1x512xf32, #tpu.memory_space<hbm>>
            %dma_start3A_365 = tpu.memref_squeeze %dma_start3A_364 : memref<1x512xf32, #tpu.memory_space<hbm>> -> memref<512xf32, #tpu.memory_space<hbm>>
            %dma_start3A_366 = arith.constant 0 : i32
            %dma_start3A_367 = tpu.memref_slice %arg15[%dma_start3A_356, %dma_start3A_366] : memref<2x512xf32, #tpu.memory_space<vmem>> -> memref<1x512xf32, #tpu.memory_space<vmem>>
            %dma_start3A_368 = tpu.memref_squeeze %dma_start3A_367 : memref<1x512xf32, #tpu.memory_space<vmem>> -> memref<512xf32, #tpu.memory_space<vmem>>
            tpu.enqueue_dma source(%dma_start3A_368 : memref<512xf32, #tpu.memory_space<vmem>>) target(%dma_start3A_365 : memref<512xf32, #tpu.memory_space<hbm>>) target_semaphore(%arg24 : memref<!tpu.dma_semaphore, #tpu.memory_space<semaphore_mem>>)
            %add3A_369 = arith.addi %mul3A_2, %shift_right_logical3A_181 : i32
            %dma_start3A_370 = arith.constant 0 : i32
            %dma_start3A_371 = arith.constant 0 : i32
            %dma_start3A_372 = tpu.memref_slice %arg16[%dma_start3A_370, %dma_start3A_371] : memref<2x512xf32, #tpu.memory_space<vmem>> -> memref<1x512xf32, #tpu.memory_space<vmem>>
            %dma_start3A_373 = tpu.memref_squeeze %dma_start3A_372 : memref<1x512xf32, #tpu.memory_space<vmem>> -> memref<512xf32, #tpu.memory_space<vmem>>
            %dma_start3A_374 = arith.constant 0 : i32
            %dma_start3A_375 = tpu.memref_slice %arg8[%add3A_369, %dma_start3A_374] : memref<1024x512xf32, #tpu.memory_space<hbm>> -> memref<1x512xf32, #tpu.memory_space<hbm>>
            %dma_start3A_376 = tpu.memref_squeeze %dma_start3A_375 : memref<1x512xf32, #tpu.memory_space<hbm>> -> memref<512xf32, #tpu.memory_space<hbm>>
            %dma_start3A_377 = arith.constant 0 : i32
            %dma_start3A_378 = tpu.memref_slice %arg8[%add3A_369, %dma_start3A_377] : memref<1024x512xf32, #tpu.memory_space<hbm>> -> memref<1x512xf32, #tpu.memory_space<hbm>>
            %dma_start3A_379 = tpu.memref_squeeze %dma_start3A_378 : memref<1x512xf32, #tpu.memory_space<hbm>> -> memref<512xf32, #tpu.memory_space<hbm>>
            %dma_start3A_380 = arith.constant 0 : i32
            %dma_start3A_381 = tpu.memref_slice %arg16[%dma_start3A_370, %dma_start3A_380] : memref<2x512xf32, #tpu.memory_space<vmem>> -> memref<1x512xf32, #tpu.memory_space<vmem>>
            %dma_start3A_382 = tpu.memref_squeeze %dma_start3A_381 : memref<1x512xf32, #tpu.memory_space<vmem>> -> memref<512xf32, #tpu.memory_space<vmem>>
            tpu.enqueue_dma source(%dma_start3A_382 : memref<512xf32, #tpu.memory_space<vmem>>) target(%dma_start3A_379 : memref<512xf32, #tpu.memory_space<hbm>>) target_semaphore(%arg24 : memref<!tpu.dma_semaphore, #tpu.memory_space<semaphore_mem>>)
            %add3A_383 = arith.addi %mul3A_2, %shift_right_logical3A_181 : i32
            %dma_start3A_384 = arith.constant 0 : i32
            %dma_start3A_385 = arith.constant 0 : i32
            %dma_start3A_386 = tpu.memref_slice %arg17[%dma_start3A_384, %dma_start3A_385] : memref<2x512xf32, #tpu.memory_space<vmem>> -> memref<1x512xf32, #tpu.memory_space<vmem>>
            %dma_start3A_387 = tpu.memref_squeeze %dma_start3A_386 : memref<1x512xf32, #tpu.memory_space<vmem>> -> memref<512xf32, #tpu.memory_space<vmem>>
            %dma_start3A_388 = arith.constant 0 : i32
            %dma_start3A_389 = tpu.memref_slice %arg9[%add3A_383, %dma_start3A_388] : memref<1024x512xf32, #tpu.memory_space<hbm>> -> memref<1x512xf32, #tpu.memory_space<hbm>>
            %dma_start3A_390 = tpu.memref_squeeze %dma_start3A_389 : memref<1x512xf32, #tpu.memory_space<hbm>> -> memref<512xf32, #tpu.memory_space<hbm>>
            %dma_start3A_391 = arith.constant 0 : i32
            %dma_start3A_392 = tpu.memref_slice %arg9[%add3A_383, %dma_start3A_391] : memref<1024x512xf32, #tpu.memory_space<hbm>> -> memref<1x512xf32, #tpu.memory_space<hbm>>
            %dma_start3A_393 = tpu.memref_squeeze %dma_start3A_392 : memref<1x512xf32, #tpu.memory_space<hbm>> -> memref<512xf32, #tpu.memory_space<hbm>>
            %dma_start3A_394 = arith.constant 0 : i32
            %dma_start3A_395 = tpu.memref_slice %arg17[%dma_start3A_384, %dma_start3A_394] : memref<2x512xf32, #tpu.memory_space<vmem>> -> memref<1x512xf32, #tpu.memory_space<vmem>>
            %dma_start3A_396 = tpu.memref_squeeze %dma_start3A_395 : memref<1x512xf32, #tpu.memory_space<vmem>> -> memref<512xf32, #tpu.memory_space<vmem>>
            tpu.enqueue_dma source(%dma_start3A_396 : memref<512xf32, #tpu.memory_space<vmem>>) target(%dma_start3A_393 : memref<512xf32, #tpu.memory_space<hbm>>) target_semaphore(%arg24 : memref<!tpu.dma_semaphore, #tpu.memory_space<semaphore_mem>>)
          } else {
          }
          %and3A_348 = arith.constant 1 : i32
          %and3A_349 = arith.andi %shift_right_logical3A_181, %and3A_348 : i32
          %eq3A_350 = arith.constant 1 : i32
          %eq3A_351 = arith.cmpi eq, %and3A_349, %eq3A_350 : i32
          %convert_element_type3A_352 = arith.extui %eq3A_351 : i1 to i32
          %cond3A_353 = arith.constant 0 : i32
          %cond3A_354 = arith.cmpi ne, %convert_element_type3A_352, %cond3A_353 : i32
          scf.if %cond3A_354 {
            %add3A_355 = arith.addi %mul3A_2, %shift_right_logical3A_181 : i32
            %dma_start3A_356 = arith.constant 1 : i32
            %dma_start3A_357 = arith.constant 0 : i32
            %dma_start3A_358 = tpu.memref_slice %arg15[%dma_start3A_356, %dma_start3A_357] : memref<2x512xf32, #tpu.memory_space<vmem>> -> memref<1x512xf32, #tpu.memory_space<vmem>>
            %dma_start3A_359 = tpu.memref_squeeze %dma_start3A_358 : memref<1x512xf32, #tpu.memory_space<vmem>> -> memref<512xf32, #tpu.memory_space<vmem>>
            %dma_start3A_360 = arith.constant 0 : i32
            %dma_start3A_361 = tpu.memref_slice %arg7[%add3A_355, %dma_start3A_360] : memref<1024x512xf32, #tpu.memory_space<hbm>> -> memref<1x512xf32, #tpu.memory_space<hbm>>
            %dma_start3A_362 = tpu.memref_squeeze %dma_start3A_361 : memref<1x512xf32, #tpu.memory_space<hbm>> -> memref<512xf32, #tpu.memory_space<hbm>>
            %dma_start3A_363 = arith.constant 0 : i32
            %dma_start3A_364 = tpu.memref_slice %arg7[%add3A_355, %dma_start3A_363] : memref<1024x512xf32, #tpu.memory_space<hbm>> -> memref<1x512xf32, #tpu.memory_space<hbm>>
            %dma_start3A_365 = tpu.memref_squeeze %dma_start3A_364 : memref<1x512xf32, #tpu.memory_space<hbm>> -> memref<512xf32, #tpu.memory_space<hbm>>
            %dma_start3A_366 = arith.constant 0 : i32
            %dma_start3A_367 = tpu.memref_slice %arg15[%dma_start3A_356, %dma_start3A_366] : memref<2x512xf32, #tpu.memory_space<vmem>> -> memref<1x512xf32, #tpu.memory_space<vmem>>
            %dma_start3A_368 = tpu.memref_squeeze %dma_start3A_367 : memref<1x512xf32, #tpu.memory_space<vmem>> -> memref<512xf32, #tpu.memory_space<vmem>>
            tpu.enqueue_dma source(%dma_start3A_368 : memref<512xf32, #tpu.memory_space<vmem>>) target(%dma_start3A_365 : memref<512xf32, #tpu.memory_space<hbm>>) target_semaphore(%arg25 : memref<!tpu.dma_semaphore, #tpu.memory_space<semaphore_mem>>)
            %add3A_369 = arith.addi %mul3A_2, %shift_right_logical3A_181 : i32
            %dma_start3A_370 = arith.constant 1 : i32
            %dma_start3A_371 = arith.constant 0 : i32
            %dma_start3A_372 = tpu.memref_slice %arg16[%dma_start3A_370, %dma_start3A_371] : memref<2x512xf32, #tpu.memory_space<vmem>> -> memref<1x512xf32, #tpu.memory_space<vmem>>
            %dma_start3A_373 = tpu.memref_squeeze %dma_start3A_372 : memref<1x512xf32, #tpu.memory_space<vmem>> -> memref<512xf32, #tpu.memory_space<vmem>>
            %dma_start3A_374 = arith.constant 0 : i32
            %dma_start3A_375 = tpu.memref_slice %arg8[%add3A_369, %dma_start3A_374] : memref<1024x512xf32, #tpu.memory_space<hbm>> -> memref<1x512xf32, #tpu.memory_space<hbm>>
            %dma_start3A_376 = tpu.memref_squeeze %dma_start3A_375 : memref<1x512xf32, #tpu.memory_space<hbm>> -> memref<512xf32, #tpu.memory_space<hbm>>
            %dma_start3A_377 = arith.constant 0 : i32
            %dma_start3A_378 = tpu.memref_slice %arg8[%add3A_369, %dma_start3A_377] : memref<1024x512xf32, #tpu.memory_space<hbm>> -> memref<1x512xf32, #tpu.memory_space<hbm>>
            %dma_start3A_379 = tpu.memref_squeeze %dma_start3A_378 : memref<1x512xf32, #tpu.memory_space<hbm>> -> memref<512xf32, #tpu.memory_space<hbm>>
            %dma_start3A_380 = arith.constant 0 : i32
            %dma_start3A_381 = tpu.memref_slice %arg16[%dma_start3A_370, %dma_start3A_380] : memref<2x512xf32, #tpu.memory_space<vmem>> -> memref<1x512xf32, #tpu.memory_space<vmem>>
            %dma_start3A_382 = tpu.memref_squeeze %dma_start3A_381 : memref<1x512xf32, #tpu.memory_space<vmem>> -> memref<512xf32, #tpu.memory_space<vmem>>
            tpu.enqueue_dma source(%dma_start3A_382 : memref<512xf32, #tpu.memory_space<vmem>>) target(%dma_start3A_379 : memref<512xf32, #tpu.memory_space<hbm>>) target_semaphore(%arg25 : memref<!tpu.dma_semaphore, #tpu.memory_space<semaphore_mem>>)
            %add3A_383 = arith.addi %mul3A_2, %shift_right_logical3A_181 : i32
            %dma_start3A_384 = arith.constant 1 : i32
            %dma_start3A_385 = arith.constant 0 : i32
            %dma_start3A_386 = tpu.memref_slice %arg17[%dma_start3A_384, %dma_start3A_385] : memref<2x512xf32, #tpu.memory_space<vmem>> -> memref<1x512xf32, #tpu.memory_space<vmem>>
            %dma_start3A_387 = tpu.memref_squeeze %dma_start3A_386 : memref<1x512xf32, #tpu.memory_space<vmem>> -> memref<512xf32, #tpu.memory_space<vmem>>
            %dma_start3A_388 = arith.constant 0 : i32
            %dma_start3A_389 = tpu.memref_slice %arg9[%add3A_383, %dma_start3A_388] : memref<1024x512xf32, #tpu.memory_space<hbm>> -> memref<1x512xf32, #tpu.memory_space<hbm>>
            %dma_start3A_390 = tpu.memref_squeeze %dma_start3A_389 : memref<1x512xf32, #tpu.memory_space<hbm>> -> memref<512xf32, #tpu.memory_space<hbm>>
            %dma_start3A_391 = arith.constant 0 : i32
            %dma_start3A_392 = tpu.memref_slice %arg9[%add3A_383, %dma_start3A_391] : memref<1024x512xf32, #tpu.memory_space<hbm>> -> memref<1x512xf32, #tpu.memory_space<hbm>>
            %dma_start3A_393 = tpu.memref_squeeze %dma_start3A_392 : memref<1x512xf32, #tpu.memory_space<hbm>> -> memref<512xf32, #tpu.memory_space<hbm>>
            %dma_start3A_394 = arith.constant 0 : i32
            %dma_start3A_395 = tpu.memref_slice %arg17[%dma_start3A_384, %dma_start3A_394] : memref<2x512xf32, #tpu.memory_space<vmem>> -> memref<1x512xf32, #tpu.memory_space<vmem>>
            %dma_start3A_396 = tpu.memref_squeeze %dma_start3A_395 : memref<1x512xf32, #tpu.memory_space<vmem>> -> memref<512xf32, #tpu.memory_space<vmem>>
            tpu.enqueue_dma source(%dma_start3A_396 : memref<512xf32, #tpu.memory_space<vmem>>) target(%dma_start3A_393 : memref<512xf32, #tpu.memory_space<hbm>>) target_semaphore(%arg25 : memref<!tpu.dma_semaphore, #tpu.memory_space<semaphore_mem>>)
          } else {
          }
        } else {
        }
      } else {
      }
      %add3A_171 = arith.constant 2 : i32
      %add3A_172 = arith.addi %add3A_159, %add3A_171 : i32
      %lt3A_173 = arith.constant 256 : i32
      %lt3A_174 = arith.cmpi slt, %add3A_172, %lt3A_173 : i32
      %convert_element_type3A_175 = arith.extui %lt3A_174 : i1 to i32
      %cond3A_176 = arith.constant 0 : i32
      %cond3A_177 = arith.cmpi ne, %convert_element_type3A_175, %cond3A_176 : i32
      scf.if %cond3A_177 {
        %add3A_178 = arith.constant 2 : i32
        %add3A_179 = arith.addi %add3A_159, %add3A_178 : i32
        %shift_right_logical3A_180 = arith.constant 3 : i32
        %shift_right_logical3A_181 = arith.shrui %add3A_179, %shift_right_logical3A_180 : i32
        %and3A_182 = arith.constant 7 : i32
        %and3A_183 = arith.andi %add3A_179, %and3A_182 : i32
        %dma_wait3A_184 = arith.constant 0 : i32
        %dma_wait3A_185 = arith.constant 128 : i32
        %dma_wait3A_186 = arith.constant 0 : i32
        %dma_wait3A_187 = tpu.memref_slice %arg13[%dma_wait3A_185, %dma_wait3A_186] : memref<192x128xf32, #tpu.memory_space<vmem>> -> memref<64x128xf32, #tpu.memory_space<vmem>>
        %dma_wait3A_188 = arith.constant 0 : i32
        %dma_wait3A_189 = tpu.memref_slice %arg10[%dma_wait3A_184, %dma_wait3A_188] : memref<32x512xi32, #tpu.memory_space<vmem>> -> memref<1x64xi32, #tpu.memory_space<vmem>>
        %dma_wait3A_190 = tpu.memref_squeeze %dma_wait3A_189 : memref<1x64xi32, #tpu.memory_space<vmem>> -> memref<64xi32, #tpu.memory_space<vmem>>
        %dma_wait3A_191 = arith.constant 0 : i32
        %dma_wait3A_192 = arith.constant 0 : i32
        %dma_wait3A_193 = tpu.memref_slice %arg2[%dma_wait3A_191, %dma_wait3A_192] : memref<100000x128xf32, #tpu.memory_space<hbm>> -> memref<100000x128xf32, #tpu.memory_space<hbm>>
        tpu.wait_indirect_dma semaphore(%arg20 : memref<!tpu.dma_semaphore, #tpu.memory_space<semaphore_mem>>) src(%dma_wait3A_193 : memref<100000x128xf32, #tpu.memory_space<hbm>>) dst(%dma_wait3A_187 : memref<64x128xf32, #tpu.memory_space<vmem>>)
        %dma_wait3A_194 = arith.constant 0 : i32
        %dma_wait3A_195 = arith.constant 128 : i32
        %dma_wait3A_196 = arith.constant 0 : i32
        %dma_wait3A_197 = tpu.memref_slice %arg14[%dma_wait3A_195, %dma_wait3A_196] : memref<192x128xf32, #tpu.memory_space<vmem>> -> memref<64x128xf32, #tpu.memory_space<vmem>>
        %dma_wait3A_198 = arith.constant 0 : i32
        %dma_wait3A_199 = tpu.memref_slice %arg10[%dma_wait3A_194, %dma_wait3A_198] : memref<32x512xi32, #tpu.memory_space<vmem>> -> memref<1x64xi32, #tpu.memory_space<vmem>>
        %dma_wait3A_200 = tpu.memref_squeeze %dma_wait3A_199 : memref<1x64xi32, #tpu.memory_space<vmem>> -> memref<64xi32, #tpu.memory_space<vmem>>
        %dma_wait3A_201 = arith.constant 0 : i32
        %dma_wait3A_202 = arith.constant 0 : i32
        %dma_wait3A_203 = tpu.memref_slice %arg3[%dma_wait3A_201, %dma_wait3A_202] : memref<100000x128xf32, #tpu.memory_space<hbm>> -> memref<100000x128xf32, #tpu.memory_space<hbm>>
        tpu.wait_indirect_dma semaphore(%arg23 : memref<!tpu.dma_semaphore, #tpu.memory_space<semaphore_mem>>) src(%dma_wait3A_203 : memref<100000x128xf32, #tpu.memory_space<hbm>>) dst(%dma_wait3A_197 : memref<64x128xf32, #tpu.memory_space<vmem>>)
        %eq3A = arith.constant 0 : i32
        %eq3A_204 = arith.cmpi eq, %and3A_183, %eq3A : i32
        %ge3A = arith.constant 2 : i32
        %ge3A_205 = arith.cmpi sge, %shift_right_logical3A_181, %ge3A : i32
        %and3A_206 = arith.andi %eq3A_204, %ge3A_205 : i1
        %and3A_207 = arith.constant 1 : i32
        %and3A_208 = arith.andi %shift_right_logical3A_181, %and3A_207 : i32
        %eq3A_209 = arith.constant 0 : i32
        %eq3A_210 = arith.cmpi eq, %and3A_208, %eq3A_209 : i32
        %and3A_211 = arith.andi %and3A_206, %eq3A_210 : i1
        %convert_element_type3A_212 = arith.extui %and3A_211 : i1 to i32
        %cond3A_213 = arith.constant 0 : i32
        %cond3A_214 = arith.cmpi ne, %convert_element_type3A_212, %cond3A_213 : i32
        scf.if %cond3A_214 {
          %dma_wait3A_341 = arith.constant 0 : i32
          %dma_wait3A_342 = arith.constant 0 : i32
          %dma_wait3A_343 = tpu.memref_slice %arg15[%dma_wait3A_341, %dma_wait3A_342] : memref<2x512xf32, #tpu.memory_space<vmem>> -> memref<1x512xf32, #tpu.memory_space<vmem>>
          %dma_wait3A_344 = tpu.memref_squeeze %dma_wait3A_343 : memref<1x512xf32, #tpu.memory_space<vmem>> -> memref<512xf32, #tpu.memory_space<vmem>>
          %dma_wait3A_345 = arith.constant 0 : i32
          %dma_wait3A_346 = tpu.memref_slice %arg7[%mul3A_2, %dma_wait3A_345] : memref<1024x512xf32, #tpu.memory_space<hbm>> -> memref<1x512xf32, #tpu.memory_space<hbm>>
          %dma_wait3A_347 = tpu.memref_squeeze %dma_wait3A_346 : memref<1x512xf32, #tpu.memory_space<hbm>> -> memref<512xf32, #tpu.memory_space<hbm>>
          %dma_wait3A_348 = arith.constant 0 : i32
          %dma_wait3A_349 = tpu.memref_slice %arg7[%mul3A_2, %dma_wait3A_348] : memref<1024x512xf32, #tpu.memory_space<hbm>> -> memref<1x512xf32, #tpu.memory_space<hbm>>
          %dma_wait3A_350 = tpu.memref_squeeze %dma_wait3A_349 : memref<1x512xf32, #tpu.memory_space<hbm>> -> memref<512xf32, #tpu.memory_space<hbm>>
          %dma_wait3A_351 = arith.constant 0 : i32
          %dma_wait3A_352 = tpu.memref_slice %arg15[%dma_wait3A_341, %dma_wait3A_351] : memref<2x512xf32, #tpu.memory_space<vmem>> -> memref<1x512xf32, #tpu.memory_space<vmem>>
          %dma_wait3A_353 = tpu.memref_squeeze %dma_wait3A_352 : memref<1x512xf32, #tpu.memory_space<vmem>> -> memref<512xf32, #tpu.memory_space<vmem>>
          tpu.wait_dma2 semaphore(%arg24 : memref<!tpu.dma_semaphore, #tpu.memory_space<semaphore_mem>>) src(%dma_wait3A_353 : memref<512xf32, #tpu.memory_space<vmem>>) dst(%dma_wait3A_350 : memref<512xf32, #tpu.memory_space<hbm>>)
          %dma_wait3A_354 = arith.constant 0 : i32
          %dma_wait3A_355 = arith.constant 0 : i32
          %dma_wait3A_356 = tpu.memref_slice %arg16[%dma_wait3A_354, %dma_wait3A_355] : memref<2x512xf32, #tpu.memory_space<vmem>> -> memref<1x512xf32, #tpu.memory_space<vmem>>
          %dma_wait3A_357 = tpu.memref_squeeze %dma_wait3A_356 : memref<1x512xf32, #tpu.memory_space<vmem>> -> memref<512xf32, #tpu.memory_space<vmem>>
          %dma_wait3A_358 = arith.constant 0 : i32
          %dma_wait3A_359 = tpu.memref_slice %arg8[%mul3A_2, %dma_wait3A_358] : memref<1024x512xf32, #tpu.memory_space<hbm>> -> memref<1x512xf32, #tpu.memory_space<hbm>>
          %dma_wait3A_360 = tpu.memref_squeeze %dma_wait3A_359 : memref<1x512xf32, #tpu.memory_space<hbm>> -> memref<512xf32, #tpu.memory_space<hbm>>
          %dma_wait3A_361 = arith.constant 0 : i32
          %dma_wait3A_362 = tpu.memref_slice %arg8[%mul3A_2, %dma_wait3A_361] : memref<1024x512xf32, #tpu.memory_space<hbm>> -> memref<1x512xf32, #tpu.memory_space<hbm>>
          %dma_wait3A_363 = tpu.memref_squeeze %dma_wait3A_362 : memref<1x512xf32, #tpu.memory_space<hbm>> -> memref<512xf32, #tpu.memory_space<hbm>>
          %dma_wait3A_364 = arith.constant 0 : i32
          %dma_wait3A_365 = tpu.memref_slice %arg16[%dma_wait3A_354, %dma_wait3A_364] : memref<2x512xf32, #tpu.memory_space<vmem>> -> memref<1x512xf32, #tpu.memory_space<vmem>>
          %dma_wait3A_366 = tpu.memref_squeeze %dma_wait3A_365 : memref<1x512xf32, #tpu.memory_space<vmem>> -> memref<512xf32, #tpu.memory_space<vmem>>
          tpu.wait_dma2 semaphore(%arg24 : memref<!tpu.dma_semaphore, #tpu.memory_space<semaphore_mem>>) src(%dma_wait3A_366 : memref<512xf32, #tpu.memory_space<vmem>>) dst(%dma_wait3A_363 : memref<512xf32, #tpu.memory_space<hbm>>)
          %dma_wait3A_367 = arith.constant 0 : i32
          %dma_wait3A_368 = arith.constant 0 : i32
          %dma_wait3A_369 = tpu.memref_slice %arg17[%dma_wait3A_367, %dma_wait3A_368] : memref<2x512xf32, #tpu.memory_space<vmem>> -> memref<1x512xf32, #tpu.memory_space<vmem>>
          %dma_wait3A_370 = tpu.memref_squeeze %dma_wait3A_369 : memref<1x512xf32, #tpu.memory_space<vmem>> -> memref<512xf32, #tpu.memory_space<vmem>>
          %dma_wait3A_371 = arith.constant 0 : i32
          %dma_wait3A_372 = tpu.memref_slice %arg9[%mul3A_2, %dma_wait3A_371] : memref<1024x512xf32, #tpu.memory_space<hbm>> -> memref<1x512xf32, #tpu.memory_space<hbm>>
          %dma_wait3A_373 = tpu.memref_squeeze %dma_wait3A_372 : memref<1x512xf32, #tpu.memory_space<hbm>> -> memref<512xf32, #tpu.memory_space<hbm>>
          %dma_wait3A_374 = arith.constant 0 : i32
          %dma_wait3A_375 = tpu.memref_slice %arg9[%mul3A_2, %dma_wait3A_374] : memref<1024x512xf32, #tpu.memory_space<hbm>> -> memref<1x512xf32, #tpu.memory_space<hbm>>
          %dma_wait3A_376 = tpu.memref_squeeze %dma_wait3A_375 : memref<1x512xf32, #tpu.memory_space<hbm>> -> memref<512xf32, #tpu.memory_space<hbm>>
          %dma_wait3A_377 = arith.constant 0 : i32
          %dma_wait3A_378 = tpu.memref_slice %arg17[%dma_wait3A_367, %dma_wait3A_377] : memref<2x512xf32, #tpu.memory_space<vmem>> -> memref<1x512xf32, #tpu.memory_space<vmem>>
          %dma_wait3A_379 = tpu.memref_squeeze %dma_wait3A_378 : memref<1x512xf32, #tpu.memory_space<vmem>> -> memref<512xf32, #tpu.memory_space<vmem>>
          tpu.wait_dma2 semaphore(%arg24 : memref<!tpu.dma_semaphore, #tpu.memory_space<semaphore_mem>>) src(%dma_wait3A_379 : memref<512xf32, #tpu.memory_space<vmem>>) dst(%dma_wait3A_376 : memref<512xf32, #tpu.memory_space<hbm>>)
        } else {
        }
        %eq3A_215 = arith.constant 0 : i32
        %eq3A_216 = arith.cmpi eq, %and3A_183, %eq3A_215 : i32
        %ge3A_217 = arith.constant 2 : i32
        %ge3A_218 = arith.cmpi sge, %shift_right_logical3A_181, %ge3A_217 : i32
        %and3A_219 = arith.andi %eq3A_216, %ge3A_218 : i1
        %and3A_220 = arith.constant 1 : i32
        %and3A_221 = arith.andi %shift_right_logical3A_181, %and3A_220 : i32
        %eq3A_222 = arith.constant 1 : i32
        %eq3A_223 = arith.cmpi eq, %and3A_221, %eq3A_222 : i32
        %and3A_224 = arith.andi %and3A_219, %eq3A_223 : i1
        %convert_element_type3A_225 = arith.extui %and3A_224 : i1 to i32
        %cond3A_226 = arith.constant 0 : i32
        %cond3A_227 = arith.cmpi ne, %convert_element_type3A_225, %cond3A_226 : i32
        scf.if %cond3A_227 {
          %dma_wait3A_341 = arith.constant 1 : i32
          %dma_wait3A_342 = arith.constant 0 : i32
          %dma_wait3A_343 = tpu.memref_slice %arg15[%dma_wait3A_341, %dma_wait3A_342] : memref<2x512xf32, #tpu.memory_space<vmem>> -> memref<1x512xf32, #tpu.memory_space<vmem>>
          %dma_wait3A_344 = tpu.memref_squeeze %dma_wait3A_343 : memref<1x512xf32, #tpu.memory_space<vmem>> -> memref<512xf32, #tpu.memory_space<vmem>>
          %dma_wait3A_345 = arith.constant 0 : i32
          %dma_wait3A_346 = tpu.memref_slice %arg7[%mul3A_2, %dma_wait3A_345] : memref<1024x512xf32, #tpu.memory_space<hbm>> -> memref<1x512xf32, #tpu.memory_space<hbm>>
          %dma_wait3A_347 = tpu.memref_squeeze %dma_wait3A_346 : memref<1x512xf32, #tpu.memory_space<hbm>> -> memref<512xf32, #tpu.memory_space<hbm>>
          %dma_wait3A_348 = arith.constant 0 : i32
          %dma_wait3A_349 = tpu.memref_slice %arg7[%mul3A_2, %dma_wait3A_348] : memref<1024x512xf32, #tpu.memory_space<hbm>> -> memref<1x512xf32, #tpu.memory_space<hbm>>
          %dma_wait3A_350 = tpu.memref_squeeze %dma_wait3A_349 : memref<1x512xf32, #tpu.memory_space<hbm>> -> memref<512xf32, #tpu.memory_space<hbm>>
          %dma_wait3A_351 = arith.constant 0 : i32
          %dma_wait3A_352 = tpu.memref_slice %arg15[%dma_wait3A_341, %dma_wait3A_351] : memref<2x512xf32, #tpu.memory_space<vmem>> -> memref<1x512xf32, #tpu.memory_space<vmem>>
          %dma_wait3A_353 = tpu.memref_squeeze %dma_wait3A_352 : memref<1x512xf32, #tpu.memory_space<vmem>> -> memref<512xf32, #tpu.memory_space<vmem>>
          tpu.wait_dma2 semaphore(%arg25 : memref<!tpu.dma_semaphore, #tpu.memory_space<semaphore_mem>>) src(%dma_wait3A_353 : memref<512xf32, #tpu.memory_space<vmem>>) dst(%dma_wait3A_350 : memref<512xf32, #tpu.memory_space<hbm>>)
          %dma_wait3A_354 = arith.constant 1 : i32
          %dma_wait3A_355 = arith.constant 0 : i32
          %dma_wait3A_356 = tpu.memref_slice %arg16[%dma_wait3A_354, %dma_wait3A_355] : memref<2x512xf32, #tpu.memory_space<vmem>> -> memref<1x512xf32, #tpu.memory_space<vmem>>
          %dma_wait3A_357 = tpu.memref_squeeze %dma_wait3A_356 : memref<1x512xf32, #tpu.memory_space<vmem>> -> memref<512xf32, #tpu.memory_space<vmem>>
          %dma_wait3A_358 = arith.constant 0 : i32
          %dma_wait3A_359 = tpu.memref_slice %arg8[%mul3A_2, %dma_wait3A_358] : memref<1024x512xf32, #tpu.memory_space<hbm>> -> memref<1x512xf32, #tpu.memory_space<hbm>>
          %dma_wait3A_360 = tpu.memref_squeeze %dma_wait3A_359 : memref<1x512xf32, #tpu.memory_space<hbm>> -> memref<512xf32, #tpu.memory_space<hbm>>
          %dma_wait3A_361 = arith.constant 0 : i32
          %dma_wait3A_362 = tpu.memref_slice %arg8[%mul3A_2, %dma_wait3A_361] : memref<1024x512xf32, #tpu.memory_space<hbm>> -> memref<1x512xf32, #tpu.memory_space<hbm>>
          %dma_wait3A_363 = tpu.memref_squeeze %dma_wait3A_362 : memref<1x512xf32, #tpu.memory_space<hbm>> -> memref<512xf32, #tpu.memory_space<hbm>>
          %dma_wait3A_364 = arith.constant 0 : i32
          %dma_wait3A_365 = tpu.memref_slice %arg16[%dma_wait3A_354, %dma_wait3A_364] : memref<2x512xf32, #tpu.memory_space<vmem>> -> memref<1x512xf32, #tpu.memory_space<vmem>>
          %dma_wait3A_366 = tpu.memref_squeeze %dma_wait3A_365 : memref<1x512xf32, #tpu.memory_space<vmem>> -> memref<512xf32, #tpu.memory_space<vmem>>
          tpu.wait_dma2 semaphore(%arg25 : memref<!tpu.dma_semaphore, #tpu.memory_space<semaphore_mem>>) src(%dma_wait3A_366 : memref<512xf32, #tpu.memory_space<vmem>>) dst(%dma_wait3A_363 : memref<512xf32, #tpu.memory_space<hbm>>)
          %dma_wait3A_367 = arith.constant 1 : i32
          %dma_wait3A_368 = arith.constant 0 : i32
          %dma_wait3A_369 = tpu.memref_slice %arg17[%dma_wait3A_367, %dma_wait3A_368] : memref<2x512xf32, #tpu.memory_space<vmem>> -> memref<1x512xf32, #tpu.memory_space<vmem>>
          %dma_wait3A_370 = tpu.memref_squeeze %dma_wait3A_369 : memref<1x512xf32, #tpu.memory_space<vmem>> -> memref<512xf32, #tpu.memory_space<vmem>>
          %dma_wait3A_371 = arith.constant 0 : i32
          %dma_wait3A_372 = tpu.memref_slice %arg9[%mul3A_2, %dma_wait3A_371] : memref<1024x512xf32, #tpu.memory_space<hbm>> -> memref<1x512xf32, #tpu.memory_space<hbm>>
          %dma_wait3A_373 = tpu.memref_squeeze %dma_wait3A_372 : memref<1x512xf32, #tpu.memory_space<hbm>> -> memref<512xf32, #tpu.memory_space<hbm>>
          %dma_wait3A_374 = arith.constant 0 : i32
          %dma_wait3A_375 = tpu.memref_slice %arg9[%mul3A_2, %dma_wait3A_374] : memref<1024x512xf32, #tpu.memory_space<hbm>> -> memref<1x512xf32, #tpu.memory_space<hbm>>
          %dma_wait3A_376 = tpu.memref_squeeze %dma_wait3A_375 : memref<1x512xf32, #tpu.memory_space<hbm>> -> memref<512xf32, #tpu.memory_space<hbm>>
          %dma_wait3A_377 = arith.constant 0 : i32
          %dma_wait3A_378 = tpu.memref_slice %arg17[%dma_wait3A_367, %dma_wait3A_377] : memref<2x512xf32, #tpu.memory_space<vmem>> -> memref<1x512xf32, #tpu.memory_space<vmem>>
          %dma_wait3A_379 = tpu.memref_squeeze %dma_wait3A_378 : memref<1x512xf32, #tpu.memory_space<vmem>> -> memref<512xf32, #tpu.memory_space<vmem>>
          tpu.wait_dma2 semaphore(%arg25 : memref<!tpu.dma_semaphore, #tpu.memory_space<semaphore_mem>>) src(%dma_wait3A_379 : memref<512xf32, #tpu.memory_space<vmem>>) dst(%dma_wait3A_376 : memref<512xf32, #tpu.memory_space<hbm>>)
        } else {
        }
        %add3A_228 = arith.constant 128 : i32
        %add3A_229 = vector.broadcast %add3A_228 : i32 to vector<16xi32>
        %add3A_230 = arith.addi %iota3A, %add3A_229 : vector<16xi32>
        %add3A_231 = arith.constant 144 : i32
        %add3A_232 = vector.broadcast %add3A_231 : i32 to vector<16xi32>
        %add3A_233 = arith.addi %iota3A, %add3A_232 : vector<16xi32>
        %add3A_234 = arith.constant 160 : i32
        %add3A_235 = vector.broadcast %add3A_234 : i32 to vector<16xi32>
        %add3A_236 = arith.addi %iota3A, %add3A_235 : vector<16xi32>
        %add3A_237 = arith.constant 176 : i32
        %add3A_238 = vector.broadcast %add3A_237 : i32 to vector<16xi32>
        %add3A_239 = arith.addi %iota3A, %add3A_238 : vector<16xi32>
        %add3A_240 = vector.broadcast %shift_right_logical3A_181 : i32 to vector<16xi32>
        %add3A_241 = arith.addi %broadcast_in_dim3A_3, %add3A_240 : vector<16xi32>
        %broadcast_in_dim3A_242 = arith.constant 0.000000e+00 : f32
        %broadcast_in_dim3A_243 = vector.broadcast %broadcast_in_dim3A_242 : f32 to vector<16xf32>
        %scan3A_244 = arith.constant 0 : i32
        %scan3A_245 = arith.constant 128 : i32
        %scan3A_246 = arith.addi %scan3A_244, %scan3A_245 : i32
        %scan3A_247 = arith.constant 2 : i32
        %scan3A_248:12 = scf.for %scan3A_341 = %scan3A_244 to %scan3A_246 step %scan3A_247 iter_args(%scan3A_342 = %broadcast_in_dim3A_243, %scan3A_343 = %broadcast_in_dim3A_243, %scan3A_344 = %broadcast_in_dim3A_243, %scan3A_345 = %broadcast_in_dim3A_243, %scan3A_346 = %broadcast_in_dim3A_243, %scan3A_347 = %broadcast_in_dim3A_243, %scan3A_348 = %broadcast_in_dim3A_243, %scan3A_349 = %broadcast_in_dim3A_243, %scan3A_350 = %broadcast_in_dim3A_243, %scan3A_351 = %broadcast_in_dim3A_243, %scan3A_352 = %broadcast_in_dim3A_243, %scan3A_353 = %broadcast_in_dim3A_243) -> (vector<16xf32>, vector<16xf32>, vector<16xf32>, vector<16xf32>, vector<16xf32>, vector<16xf32>, vector<16xf32>, vector<16xf32>, vector<16xf32>, vector<16xf32>, vector<16xf32>, vector<16xf32>)  : i32 {
          %and3A_354 = arith.constant -16 : i32
          %and3A_355 = arith.andi %scan3A_341, %and3A_354 : i32
          %add3A_356 = vector.broadcast %scan3A_341 : i32 to vector<16xi32>
          %add3A_357 = arith.addi %iota3A, %add3A_356 : vector<16xi32>
          %and3A_358 = arith.constant 15 : i32
          %and3A_359 = vector.broadcast %and3A_358 : i32 to vector<16xi32>
          %and3A_360 = arith.andi %add3A_357, %and3A_359 : vector<16xi32>
          %add3A_361 = vector.broadcast %and3A_355 : i32 to vector<16xi32>
          %add3A_362 = arith.addi %add3A_361, %and3A_360 : vector<16xi32>
          %gather3A = tpu.vector_load_idx %arg11[%add3A_241, %add3A_362] : memref<32x128xf32, #tpu.memory_space<vmem>>[vector<16xi32>, vector<16xi32>], vector<16xf32>,
          %gather3A_363 = tpu.vector_load_idx %arg12[%add3A_241, %add3A_362] : memref<32x128xf32, #tpu.memory_space<vmem>>[vector<16xi32>, vector<16xi32>], vector<16xf32>,
          %gather3A_364 = tpu.vector_load_idx %arg13[%add3A_230, %add3A_362] : memref<192x128xf32, #tpu.memory_space<vmem>>[vector<16xi32>, vector<16xi32>], vector<16xf32>,
          %gather3A_365 = tpu.vector_load_idx %arg14[%add3A_230, %add3A_362] : memref<192x128xf32, #tpu.memory_space<vmem>>[vector<16xi32>, vector<16xi32>], vector<16xf32>,
          %mul3A_366 = arith.mulf %gather3A_364, %gather3A_363 : vector<16xf32>
          %add3A_367 = arith.addf %scan3A_342, %mul3A_366 : vector<16xf32>
          %mul3A_368 = arith.mulf %gather3A_364, %gather3A : vector<16xf32>
          %add3A_369 = arith.addf %scan3A_343, %mul3A_368 : vector<16xf32>
          %mul3A_370 = arith.mulf %gather3A_365, %gather3A : vector<16xf32>
          %add3A_371 = arith.addf %scan3A_344, %mul3A_370 : vector<16xf32>
          %gather3A_372 = tpu.vector_load_idx %arg13[%add3A_233, %add3A_362] : memref<192x128xf32, #tpu.memory_space<vmem>>[vector<16xi32>, vector<16xi32>], vector<16xf32>,
          %gather3A_373 = tpu.vector_load_idx %arg14[%add3A_233, %add3A_362] : memref<192x128xf32, #tpu.memory_space<vmem>>[vector<16xi32>, vector<16xi32>], vector<16xf32>,
          %mul3A_374 = arith.mulf %gather3A_372, %gather3A_363 : vector<16xf32>
          %add3A_375 = arith.addf %scan3A_345, %mul3A_374 : vector<16xf32>
          %mul3A_376 = arith.mulf %gather3A_372, %gather3A : vector<16xf32>
          %add3A_377 = arith.addf %scan3A_346, %mul3A_376 : vector<16xf32>
          %mul3A_378 = arith.mulf %gather3A_373, %gather3A : vector<16xf32>
          %add3A_379 = arith.addf %scan3A_347, %mul3A_378 : vector<16xf32>
          %gather3A_380 = tpu.vector_load_idx %arg13[%add3A_236, %add3A_362] : memref<192x128xf32, #tpu.memory_space<vmem>>[vector<16xi32>, vector<16xi32>], vector<16xf32>,
          %gather3A_381 = tpu.vector_load_idx %arg14[%add3A_236, %add3A_362] : memref<192x128xf32, #tpu.memory_space<vmem>>[vector<16xi32>, vector<16xi32>], vector<16xf32>,
          %mul3A_382 = arith.mulf %gather3A_380, %gather3A_363 : vector<16xf32>
          %add3A_383 = arith.addf %scan3A_348, %mul3A_382 : vector<16xf32>
          %mul3A_384 = arith.mulf %gather3A_380, %gather3A : vector<16xf32>
          %add3A_385 = arith.addf %scan3A_349, %mul3A_384 : vector<16xf32>
          %mul3A_386 = arith.mulf %gather3A_381, %gather3A : vector<16xf32>
          %add3A_387 = arith.addf %scan3A_350, %mul3A_386 : vector<16xf32>
          %gather3A_388 = tpu.vector_load_idx %arg13[%add3A_239, %add3A_362] : memref<192x128xf32, #tpu.memory_space<vmem>>[vector<16xi32>, vector<16xi32>], vector<16xf32>,
          %gather3A_389 = tpu.vector_load_idx %arg14[%add3A_239, %add3A_362] : memref<192x128xf32, #tpu.memory_space<vmem>>[vector<16xi32>, vector<16xi32>], vector<16xf32>,
          %mul3A_390 = arith.mulf %gather3A_388, %gather3A_363 : vector<16xf32>
          %add3A_391 = arith.addf %scan3A_351, %mul3A_390 : vector<16xf32>
          %mul3A_392 = arith.mulf %gather3A_388, %gather3A : vector<16xf32>
          %add3A_393 = arith.addf %scan3A_352, %mul3A_392 : vector<16xf32>
          %mul3A_394 = arith.mulf %gather3A_389, %gather3A : vector<16xf32>
          %add3A_395 = arith.addf %scan3A_353, %mul3A_394 : vector<16xf32>
          %scan3A_396 = arith.constant 1 : i32
          %scan3A_397 = arith.addi %scan3A_341, %scan3A_396 : i32
          %and3A_398 = arith.constant -16 : i32
          %and3A_399 = arith.andi %scan3A_397, %and3A_398 : i32
          %add3A_400 = vector.broadcast %scan3A_397 : i32 to vector<16xi32>
          %add3A_401 = arith.addi %iota3A, %add3A_400 : vector<16xi32>
          %and3A_402 = arith.constant 15 : i32
          %and3A_403 = vector.broadcast %and3A_402 : i32 to vector<16xi32>
          %and3A_404 = arith.andi %add3A_401, %and3A_403 : vector<16xi32>
          %add3A_405 = vector.broadcast %and3A_399 : i32 to vector<16xi32>
          %add3A_406 = arith.addi %add3A_405, %and3A_404 : vector<16xi32>
          %gather3A_407 = tpu.vector_load_idx %arg11[%add3A_241, %add3A_406] : memref<32x128xf32, #tpu.memory_space<vmem>>[vector<16xi32>, vector<16xi32>], vector<16xf32>,
          %gather3A_408 = tpu.vector_load_idx %arg12[%add3A_241, %add3A_406] : memref<32x128xf32, #tpu.memory_space<vmem>>[vector<16xi32>, vector<16xi32>], vector<16xf32>,
          %gather3A_409 = tpu.vector_load_idx %arg13[%add3A_230, %add3A_406] : memref<192x128xf32, #tpu.memory_space<vmem>>[vector<16xi32>, vector<16xi32>], vector<16xf32>,
          %gather3A_410 = tpu.vector_load_idx %arg14[%add3A_230, %add3A_406] : memref<192x128xf32, #tpu.memory_space<vmem>>[vector<16xi32>, vector<16xi32>], vector<16xf32>,
          %mul3A_411 = arith.mulf %gather3A_409, %gather3A_408 : vector<16xf32>
          %add3A_412 = arith.addf %add3A_367, %mul3A_411 : vector<16xf32>
          %mul3A_413 = arith.mulf %gather3A_409, %gather3A_407 : vector<16xf32>
          %add3A_414 = arith.addf %add3A_369, %mul3A_413 : vector<16xf32>
          %mul3A_415 = arith.mulf %gather3A_410, %gather3A_407 : vector<16xf32>
          %add3A_416 = arith.addf %add3A_371, %mul3A_415 : vector<16xf32>
          %gather3A_417 = tpu.vector_load_idx %arg13[%add3A_233, %add3A_406] : memref<192x128xf32, #tpu.memory_space<vmem>>[vector<16xi32>, vector<16xi32>], vector<16xf32>,
          %gather3A_418 = tpu.vector_load_idx %arg14[%add3A_233, %add3A_406] : memref<192x128xf32, #tpu.memory_space<vmem>>[vector<16xi32>, vector<16xi32>], vector<16xf32>,
          %mul3A_419 = arith.mulf %gather3A_417, %gather3A_408 : vector<16xf32>
          %add3A_420 = arith.addf %add3A_375, %mul3A_419 : vector<16xf32>
          %mul3A_421 = arith.mulf %gather3A_417, %gather3A_407 : vector<16xf32>
          %add3A_422 = arith.addf %add3A_377, %mul3A_421 : vector<16xf32>
          %mul3A_423 = arith.mulf %gather3A_418, %gather3A_407 : vector<16xf32>
          %add3A_424 = arith.addf %add3A_379, %mul3A_423 : vector<16xf32>
          %gather3A_425 = tpu.vector_load_idx %arg13[%add3A_236, %add3A_406] : memref<192x128xf32, #tpu.memory_space<vmem>>[vector<16xi32>, vector<16xi32>], vector<16xf32>,
          %gather3A_426 = tpu.vector_load_idx %arg14[%add3A_236, %add3A_406] : memref<192x128xf32, #tpu.memory_space<vmem>>[vector<16xi32>, vector<16xi32>], vector<16xf32>,
          %mul3A_427 = arith.mulf %gather3A_425, %gather3A_408 : vector<16xf32>
          %add3A_428 = arith.addf %add3A_383, %mul3A_427 : vector<16xf32>
          %mul3A_429 = arith.mulf %gather3A_425, %gather3A_407 : vector<16xf32>
          %add3A_430 = arith.addf %add3A_385, %mul3A_429 : vector<16xf32>
          %mul3A_431 = arith.mulf %gather3A_426, %gather3A_407 : vector<16xf32>
          %add3A_432 = arith.addf %add3A_387, %mul3A_431 : vector<16xf32>
          %gather3A_433 = tpu.vector_load_idx %arg13[%add3A_239, %add3A_406] : memref<192x128xf32, #tpu.memory_space<vmem>>[vector<16xi32>, vector<16xi32>], vector<16xf32>,
          %gather3A_434 = tpu.vector_load_idx %arg14[%add3A_239, %add3A_406] : memref<192x128xf32, #tpu.memory_space<vmem>>[vector<16xi32>, vector<16xi32>], vector<16xf32>,
          %mul3A_435 = arith.mulf %gather3A_433, %gather3A_408 : vector<16xf32>
          %add3A_436 = arith.addf %add3A_391, %mul3A_435 : vector<16xf32>
          %mul3A_437 = arith.mulf %gather3A_433, %gather3A_407 : vector<16xf32>
          %add3A_438 = arith.addf %add3A_393, %mul3A_437 : vector<16xf32>
          %mul3A_439 = arith.mulf %gather3A_434, %gather3A_407 : vector<16xf32>
          %add3A_440 = arith.addf %add3A_395, %mul3A_439 : vector<16xf32>
          scf.yield %add3A_412, %add3A_414, %add3A_416, %add3A_420, %add3A_422, %add3A_424, %add3A_428, %add3A_430, %add3A_432, %add3A_436, %add3A_438, %add3A_440 : vector<16xf32>, vector<16xf32>, vector<16xf32>, vector<16xf32>, vector<16xf32>, vector<16xf32>, vector<16xf32>, vector<16xf32>, vector<16xf32>, vector<16xf32>, vector<16xf32>, vector<16xf32>
        }
        %scan3A_249 = arith.constant 128 : i32
        %and3A_250 = arith.constant 1 : i32
        %and3A_251 = arith.andi %shift_right_logical3A_181, %and3A_250 : i32
        %mul3A_252 = arith.constant 64 : i32
        %mul3A_253 = arith.muli %and3A_183, %mul3A_252 : i32
        %add3A_254 = arith.constant 0 : i32
        %add3A_255 = arith.addi %mul3A_253, %add3A_254 : i32
        %mul3A_256 = vector.broadcast %scan3A : f32 to vector<16xf32>
        %mul3A_257 = arith.mulf %scan3A_248#0, %mul3A_256 : vector<16xf32>
        %swap3A = arith.index_cast %and3A_251 : i32 to index
        %swap3A_258 = arith.index_cast %add3A_255 : i32 to index
        %swap3A_259 = tpu.vector_load %arg15[%swap3A, %swap3A_258] {strides = array<i32>} : memref<2x512xf32, #tpu.memory_space<vmem>>, vector<16xf32>,
        tpu.vector_store %arg15[%swap3A, %swap3A_258], %mul3A_257 {strides = array<i32>} : memref<2x512xf32, #tpu.memory_space<vmem>>, vector<16xf32>,
        %mul3A_260 = vector.broadcast %scan3A : f32 to vector<16xf32>
        %mul3A_261 = arith.mulf %scan3A_248#1, %mul3A_260 : vector<16xf32>
        %swap3A_262 = arith.index_cast %and3A_251 : i32 to index
        %swap3A_263 = arith.index_cast %add3A_255 : i32 to index
        %swap3A_264 = tpu.vector_load %arg16[%swap3A_262, %swap3A_263] {strides = array<i32>} : memref<2x512xf32, #tpu.memory_space<vmem>>, vector<16xf32>,
        tpu.vector_store %arg16[%swap3A_262, %swap3A_263], %mul3A_261 {strides = array<i32>} : memref<2x512xf32, #tpu.memory_space<vmem>>, vector<16xf32>,
        %mul3A_265 = vector.broadcast %scan3A : f32 to vector<16xf32>
        %mul3A_266 = arith.mulf %scan3A_248#2, %mul3A_265 : vector<16xf32>
        %swap3A_267 = arith.index_cast %and3A_251 : i32 to index
        %swap3A_268 = arith.index_cast %add3A_255 : i32 to index
        %swap3A_269 = tpu.vector_load %arg17[%swap3A_267, %swap3A_268] {strides = array<i32>} : memref<2x512xf32, #tpu.memory_space<vmem>>, vector<16xf32>,
        tpu.vector_store %arg17[%swap3A_267, %swap3A_268], %mul3A_266 {strides = array<i32>} : memref<2x512xf32, #tpu.memory_space<vmem>>, vector<16xf32>,
        %mul3A_270 = arith.constant 64 : i32
        %mul3A_271 = arith.muli %and3A_183, %mul3A_270 : i32
        %add3A_272 = arith.constant 16 : i32
        %add3A_273 = arith.addi %mul3A_271, %add3A_272 : i32
        %mul3A_274 = vector.broadcast %scan3A : f32 to vector<16xf32>
        %mul3A_275 = arith.mulf %scan3A_248#3, %mul3A_274 : vector<16xf32>
        %swap3A_276 = arith.index_cast %and3A_251 : i32 to index
        %swap3A_277 = arith.index_cast %add3A_273 : i32 to index
        %swap3A_278 = tpu.vector_load %arg15[%swap3A_276, %swap3A_277] {strides = array<i32>} : memref<2x512xf32, #tpu.memory_space<vmem>>, vector<16xf32>,
        tpu.vector_store %arg15[%swap3A_276, %swap3A_277], %mul3A_275 {strides = array<i32>} : memref<2x512xf32, #tpu.memory_space<vmem>>, vector<16xf32>,
        %mul3A_279 = vector.broadcast %scan3A : f32 to vector<16xf32>
        %mul3A_280 = arith.mulf %scan3A_248#4, %mul3A_279 : vector<16xf32>
        %swap3A_281 = arith.index_cast %and3A_251 : i32 to index
        %swap3A_282 = arith.index_cast %add3A_273 : i32 to index
        %swap3A_283 = tpu.vector_load %arg16[%swap3A_281, %swap3A_282] {strides = array<i32>} : memref<2x512xf32, #tpu.memory_space<vmem>>, vector<16xf32>,
        tpu.vector_store %arg16[%swap3A_281, %swap3A_282], %mul3A_280 {strides = array<i32>} : memref<2x512xf32, #tpu.memory_space<vmem>>, vector<16xf32>,
        %mul3A_284 = vector.broadcast %scan3A : f32 to vector<16xf32>
        %mul3A_285 = arith.mulf %scan3A_248#5, %mul3A_284 : vector<16xf32>
        %swap3A_286 = arith.index_cast %and3A_251 : i32 to index
        %swap3A_287 = arith.index_cast %add3A_273 : i32 to index
        %swap3A_288 = tpu.vector_load %arg17[%swap3A_286, %swap3A_287] {strides = array<i32>} : memref<2x512xf32, #tpu.memory_space<vmem>>, vector<16xf32>,
        tpu.vector_store %arg17[%swap3A_286, %swap3A_287], %mul3A_285 {strides = array<i32>} : memref<2x512xf32, #tpu.memory_space<vmem>>, vector<16xf32>,
        %mul3A_289 = arith.constant 64 : i32
        %mul3A_290 = arith.muli %and3A_183, %mul3A_289 : i32
        %add3A_291 = arith.constant 32 : i32
        %add3A_292 = arith.addi %mul3A_290, %add3A_291 : i32
        %mul3A_293 = vector.broadcast %scan3A : f32 to vector<16xf32>
        %mul3A_294 = arith.mulf %scan3A_248#6, %mul3A_293 : vector<16xf32>
        %swap3A_295 = arith.index_cast %and3A_251 : i32 to index
        %swap3A_296 = arith.index_cast %add3A_292 : i32 to index
        %swap3A_297 = tpu.vector_load %arg15[%swap3A_295, %swap3A_296] {strides = array<i32>} : memref<2x512xf32, #tpu.memory_space<vmem>>, vector<16xf32>,
        tpu.vector_store %arg15[%swap3A_295, %swap3A_296], %mul3A_294 {strides = array<i32>} : memref<2x512xf32, #tpu.memory_space<vmem>>, vector<16xf32>,
        %mul3A_298 = vector.broadcast %scan3A : f32 to vector<16xf32>
        %mul3A_299 = arith.mulf %scan3A_248#7, %mul3A_298 : vector<16xf32>
        %swap3A_300 = arith.index_cast %and3A_251 : i32 to index
        %swap3A_301 = arith.index_cast %add3A_292 : i32 to index
        %swap3A_302 = tpu.vector_load %arg16[%swap3A_300, %swap3A_301] {strides = array<i32>} : memref<2x512xf32, #tpu.memory_space<vmem>>, vector<16xf32>,
        tpu.vector_store %arg16[%swap3A_300, %swap3A_301], %mul3A_299 {strides = array<i32>} : memref<2x512xf32, #tpu.memory_space<vmem>>, vector<16xf32>,
        %mul3A_303 = vector.broadcast %scan3A : f32 to vector<16xf32>
        %mul3A_304 = arith.mulf %scan3A_248#8, %mul3A_303 : vector<16xf32>
        %swap3A_305 = arith.index_cast %and3A_251 : i32 to index
        %swap3A_306 = arith.index_cast %add3A_292 : i32 to index
        %swap3A_307 = tpu.vector_load %arg17[%swap3A_305, %swap3A_306] {strides = array<i32>} : memref<2x512xf32, #tpu.memory_space<vmem>>, vector<16xf32>,
        tpu.vector_store %arg17[%swap3A_305, %swap3A_306], %mul3A_304 {strides = array<i32>} : memref<2x512xf32, #tpu.memory_space<vmem>>, vector<16xf32>,
        %mul3A_308 = arith.constant 64 : i32
        %mul3A_309 = arith.muli %and3A_183, %mul3A_308 : i32
        %add3A_310 = arith.constant 48 : i32
        %add3A_311 = arith.addi %mul3A_309, %add3A_310 : i32
        %mul3A_312 = vector.broadcast %scan3A : f32 to vector<16xf32>
        %mul3A_313 = arith.mulf %scan3A_248#9, %mul3A_312 : vector<16xf32>
        %swap3A_314 = arith.index_cast %and3A_251 : i32 to index
        %swap3A_315 = arith.index_cast %add3A_311 : i32 to index
        %swap3A_316 = tpu.vector_load %arg15[%swap3A_314, %swap3A_315] {strides = array<i32>} : memref<2x512xf32, #tpu.memory_space<vmem>>, vector<16xf32>,
        tpu.vector_store %arg15[%swap3A_314, %swap3A_315], %mul3A_313 {strides = array<i32>} : memref<2x512xf32, #tpu.memory_space<vmem>>, vector<16xf32>,
        %mul3A_317 = vector.broadcast %scan3A : f32 to vector<16xf32>
        %mul3A_318 = arith.mulf %scan3A_248#10, %mul3A_317 : vector<16xf32>
        %swap3A_319 = arith.index_cast %and3A_251 : i32 to index
        %swap3A_320 = arith.index_cast %add3A_311 : i32 to index
        %swap3A_321 = tpu.vector_load %arg16[%swap3A_319, %swap3A_320] {strides = array<i32>} : memref<2x512xf32, #tpu.memory_space<vmem>>, vector<16xf32>,
        tpu.vector_store %arg16[%swap3A_319, %swap3A_320], %mul3A_318 {strides = array<i32>} : memref<2x512xf32, #tpu.memory_space<vmem>>, vector<16xf32>,
        %mul3A_322 = vector.broadcast %scan3A : f32 to vector<16xf32>
        %mul3A_323 = arith.mulf %scan3A_248#11, %mul3A_322 : vector<16xf32>
        %swap3A_324 = arith.index_cast %and3A_251 : i32 to index
        %swap3A_325 = arith.index_cast %add3A_311 : i32 to index
        %swap3A_326 = tpu.vector_load %arg17[%swap3A_324, %swap3A_325] {strides = array<i32>} : memref<2x512xf32, #tpu.memory_space<vmem>>, vector<16xf32>,
        tpu.vector_store %arg17[%swap3A_324, %swap3A_325], %mul3A_323 {strides = array<i32>} : memref<2x512xf32, #tpu.memory_space<vmem>>, vector<16xf32>,
        %add3A_327 = arith.constant 2 : i32
        %add3A_328 = arith.addi %add3A_159, %add3A_327 : i32
        %add3A_329 = arith.constant 3 : i32
        %add3A_330 = arith.addi %add3A_328, %add3A_329 : i32
        %lt3A_331 = arith.constant 256 : i32
        %lt3A_332 = arith.cmpi slt, %add3A_330, %lt3A_331 : i32
        %convert_element_type3A_333 = arith.extui %lt3A_332 : i1 to i32
        %cond3A_334 = arith.constant 0 : i32
        %cond3A_335 = arith.cmpi ne, %convert_element_type3A_333, %cond3A_334 : i32
        scf.if %cond3A_335 {
          %add3A_341 = arith.constant 2 : i32
          %add3A_342 = arith.addi %add3A_159, %add3A_341 : i32
          %add3A_343 = arith.constant 3 : i32
          %add3A_344 = arith.addi %add3A_342, %add3A_343 : i32
          %shift_right_logical3A_345 = arith.constant 3 : i32
          %shift_right_logical3A_346 = arith.shrui %add3A_344, %shift_right_logical3A_345 : i32
          %and3A_347 = arith.constant 7 : i32
          %and3A_348 = arith.andi %add3A_344, %and3A_347 : i32
          %mul3A_349 = arith.constant 64 : i32
          %mul3A_350 = arith.muli %and3A_348, %mul3A_349 : i32
          %dma_start3A_351 = arith.constant 128 : i32
          %dma_start3A_352 = arith.constant 0 : i32
          %dma_start3A_353 = tpu.memref_slice %arg13[%dma_start3A_351, %dma_start3A_352] : memref<192x128xf32, #tpu.memory_space<vmem>> -> memref<64x128xf32, #tpu.memory_space<vmem>>
          %dma_start3A_354 = tpu.memref_slice %arg10[%shift_right_logical3A_346, %mul3A_350] : memref<32x512xi32, #tpu.memory_space<vmem>> -> memref<1x64xi32, #tpu.memory_space<vmem>>
          %dma_start3A_355 = tpu.memref_squeeze %dma_start3A_354 : memref<1x64xi32, #tpu.memory_space<vmem>> -> memref<64xi32, #tpu.memory_space<vmem>>
          %dma_start3A_356 = arith.constant 0 : i32
          %dma_start3A_357 = arith.constant 0 : i32
          %dma_start3A_358 = tpu.memref_slice %arg2[%dma_start3A_356, %dma_start3A_357] : memref<100000x128xf32, #tpu.memory_space<hbm>> -> memref<100000x128xf32, #tpu.memory_space<hbm>>
          tpu.enqueue_indirect_dma source(%dma_start3A_358 : memref<100000x128xf32, #tpu.memory_space<hbm>>) target(%dma_start3A_353 : memref<64x128xf32, #tpu.memory_space<vmem>>) offsets(%dma_start3A_355 : memref<64xi32, #tpu.memory_space<vmem>>) semaphore(%arg20 : memref<!tpu.dma_semaphore, #tpu.memory_space<semaphore_mem>>)
          %dma_start3A_359 = arith.constant 128 : i32
          %dma_start3A_360 = arith.constant 0 : i32
          %dma_start3A_361 = tpu.memref_slice %arg14[%dma_start3A_359, %dma_start3A_360] : memref<192x128xf32, #tpu.memory_space<vmem>> -> memref<64x128xf32, #tpu.memory_space<vmem>>
          %dma_start3A_362 = tpu.memref_slice %arg10[%shift_right_logical3A_346, %mul3A_350] : memref<32x512xi32, #tpu.memory_space<vmem>> -> memref<1x64xi32, #tpu.memory_space<vmem>>
          %dma_start3A_363 = tpu.memref_squeeze %dma_start3A_362 : memref<1x64xi32, #tpu.memory_space<vmem>> -> memref<64xi32, #tpu.memory_space<vmem>>
          %dma_start3A_364 = arith.constant 0 : i32
          %dma_start3A_365 = arith.constant 0 : i32
          %dma_start3A_366 = tpu.memref_slice %arg3[%dma_start3A_364, %dma_start3A_365] : memref<100000x128xf32, #tpu.memory_space<hbm>> -> memref<100000x128xf32, #tpu.memory_space<hbm>>
          tpu.enqueue_indirect_dma source(%dma_start3A_366 : memref<100000x128xf32, #tpu.memory_space<hbm>>) target(%dma_start3A_361 : memref<64x128xf32, #tpu.memory_space<vmem>>) offsets(%dma_start3A_363 : memref<64xi32, #tpu.memory_space<vmem>>) semaphore(%arg23 : memref<!tpu.dma_semaphore, #tpu.memory_space<semaphore_mem>>)
        } else {
        }
        %eq3A_336 = arith.constant 7 : i32
        %eq3A_337 = arith.cmpi eq, %and3A_183, %eq3A_336 : i32
        %convert_element_type3A_338 = arith.extui %eq3A_337 : i1 to i32
        %cond3A_339 = arith.constant 0 : i32
        %cond3A_340 = arith.cmpi ne, %convert_element_type3A_338, %cond3A_339 : i32
        scf.if %cond3A_340 {
          %and3A_341 = arith.constant 1 : i32
          %and3A_342 = arith.andi %shift_right_logical3A_181, %and3A_341 : i32
          %eq3A_343 = arith.constant 0 : i32
          %eq3A_344 = arith.cmpi eq, %and3A_342, %eq3A_343 : i32
          %convert_element_type3A_345 = arith.extui %eq3A_344 : i1 to i32
          %cond3A_346 = arith.constant 0 : i32
          %cond3A_347 = arith.cmpi ne, %convert_element_type3A_345, %cond3A_346 : i32
          scf.if %cond3A_347 {
            %add3A_355 = arith.addi %mul3A_2, %shift_right_logical3A_181 : i32
            %dma_start3A_356 = arith.constant 0 : i32
            %dma_start3A_357 = arith.constant 0 : i32
            %dma_start3A_358 = tpu.memref_slice %arg15[%dma_start3A_356, %dma_start3A_357] : memref<2x512xf32, #tpu.memory_space<vmem>> -> memref<1x512xf32, #tpu.memory_space<vmem>>
            %dma_start3A_359 = tpu.memref_squeeze %dma_start3A_358 : memref<1x512xf32, #tpu.memory_space<vmem>> -> memref<512xf32, #tpu.memory_space<vmem>>
            %dma_start3A_360 = arith.constant 0 : i32
            %dma_start3A_361 = tpu.memref_slice %arg7[%add3A_355, %dma_start3A_360] : memref<1024x512xf32, #tpu.memory_space<hbm>> -> memref<1x512xf32, #tpu.memory_space<hbm>>
            %dma_start3A_362 = tpu.memref_squeeze %dma_start3A_361 : memref<1x512xf32, #tpu.memory_space<hbm>> -> memref<512xf32, #tpu.memory_space<hbm>>
            %dma_start3A_363 = arith.constant 0 : i32
            %dma_start3A_364 = tpu.memref_slice %arg7[%add3A_355, %dma_start3A_363] : memref<1024x512xf32, #tpu.memory_space<hbm>> -> memref<1x512xf32, #tpu.memory_space<hbm>>
            %dma_start3A_365 = tpu.memref_squeeze %dma_start3A_364 : memref<1x512xf32, #tpu.memory_space<hbm>> -> memref<512xf32, #tpu.memory_space<hbm>>
            %dma_start3A_366 = arith.constant 0 : i32
            %dma_start3A_367 = tpu.memref_slice %arg15[%dma_start3A_356, %dma_start3A_366] : memref<2x512xf32, #tpu.memory_space<vmem>> -> memref<1x512xf32, #tpu.memory_space<vmem>>
            %dma_start3A_368 = tpu.memref_squeeze %dma_start3A_367 : memref<1x512xf32, #tpu.memory_space<vmem>> -> memref<512xf32, #tpu.memory_space<vmem>>
            tpu.enqueue_dma source(%dma_start3A_368 : memref<512xf32, #tpu.memory_space<vmem>>) target(%dma_start3A_365 : memref<512xf32, #tpu.memory_space<hbm>>) target_semaphore(%arg24 : memref<!tpu.dma_semaphore, #tpu.memory_space<semaphore_mem>>)
            %add3A_369 = arith.addi %mul3A_2, %shift_right_logical3A_181 : i32
            %dma_start3A_370 = arith.constant 0 : i32
            %dma_start3A_371 = arith.constant 0 : i32
            %dma_start3A_372 = tpu.memref_slice %arg16[%dma_start3A_370, %dma_start3A_371] : memref<2x512xf32, #tpu.memory_space<vmem>> -> memref<1x512xf32, #tpu.memory_space<vmem>>
            %dma_start3A_373 = tpu.memref_squeeze %dma_start3A_372 : memref<1x512xf32, #tpu.memory_space<vmem>> -> memref<512xf32, #tpu.memory_space<vmem>>
            %dma_start3A_374 = arith.constant 0 : i32
            %dma_start3A_375 = tpu.memref_slice %arg8[%add3A_369, %dma_start3A_374] : memref<1024x512xf32, #tpu.memory_space<hbm>> -> memref<1x512xf32, #tpu.memory_space<hbm>>
            %dma_start3A_376 = tpu.memref_squeeze %dma_start3A_375 : memref<1x512xf32, #tpu.memory_space<hbm>> -> memref<512xf32, #tpu.memory_space<hbm>>
            %dma_start3A_377 = arith.constant 0 : i32
            %dma_start3A_378 = tpu.memref_slice %arg8[%add3A_369, %dma_start3A_377] : memref<1024x512xf32, #tpu.memory_space<hbm>> -> memref<1x512xf32, #tpu.memory_space<hbm>>
            %dma_start3A_379 = tpu.memref_squeeze %dma_start3A_378 : memref<1x512xf32, #tpu.memory_space<hbm>> -> memref<512xf32, #tpu.memory_space<hbm>>
            %dma_start3A_380 = arith.constant 0 : i32
            %dma_start3A_381 = tpu.memref_slice %arg16[%dma_start3A_370, %dma_start3A_380] : memref<2x512xf32, #tpu.memory_space<vmem>> -> memref<1x512xf32, #tpu.memory_space<vmem>>
            %dma_start3A_382 = tpu.memref_squeeze %dma_start3A_381 : memref<1x512xf32, #tpu.memory_space<vmem>> -> memref<512xf32, #tpu.memory_space<vmem>>
            tpu.enqueue_dma source(%dma_start3A_382 : memref<512xf32, #tpu.memory_space<vmem>>) target(%dma_start3A_379 : memref<512xf32, #tpu.memory_space<hbm>>) target_semaphore(%arg24 : memref<!tpu.dma_semaphore, #tpu.memory_space<semaphore_mem>>)
            %add3A_383 = arith.addi %mul3A_2, %shift_right_logical3A_181 : i32
            %dma_start3A_384 = arith.constant 0 : i32
            %dma_start3A_385 = arith.constant 0 : i32
            %dma_start3A_386 = tpu.memref_slice %arg17[%dma_start3A_384, %dma_start3A_385] : memref<2x512xf32, #tpu.memory_space<vmem>> -> memref<1x512xf32, #tpu.memory_space<vmem>>
            %dma_start3A_387 = tpu.memref_squeeze %dma_start3A_386 : memref<1x512xf32, #tpu.memory_space<vmem>> -> memref<512xf32, #tpu.memory_space<vmem>>
            %dma_start3A_388 = arith.constant 0 : i32
            %dma_start3A_389 = tpu.memref_slice %arg9[%add3A_383, %dma_start3A_388] : memref<1024x512xf32, #tpu.memory_space<hbm>> -> memref<1x512xf32, #tpu.memory_space<hbm>>
            %dma_start3A_390 = tpu.memref_squeeze %dma_start3A_389 : memref<1x512xf32, #tpu.memory_space<hbm>> -> memref<512xf32, #tpu.memory_space<hbm>>
            %dma_start3A_391 = arith.constant 0 : i32
            %dma_start3A_392 = tpu.memref_slice %arg9[%add3A_383, %dma_start3A_391] : memref<1024x512xf32, #tpu.memory_space<hbm>> -> memref<1x512xf32, #tpu.memory_space<hbm>>
            %dma_start3A_393 = tpu.memref_squeeze %dma_start3A_392 : memref<1x512xf32, #tpu.memory_space<hbm>> -> memref<512xf32, #tpu.memory_space<hbm>>
            %dma_start3A_394 = arith.constant 0 : i32
            %dma_start3A_395 = tpu.memref_slice %arg17[%dma_start3A_384, %dma_start3A_394] : memref<2x512xf32, #tpu.memory_space<vmem>> -> memref<1x512xf32, #tpu.memory_space<vmem>>
            %dma_start3A_396 = tpu.memref_squeeze %dma_start3A_395 : memref<1x512xf32, #tpu.memory_space<vmem>> -> memref<512xf32, #tpu.memory_space<vmem>>
            tpu.enqueue_dma source(%dma_start3A_396 : memref<512xf32, #tpu.memory_space<vmem>>) target(%dma_start3A_393 : memref<512xf32, #tpu.memory_space<hbm>>) target_semaphore(%arg24 : memref<!tpu.dma_semaphore, #tpu.memory_space<semaphore_mem>>)
          } else {
          }
          %and3A_348 = arith.constant 1 : i32
          %and3A_349 = arith.andi %shift_right_logical3A_181, %and3A_348 : i32
          %eq3A_350 = arith.constant 1 : i32
          %eq3A_351 = arith.cmpi eq, %and3A_349, %eq3A_350 : i32
          %convert_element_type3A_352 = arith.extui %eq3A_351 : i1 to i32
          %cond3A_353 = arith.constant 0 : i32
          %cond3A_354 = arith.cmpi ne, %convert_element_type3A_352, %cond3A_353 : i32
          scf.if %cond3A_354 {
            %add3A_355 = arith.addi %mul3A_2, %shift_right_logical3A_181 : i32
            %dma_start3A_356 = arith.constant 1 : i32
            %dma_start3A_357 = arith.constant 0 : i32
            %dma_start3A_358 = tpu.memref_slice %arg15[%dma_start3A_356, %dma_start3A_357] : memref<2x512xf32, #tpu.memory_space<vmem>> -> memref<1x512xf32, #tpu.memory_space<vmem>>
            %dma_start3A_359 = tpu.memref_squeeze %dma_start3A_358 : memref<1x512xf32, #tpu.memory_space<vmem>> -> memref<512xf32, #tpu.memory_space<vmem>>
            %dma_start3A_360 = arith.constant 0 : i32
            %dma_start3A_361 = tpu.memref_slice %arg7[%add3A_355, %dma_start3A_360] : memref<1024x512xf32, #tpu.memory_space<hbm>> -> memref<1x512xf32, #tpu.memory_space<hbm>>
            %dma_start3A_362 = tpu.memref_squeeze %dma_start3A_361 : memref<1x512xf32, #tpu.memory_space<hbm>> -> memref<512xf32, #tpu.memory_space<hbm>>
            %dma_start3A_363 = arith.constant 0 : i32
            %dma_start3A_364 = tpu.memref_slice %arg7[%add3A_355, %dma_start3A_363] : memref<1024x512xf32, #tpu.memory_space<hbm>> -> memref<1x512xf32, #tpu.memory_space<hbm>>
            %dma_start3A_365 = tpu.memref_squeeze %dma_start3A_364 : memref<1x512xf32, #tpu.memory_space<hbm>> -> memref<512xf32, #tpu.memory_space<hbm>>
            %dma_start3A_366 = arith.constant 0 : i32
            %dma_start3A_367 = tpu.memref_slice %arg15[%dma_start3A_356, %dma_start3A_366] : memref<2x512xf32, #tpu.memory_space<vmem>> -> memref<1x512xf32, #tpu.memory_space<vmem>>
            %dma_start3A_368 = tpu.memref_squeeze %dma_start3A_367 : memref<1x512xf32, #tpu.memory_space<vmem>> -> memref<512xf32, #tpu.memory_space<vmem>>
            tpu.enqueue_dma source(%dma_start3A_368 : memref<512xf32, #tpu.memory_space<vmem>>) target(%dma_start3A_365 : memref<512xf32, #tpu.memory_space<hbm>>) target_semaphore(%arg25 : memref<!tpu.dma_semaphore, #tpu.memory_space<semaphore_mem>>)
            %add3A_369 = arith.addi %mul3A_2, %shift_right_logical3A_181 : i32
            %dma_start3A_370 = arith.constant 1 : i32
            %dma_start3A_371 = arith.constant 0 : i32
            %dma_start3A_372 = tpu.memref_slice %arg16[%dma_start3A_370, %dma_start3A_371] : memref<2x512xf32, #tpu.memory_space<vmem>> -> memref<1x512xf32, #tpu.memory_space<vmem>>
            %dma_start3A_373 = tpu.memref_squeeze %dma_start3A_372 : memref<1x512xf32, #tpu.memory_space<vmem>> -> memref<512xf32, #tpu.memory_space<vmem>>
            %dma_start3A_374 = arith.constant 0 : i32
            %dma_start3A_375 = tpu.memref_slice %arg8[%add3A_369, %dma_start3A_374] : memref<1024x512xf32, #tpu.memory_space<hbm>> -> memref<1x512xf32, #tpu.memory_space<hbm>>
            %dma_start3A_376 = tpu.memref_squeeze %dma_start3A_375 : memref<1x512xf32, #tpu.memory_space<hbm>> -> memref<512xf32, #tpu.memory_space<hbm>>
            %dma_start3A_377 = arith.constant 0 : i32
            %dma_start3A_378 = tpu.memref_slice %arg8[%add3A_369, %dma_start3A_377] : memref<1024x512xf32, #tpu.memory_space<hbm>> -> memref<1x512xf32, #tpu.memory_space<hbm>>
            %dma_start3A_379 = tpu.memref_squeeze %dma_start3A_378 : memref<1x512xf32, #tpu.memory_space<hbm>> -> memref<512xf32, #tpu.memory_space<hbm>>
            %dma_start3A_380 = arith.constant 0 : i32
            %dma_start3A_381 = tpu.memref_slice %arg16[%dma_start3A_370, %dma_start3A_380] : memref<2x512xf32, #tpu.memory_space<vmem>> -> memref<1x512xf32, #tpu.memory_space<vmem>>
            %dma_start3A_382 = tpu.memref_squeeze %dma_start3A_381 : memref<1x512xf32, #tpu.memory_space<vmem>> -> memref<512xf32, #tpu.memory_space<vmem>>
            tpu.enqueue_dma source(%dma_start3A_382 : memref<512xf32, #tpu.memory_space<vmem>>) target(%dma_start3A_379 : memref<512xf32, #tpu.memory_space<hbm>>) target_semaphore(%arg25 : memref<!tpu.dma_semaphore, #tpu.memory_space<semaphore_mem>>)
            %add3A_383 = arith.addi %mul3A_2, %shift_right_logical3A_181 : i32
            %dma_start3A_384 = arith.constant 1 : i32
            %dma_start3A_385 = arith.constant 0 : i32
            %dma_start3A_386 = tpu.memref_slice %arg17[%dma_start3A_384, %dma_start3A_385] : memref<2x512xf32, #tpu.memory_space<vmem>> -> memref<1x512xf32, #tpu.memory_space<vmem>>
            %dma_start3A_387 = tpu.memref_squeeze %dma_start3A_386 : memref<1x512xf32, #tpu.memory_space<vmem>> -> memref<512xf32, #tpu.memory_space<vmem>>
            %dma_start3A_388 = arith.constant 0 : i32
            %dma_start3A_389 = tpu.memref_slice %arg9[%add3A_383, %dma_start3A_388] : memref<1024x512xf32, #tpu.memory_space<hbm>> -> memref<1x512xf32, #tpu.memory_space<hbm>>
            %dma_start3A_390 = tpu.memref_squeeze %dma_start3A_389 : memref<1x512xf32, #tpu.memory_space<hbm>> -> memref<512xf32, #tpu.memory_space<hbm>>
            %dma_start3A_391 = arith.constant 0 : i32
            %dma_start3A_392 = tpu.memref_slice %arg9[%add3A_383, %dma_start3A_391] : memref<1024x512xf32, #tpu.memory_space<hbm>> -> memref<1x512xf32, #tpu.memory_space<hbm>>
            %dma_start3A_393 = tpu.memref_squeeze %dma_start3A_392 : memref<1x512xf32, #tpu.memory_space<hbm>> -> memref<512xf32, #tpu.memory_space<hbm>>
            %dma_start3A_394 = arith.constant 0 : i32
            %dma_start3A_395 = tpu.memref_slice %arg17[%dma_start3A_384, %dma_start3A_394] : memref<2x512xf32, #tpu.memory_space<vmem>> -> memref<1x512xf32, #tpu.memory_space<vmem>>
            %dma_start3A_396 = tpu.memref_squeeze %dma_start3A_395 : memref<1x512xf32, #tpu.memory_space<vmem>> -> memref<512xf32, #tpu.memory_space<vmem>>
            tpu.enqueue_dma source(%dma_start3A_396 : memref<512xf32, #tpu.memory_space<vmem>>) target(%dma_start3A_393 : memref<512xf32, #tpu.memory_space<hbm>>) target_semaphore(%arg25 : memref<!tpu.dma_semaphore, #tpu.memory_space<semaphore_mem>>)
          } else {
          }
        } else {
        }
      } else {
      }
    }
    %scan3A_77 = arith.constant 86 : i32
    %dma_wait3A = arith.constant 0 : i32
    %dma_wait3A_78 = arith.constant 0 : i32
    %dma_wait3A_79 = tpu.memref_slice %arg15[%dma_wait3A, %dma_wait3A_78] : memref<2x512xf32, #tpu.memory_space<vmem>> -> memref<1x512xf32, #tpu.memory_space<vmem>>
    %dma_wait3A_80 = tpu.memref_squeeze %dma_wait3A_79 : memref<1x512xf32, #tpu.memory_space<vmem>> -> memref<512xf32, #tpu.memory_space<vmem>>
    %dma_wait3A_81 = arith.constant 0 : i32
    %dma_wait3A_82 = tpu.memref_slice %arg7[%mul3A_2, %dma_wait3A_81] : memref<1024x512xf32, #tpu.memory_space<hbm>> -> memref<1x512xf32, #tpu.memory_space<hbm>>
    %dma_wait3A_83 = tpu.memref_squeeze %dma_wait3A_82 : memref<1x512xf32, #tpu.memory_space<hbm>> -> memref<512xf32, #tpu.memory_space<hbm>>
    %dma_wait3A_84 = arith.constant 0 : i32
    %dma_wait3A_85 = tpu.memref_slice %arg7[%mul3A_2, %dma_wait3A_84] : memref<1024x512xf32, #tpu.memory_space<hbm>> -> memref<1x512xf32, #tpu.memory_space<hbm>>
    %dma_wait3A_86 = tpu.memref_squeeze %dma_wait3A_85 : memref<1x512xf32, #tpu.memory_space<hbm>> -> memref<512xf32, #tpu.memory_space<hbm>>
    %dma_wait3A_87 = arith.constant 0 : i32
    %dma_wait3A_88 = tpu.memref_slice %arg15[%dma_wait3A, %dma_wait3A_87] : memref<2x512xf32, #tpu.memory_space<vmem>> -> memref<1x512xf32, #tpu.memory_space<vmem>>
    %dma_wait3A_89 = tpu.memref_squeeze %dma_wait3A_88 : memref<1x512xf32, #tpu.memory_space<vmem>> -> memref<512xf32, #tpu.memory_space<vmem>>
    tpu.wait_dma2 semaphore(%arg24 : memref<!tpu.dma_semaphore, #tpu.memory_space<semaphore_mem>>) src(%dma_wait3A_89 : memref<512xf32, #tpu.memory_space<vmem>>) dst(%dma_wait3A_86 : memref<512xf32, #tpu.memory_space<hbm>>)
    %dma_wait3A_90 = arith.constant 0 : i32
    %dma_wait3A_91 = arith.constant 0 : i32
    %dma_wait3A_92 = tpu.memref_slice %arg16[%dma_wait3A_90, %dma_wait3A_91] : memref<2x512xf32, #tpu.memory_space<vmem>> -> memref<1x512xf32, #tpu.memory_space<vmem>>
    %dma_wait3A_93 = tpu.memref_squeeze %dma_wait3A_92 : memref<1x512xf32, #tpu.memory_space<vmem>> -> memref<512xf32, #tpu.memory_space<vmem>>
    %dma_wait3A_94 = arith.constant 0 : i32
    %dma_wait3A_95 = tpu.memref_slice %arg8[%mul3A_2, %dma_wait3A_94] : memref<1024x512xf32, #tpu.memory_space<hbm>> -> memref<1x512xf32, #tpu.memory_space<hbm>>
    %dma_wait3A_96 = tpu.memref_squeeze %dma_wait3A_95 : memref<1x512xf32, #tpu.memory_space<hbm>> -> memref<512xf32, #tpu.memory_space<hbm>>
    %dma_wait3A_97 = arith.constant 0 : i32
    %dma_wait3A_98 = tpu.memref_slice %arg8[%mul3A_2, %dma_wait3A_97] : memref<1024x512xf32, #tpu.memory_space<hbm>> -> memref<1x512xf32, #tpu.memory_space<hbm>>
    %dma_wait3A_99 = tpu.memref_squeeze %dma_wait3A_98 : memref<1x512xf32, #tpu.memory_space<hbm>> -> memref<512xf32, #tpu.memory_space<hbm>>
    %dma_wait3A_100 = arith.constant 0 : i32
    %dma_wait3A_101 = tpu.memref_slice %arg16[%dma_wait3A_90, %dma_wait3A_100] : memref<2x512xf32, #tpu.memory_space<vmem>> -> memref<1x512xf32, #tpu.memory_space<vmem>>
    %dma_wait3A_102 = tpu.memref_squeeze %dma_wait3A_101 : memref<1x512xf32, #tpu.memory_space<vmem>> -> memref<512xf32, #tpu.memory_space<vmem>>
    tpu.wait_dma2 semaphore(%arg24 : memref<!tpu.dma_semaphore, #tpu.memory_space<semaphore_mem>>) src(%dma_wait3A_102 : memref<512xf32, #tpu.memory_space<vmem>>) dst(%dma_wait3A_99 : memref<512xf32, #tpu.memory_space<hbm>>)
    %dma_wait3A_103 = arith.constant 0 : i32
    %dma_wait3A_104 = arith.constant 0 : i32
    %dma_wait3A_105 = tpu.memref_slice %arg17[%dma_wait3A_103, %dma_wait3A_104] : memref<2x512xf32, #tpu.memory_space<vmem>> -> memref<1x512xf32, #tpu.memory_space<vmem>>
    %dma_wait3A_106 = tpu.memref_squeeze %dma_wait3A_105 : memref<1x512xf32, #tpu.memory_space<vmem>> -> memref<512xf32, #tpu.memory_space<vmem>>
    %dma_wait3A_107 = arith.constant 0 : i32
    %dma_wait3A_108 = tpu.memref_slice %arg9[%mul3A_2, %dma_wait3A_107] : memref<1024x512xf32, #tpu.memory_space<hbm>> -> memref<1x512xf32, #tpu.memory_space<hbm>>
    %dma_wait3A_109 = tpu.memref_squeeze %dma_wait3A_108 : memref<1x512xf32, #tpu.memory_space<hbm>> -> memref<512xf32, #tpu.memory_space<hbm>>
    %dma_wait3A_110 = arith.constant 0 : i32
    %dma_wait3A_111 = tpu.memref_slice %arg9[%mul3A_2, %dma_wait3A_110] : memref<1024x512xf32, #tpu.memory_space<hbm>> -> memref<1x512xf32, #tpu.memory_space<hbm>>
    %dma_wait3A_112 = tpu.memref_squeeze %dma_wait3A_111 : memref<1x512xf32, #tpu.memory_space<hbm>> -> memref<512xf32, #tpu.memory_space<hbm>>
    %dma_wait3A_113 = arith.constant 0 : i32
    %dma_wait3A_114 = tpu.memref_slice %arg17[%dma_wait3A_103, %dma_wait3A_113] : memref<2x512xf32, #tpu.memory_space<vmem>> -> memref<1x512xf32, #tpu.memory_space<vmem>>
    %dma_wait3A_115 = tpu.memref_squeeze %dma_wait3A_114 : memref<1x512xf32, #tpu.memory_space<vmem>> -> memref<512xf32, #tpu.memory_space<vmem>>
    tpu.wait_dma2 semaphore(%arg24 : memref<!tpu.dma_semaphore, #tpu.memory_space<semaphore_mem>>) src(%dma_wait3A_115 : memref<512xf32, #tpu.memory_space<vmem>>) dst(%dma_wait3A_112 : memref<512xf32, #tpu.memory_space<hbm>>)
    %dma_wait3A_116 = arith.constant 1 : i32
    %dma_wait3A_117 = arith.constant 0 : i32
    %dma_wait3A_118 = tpu.memref_slice %arg15[%dma_wait3A_116, %dma_wait3A_117] : memref<2x512xf32, #tpu.memory_space<vmem>> -> memref<1x512xf32, #tpu.memory_space<vmem>>
    %dma_wait3A_119 = tpu.memref_squeeze %dma_wait3A_118 : memref<1x512xf32, #tpu.memory_space<vmem>> -> memref<512xf32, #tpu.memory_space<vmem>>
    %dma_wait3A_120 = arith.constant 0 : i32
    %dma_wait3A_121 = tpu.memref_slice %arg7[%mul3A_2, %dma_wait3A_120] : memref<1024x512xf32, #tpu.memory_space<hbm>> -> memref<1x512xf32, #tpu.memory_space<hbm>>
    %dma_wait3A_122 = tpu.memref_squeeze %dma_wait3A_121 : memref<1x512xf32, #tpu.memory_space<hbm>> -> memref<512xf32, #tpu.memory_space<hbm>>
    %dma_wait3A_123 = arith.constant 0 : i32
    %dma_wait3A_124 = tpu.memref_slice %arg7[%mul3A_2, %dma_wait3A_123] : memref<1024x512xf32, #tpu.memory_space<hbm>> -> memref<1x512xf32, #tpu.memory_space<hbm>>
    %dma_wait3A_125 = tpu.memref_squeeze %dma_wait3A_124 : memref<1x512xf32, #tpu.memory_space<hbm>> -> memref<512xf32, #tpu.memory_space<hbm>>
    %dma_wait3A_126 = arith.constant 0 : i32
    %dma_wait3A_127 = tpu.memref_slice %arg15[%dma_wait3A_116, %dma_wait3A_126] : memref<2x512xf32, #tpu.memory_space<vmem>> -> memref<1x512xf32, #tpu.memory_space<vmem>>
    %dma_wait3A_128 = tpu.memref_squeeze %dma_wait3A_127 : memref<1x512xf32, #tpu.memory_space<vmem>> -> memref<512xf32, #tpu.memory_space<vmem>>
    tpu.wait_dma2 semaphore(%arg25 : memref<!tpu.dma_semaphore, #tpu.memory_space<semaphore_mem>>) src(%dma_wait3A_128 : memref<512xf32, #tpu.memory_space<vmem>>) dst(%dma_wait3A_125 : memref<512xf32, #tpu.memory_space<hbm>>)
    %dma_wait3A_129 = arith.constant 1 : i32
    %dma_wait3A_130 = arith.constant 0 : i32
    %dma_wait3A_131 = tpu.memref_slice %arg16[%dma_wait3A_129, %dma_wait3A_130] : memref<2x512xf32, #tpu.memory_space<vmem>> -> memref<1x512xf32, #tpu.memory_space<vmem>>
    %dma_wait3A_132 = tpu.memref_squeeze %dma_wait3A_131 : memref<1x512xf32, #tpu.memory_space<vmem>> -> memref<512xf32, #tpu.memory_space<vmem>>
    %dma_wait3A_133 = arith.constant 0 : i32
    %dma_wait3A_134 = tpu.memref_slice %arg8[%mul3A_2, %dma_wait3A_133] : memref<1024x512xf32, #tpu.memory_space<hbm>> -> memref<1x512xf32, #tpu.memory_space<hbm>>
    %dma_wait3A_135 = tpu.memref_squeeze %dma_wait3A_134 : memref<1x512xf32, #tpu.memory_space<hbm>> -> memref<512xf32, #tpu.memory_space<hbm>>
    %dma_wait3A_136 = arith.constant 0 : i32
    %dma_wait3A_137 = tpu.memref_slice %arg8[%mul3A_2, %dma_wait3A_136] : memref<1024x512xf32, #tpu.memory_space<hbm>> -> memref<1x512xf32, #tpu.memory_space<hbm>>
    %dma_wait3A_138 = tpu.memref_squeeze %dma_wait3A_137 : memref<1x512xf32, #tpu.memory_space<hbm>> -> memref<512xf32, #tpu.memory_space<hbm>>
    %dma_wait3A_139 = arith.constant 0 : i32
    %dma_wait3A_140 = tpu.memref_slice %arg16[%dma_wait3A_129, %dma_wait3A_139] : memref<2x512xf32, #tpu.memory_space<vmem>> -> memref<1x512xf32, #tpu.memory_space<vmem>>
    %dma_wait3A_141 = tpu.memref_squeeze %dma_wait3A_140 : memref<1x512xf32, #tpu.memory_space<vmem>> -> memref<512xf32, #tpu.memory_space<vmem>>
    tpu.wait_dma2 semaphore(%arg25 : memref<!tpu.dma_semaphore, #tpu.memory_space<semaphore_mem>>) src(%dma_wait3A_141 : memref<512xf32, #tpu.memory_space<vmem>>) dst(%dma_wait3A_138 : memref<512xf32, #tpu.memory_space<hbm>>)
    %dma_wait3A_142 = arith.constant 1 : i32
    %dma_wait3A_143 = arith.constant 0 : i32
    %dma_wait3A_144 = tpu.memref_slice %arg17[%dma_wait3A_142, %dma_wait3A_143] : memref<2x512xf32, #tpu.memory_space<vmem>> -> memref<1x512xf32, #tpu.memory_space<vmem>>
    %dma_wait3A_145 = tpu.memref_squeeze %dma_wait3A_144 : memref<1x512xf32, #tpu.memory_space<vmem>> -> memref<512xf32, #tpu.memory_space<vmem>>
    %dma_wait3A_146 = arith.constant 0 : i32
    %dma_wait3A_147 = tpu.memref_slice %arg9[%mul3A_2, %dma_wait3A_146] : memref<1024x512xf32, #tpu.memory_space<hbm>> -> memref<1x512xf32, #tpu.memory_space<hbm>>
    %dma_wait3A_148 = tpu.memref_squeeze %dma_wait3A_147 : memref<1x512xf32, #tpu.memory_space<hbm>> -> memref<512xf32, #tpu.memory_space<hbm>>
    %dma_wait3A_149 = arith.constant 0 : i32
    %dma_wait3A_150 = tpu.memref_slice %arg9[%mul3A_2, %dma_wait3A_149] : memref<1024x512xf32, #tpu.memory_space<hbm>> -> memref<1x512xf32, #tpu.memory_space<hbm>>
    %dma_wait3A_151 = tpu.memref_squeeze %dma_wait3A_150 : memref<1x512xf32, #tpu.memory_space<hbm>> -> memref<512xf32, #tpu.memory_space<hbm>>
    %dma_wait3A_152 = arith.constant 0 : i32
    %dma_wait3A_153 = tpu.memref_slice %arg17[%dma_wait3A_142, %dma_wait3A_152] : memref<2x512xf32, #tpu.memory_space<vmem>> -> memref<1x512xf32, #tpu.memory_space<vmem>>
    %dma_wait3A_154 = tpu.memref_squeeze %dma_wait3A_153 : memref<1x512xf32, #tpu.memory_space<vmem>> -> memref<512xf32, #tpu.memory_space<vmem>>
    tpu.wait_dma2 semaphore(%arg25 : memref<!tpu.dma_semaphore, #tpu.memory_space<semaphore_mem>>) src(%dma_wait3A_154 : memref<512xf32, #tpu.memory_space<vmem>>) dst(%dma_wait3A_151 : memref<512xf32, #tpu.memory_space<hbm>>)
    return
  }
}

module attributes {stable_mosaic.version = 14 : i64} {
  func.func @_loss_body(%arg0: memref<1024x512xf32, #tpu.memory_space<vmem>>, %arg1: memref<1024x512xf32, #tpu.memory_space<vmem>>, %arg2: memref<1024x512xf32, #tpu.memory_space<vmem>>, %arg3: memref<1024x1xf32, #tpu.memory_space<vmem>>, %arg4: memref<1x1xf32, #tpu.memory_space<smem>>, %arg5: memref<1x1xf32, #tpu.memory_space<smem>>, %arg6: memref<1x1xf32, #tpu.memory_space<smem>>, %arg7: memref<1x1xf32, #tpu.memory_space<smem>>) attributes {dimension_semantics = [], scalar_prefetch = 0 : i64, scratch_operands = 0 : i64, tpu.core_type = #tpu.core_type<tc>} {
    %get3A = arith.constant 0 : index
    %get3A_0 = arith.constant 0 : index
    %get3A_1 = vector.load %arg0[%get3A, %get3A_0] : memref<1024x512xf32, #tpu.memory_space<vmem>>, vector<1024x512xf32>
    %get3A_2 = arith.constant 0 : index
    %get3A_3 = arith.constant 0 : index
    %get3A_4 = vector.load %arg1[%get3A_2, %get3A_3] : memref<1024x512xf32, #tpu.memory_space<vmem>>, vector<1024x512xf32>
    %get3A_5 = arith.constant 0 : index
    %get3A_6 = arith.constant 0 : index
    %get3A_7 = vector.load %arg2[%get3A_5, %get3A_6] : memref<1024x512xf32, #tpu.memory_space<vmem>>, vector<1024x512xf32>
    %get3A_8 = arith.constant 0 : index
    %get3A_9 = arith.constant 0 : index
    %get3A_10 = vector.load %arg3[%get3A_8, %get3A_9] : memref<1024x1xf32, #tpu.memory_space<vmem>>, vector<1024x1xf32>
    %iota3A = tpu.iota {dimensions = array<i32: 1>} : vector<1024x512xi32>
    %ge3A = arith.constant 1 : i32
    %ge3A_11 = vector.broadcast %ge3A : i32 to vector<1024x512xi32>
    %ge3A_12 = arith.cmpi sge, %iota3A, %ge3A_11 : vector<1024x512xi32>
    %convert_element_type3A = arith.extui %ge3A_12 : vector<1024x512xi1> to vector<1024x512xi32>
    %convert_element_type3A_13 = arith.sitofp %convert_element_type3A : vector<1024x512xi32> to vector<1024x512xf32>
    %reduce_max3A = arith.constant dense<0xFF800000> : vector<1024xf32>
    %reduce_max3A_14 = vector.multi_reduction <maximumf>, %get3A_1, %reduce_max3A [1] : vector<1024x512xf32> to vector<1024xf32>
    %broadcast_in_dim3A = vector.shape_cast %reduce_max3A_14 : vector<1024xf32> to vector<1024x1xf32>
    %sub3A = vector.broadcast %broadcast_in_dim3A : vector<1024x1xf32> to vector<1024x512xf32>
    %sub3A_15 = arith.subf %get3A_1, %sub3A : vector<1024x512xf32>
    %exp3A = math.exp %sub3A_15 : vector<1024x512xf32>
    %reduce_sum3A = arith.constant dense<0.000000e+00> : vector<1024xf32>
    %reduce_sum3A_16 = vector.multi_reduction <add>, %exp3A, %reduce_sum3A [1] : vector<1024x512xf32> to vector<1024xf32>
    %broadcast_in_dim3A_17 = vector.shape_cast %reduce_sum3A_16 : vector<1024xf32> to vector<1024x1xf32>
    %log3A = math.log %broadcast_in_dim3A_17 : vector<1024x1xf32>
    %add3A = arith.addf %broadcast_in_dim3A, %log3A : vector<1024x1xf32>
    %reduce_max3A_18 = arith.constant dense<0xFF800000> : vector<1024xf32>
    %reduce_max3A_19 = vector.multi_reduction <maximumf>, %get3A_7, %reduce_max3A_18 [1] : vector<1024x512xf32> to vector<1024xf32>
    %broadcast_in_dim3A_20 = vector.shape_cast %reduce_max3A_19 : vector<1024xf32> to vector<1024x1xf32>
    %sub3A_21 = vector.broadcast %broadcast_in_dim3A_20 : vector<1024x1xf32> to vector<1024x512xf32>
    %sub3A_22 = arith.subf %get3A_7, %sub3A_21 : vector<1024x512xf32>
    %exp3A_23 = math.exp %sub3A_22 : vector<1024x512xf32>
    %reduce_sum3A_24 = arith.constant dense<0.000000e+00> : vector<1024xf32>
    %reduce_sum3A_25 = vector.multi_reduction <add>, %exp3A_23, %reduce_sum3A_24 [1] : vector<1024x512xf32> to vector<1024xf32>
    %broadcast_in_dim3A_26 = vector.shape_cast %reduce_sum3A_25 : vector<1024xf32> to vector<1024x1xf32>
    %log3A_27 = math.log %broadcast_in_dim3A_26 : vector<1024x1xf32>
    %add3A_28 = arith.addf %broadcast_in_dim3A_20, %log3A_27 : vector<1024x1xf32>
    %slice3A = vector.extract_strided_slice %get3A_1 {offsets = [0, 0], sizes = [1024, 1], strides = [1, 1]} : vector<1024x512xf32> to vector<1024x1xf32>
    %slice3A_29 = vector.extract_strided_slice %get3A_1 {offsets = [0, 1], sizes = [1024, 1], strides = [1, 1]} : vector<1024x512xf32> to vector<1024x1xf32>
    %add3A_30 = arith.addf %slice3A, %slice3A_29 : vector<1024x1xf32>
    %mul3A = arith.constant 2.000000e+00 : f32
    %mul3A_31 = vector.broadcast %mul3A : f32 to vector<1024x1xf32>
    %mul3A_32 = arith.mulf %mul3A_31, %add3A : vector<1024x1xf32>
    %sub3A_33 = arith.subf %add3A_30, %mul3A_32 : vector<1024x1xf32>
    %mul3A_34 = arith.mulf %sub3A_33, %get3A_10 : vector<1024x1xf32>
    %mul3A_35 = arith.constant 5.000000e-01 : f32
    %mul3A_36 = vector.broadcast %mul3A_35 : f32 to vector<1024x1xf32>
    %mul3A_37 = arith.mulf %mul3A_34, %mul3A_36 : vector<1024x1xf32>
    %slice3A_38 = vector.extract_strided_slice %get3A_7 {offsets = [0, 0], sizes = [1024, 1], strides = [1, 1]} : vector<1024x512xf32> to vector<1024x1xf32>
    %slice3A_39 = vector.extract_strided_slice %get3A_7 {offsets = [0, 1], sizes = [1024, 1], strides = [1, 1]} : vector<1024x512xf32> to vector<1024x1xf32>
    %add3A_40 = arith.addf %slice3A_38, %slice3A_39 : vector<1024x1xf32>
    %mul3A_41 = arith.constant 2.000000e+00 : f32
    %mul3A_42 = vector.broadcast %mul3A_41 : f32 to vector<1024x1xf32>
    %mul3A_43 = arith.mulf %mul3A_42, %add3A_28 : vector<1024x1xf32>
    %sub3A_44 = arith.subf %add3A_40, %mul3A_43 : vector<1024x1xf32>
    %mul3A_45 = arith.mulf %sub3A_44, %get3A_10 : vector<1024x1xf32>
    %mul3A_46 = arith.constant 5.000000e-01 : f32
    %mul3A_47 = vector.broadcast %mul3A_46 : f32 to vector<1024x1xf32>
    %mul3A_48 = arith.mulf %mul3A_45, %mul3A_47 : vector<1024x1xf32>
    %reduce_sum3A_49 = vector.shape_cast %mul3A_37 : vector<1024x1xf32> to vector<1x1024x1xf32>
    %reduce_sum3A_50 = arith.constant dense<0.000000e+00> : vector<1xf32>
    %reduce_sum3A_51 = vector.multi_reduction <add>, %reduce_sum3A_49, %reduce_sum3A_50 [1, 2] : vector<1x1024x1xf32> to vector<1xf32>
    %reduce_sum3A_52 = vector.shape_cast %reduce_sum3A_51 : vector<1xf32> to vector<1x1x1xf32>
    %reduce_sum3A_53 = vector.extract %reduce_sum3A_52[0, 0, 0] : f32 from vector<1x1x1xf32>
    %reduce_sum3A_54 = vector.shape_cast %mul3A_48 : vector<1024x1xf32> to vector<1x1024x1xf32>
    %reduce_sum3A_55 = arith.constant dense<0.000000e+00> : vector<1xf32>
    %reduce_sum3A_56 = vector.multi_reduction <add>, %reduce_sum3A_54, %reduce_sum3A_55 [1, 2] : vector<1x1024x1xf32> to vector<1xf32>
    %reduce_sum3A_57 = vector.shape_cast %reduce_sum3A_56 : vector<1xf32> to vector<1x1x1xf32>
    %reduce_sum3A_58 = vector.extract %reduce_sum3A_57[0, 0, 0] : f32 from vector<1x1x1xf32>
    %add3A_59 = arith.addf %reduce_sum3A_53, %reduce_sum3A_58 : f32
    %neg3A = arith.constant 0.000000e+00 : f32
    %neg3A_60 = arith.subf %neg3A, %add3A_59 : f32
    %div3A = arith.constant 1.024000e+03 : f32
    %div3A_61 = arith.divf %neg3A_60, %div3A : f32
    %gt3A = arith.constant 0.000000e+00 : f32
    %gt3A_62 = vector.broadcast %gt3A : f32 to vector<1024x512xf32>
    %gt3A_63 = arith.cmpf ogt, %convert_element_type3A_13, %gt3A_62 : vector<1024x512xf32>
    %jit3A = arith.constant -1.000000e+30 : f32
    %broadcast_in_dim3A_64 = vector.broadcast %jit3A : f32 to vector<1024x512xf32>
    %select_n3A = arith.select %gt3A_63, %get3A_4, %broadcast_in_dim3A_64 : vector<1024x512xi1>, vector<1024x512xf32>
    %reduce_max3A_65 = arith.constant dense<0xFF800000> : vector<1024xf32>
    %reduce_max3A_66 = vector.multi_reduction <maximumf>, %select_n3A, %reduce_max3A_65 [1] : vector<1024x512xf32> to vector<1024xf32>
    %broadcast_in_dim3A_67 = vector.shape_cast %reduce_max3A_66 : vector<1024xf32> to vector<1024x1xf32>
    %sub3A_68 = vector.broadcast %broadcast_in_dim3A_67 : vector<1024x1xf32> to vector<1024x512xf32>
    %sub3A_69 = arith.subf %select_n3A, %sub3A_68 : vector<1024x512xf32>
    %exp3A_70 = math.exp %sub3A_69 : vector<1024x512xf32>
    %reduce_sum3A_71 = arith.constant dense<0.000000e+00> : vector<1024xf32>
    %reduce_sum3A_72 = vector.multi_reduction <add>, %exp3A_70, %reduce_sum3A_71 [1] : vector<1024x512xf32> to vector<1024xf32>
    %broadcast_in_dim3A_73 = vector.shape_cast %reduce_sum3A_72 : vector<1024xf32> to vector<1024x1xf32>
    %log3A_74 = math.log %broadcast_in_dim3A_73 : vector<1024x1xf32>
    %add3A_75 = arith.addf %broadcast_in_dim3A_67, %log3A_74 : vector<1024x1xf32>
    %gt3A_76 = arith.constant 0.000000e+00 : f32
    %gt3A_77 = vector.broadcast %gt3A_76 : f32 to vector<1024x512xf32>
    %gt3A_78 = arith.cmpf ogt, %convert_element_type3A_13, %gt3A_77 : vector<1024x512xf32>
    %jit3A_79 = arith.constant -1.000000e+30 : f32
    %broadcast_in_dim3A_80 = vector.broadcast %jit3A_79 : f32 to vector<1024x512xf32>
    %select_n3A_81 = arith.select %gt3A_78, %get3A_1, %broadcast_in_dim3A_80 : vector<1024x512xi1>, vector<1024x512xf32>
    %reduce_max3A_82 = arith.constant dense<0xFF800000> : vector<1024xf32>
    %reduce_max3A_83 = vector.multi_reduction <maximumf>, %select_n3A_81, %reduce_max3A_82 [1] : vector<1024x512xf32> to vector<1024xf32>
    %broadcast_in_dim3A_84 = vector.shape_cast %reduce_max3A_83 : vector<1024xf32> to vector<1024x1xf32>
    %sub3A_85 = vector.broadcast %broadcast_in_dim3A_84 : vector<1024x1xf32> to vector<1024x512xf32>
    %sub3A_86 = arith.subf %select_n3A_81, %sub3A_85 : vector<1024x512xf32>
    %exp3A_87 = math.exp %sub3A_86 : vector<1024x512xf32>
    %reduce_sum3A_88 = arith.constant dense<0.000000e+00> : vector<1024xf32>
    %reduce_sum3A_89 = vector.multi_reduction <add>, %exp3A_87, %reduce_sum3A_88 [1] : vector<1024x512xf32> to vector<1024xf32>
    %broadcast_in_dim3A_90 = vector.shape_cast %reduce_sum3A_89 : vector<1024xf32> to vector<1024x1xf32>
    %log3A_91 = math.log %broadcast_in_dim3A_90 : vector<1024x1xf32>
    %add3A_92 = arith.addf %broadcast_in_dim3A_84, %log3A_91 : vector<1024x1xf32>
    %slice3A_93 = vector.extract_strided_slice %get3A_4 {offsets = [0, 1], sizes = [1024, 1], strides = [1, 1]} : vector<1024x512xf32> to vector<1024x1xf32>
    %sub3A_94 = arith.subf %slice3A_93, %add3A_75 : vector<1024x1xf32>
    %mul3A_95 = arith.mulf %sub3A_94, %get3A_10 : vector<1024x1xf32>
    %reduce_sum3A_96 = vector.shape_cast %mul3A_95 : vector<1024x1xf32> to vector<1x1024x1xf32>
    %reduce_sum3A_97 = arith.constant dense<0.000000e+00> : vector<1xf32>
    %reduce_sum3A_98 = vector.multi_reduction <add>, %reduce_sum3A_96, %reduce_sum3A_97 [1, 2] : vector<1x1024x1xf32> to vector<1xf32>
    %reduce_sum3A_99 = vector.shape_cast %reduce_sum3A_98 : vector<1xf32> to vector<1x1x1xf32>
    %reduce_sum3A_100 = vector.extract %reduce_sum3A_99[0, 0, 0] : f32 from vector<1x1x1xf32>
    %slice3A_101 = vector.extract_strided_slice %get3A_1 {offsets = [0, 1], sizes = [1024, 1], strides = [1, 1]} : vector<1024x512xf32> to vector<1024x1xf32>
    %sub3A_102 = arith.subf %slice3A_101, %add3A_92 : vector<1024x1xf32>
    %mul3A_103 = arith.mulf %sub3A_102, %get3A_10 : vector<1024x1xf32>
    %reduce_sum3A_104 = vector.shape_cast %mul3A_103 : vector<1024x1xf32> to vector<1x1024x1xf32>
    %reduce_sum3A_105 = arith.constant dense<0.000000e+00> : vector<1xf32>
    %reduce_sum3A_106 = vector.multi_reduction <add>, %reduce_sum3A_104, %reduce_sum3A_105 [1, 2] : vector<1x1024x1xf32> to vector<1xf32>
    %reduce_sum3A_107 = vector.shape_cast %reduce_sum3A_106 : vector<1xf32> to vector<1x1x1xf32>
    %reduce_sum3A_108 = vector.extract %reduce_sum3A_107[0, 0, 0] : f32 from vector<1x1x1xf32>
    %add3A_109 = arith.addf %reduce_sum3A_100, %reduce_sum3A_108 : f32
    %neg3A_110 = arith.constant 0.000000e+00 : f32
    %neg3A_111 = arith.subf %neg3A_110, %add3A_109 : f32
    %div3A_112 = arith.constant 1.024000e+03 : f32
    %div3A_113 = arith.divf %neg3A_111, %div3A_112 : f32
    %mul3A_114 = arith.constant 2.500000e-01 : f32
    %mul3A_115 = vector.broadcast %mul3A_114 : f32 to vector<1024x512xf32>
    %mul3A_116 = arith.mulf %get3A_1, %mul3A_115 : vector<1024x512xf32>
    %mul3A_117 = arith.constant 2.500000e-01 : f32
    %mul3A_118 = vector.broadcast %mul3A_117 : f32 to vector<1024x512xf32>
    %mul3A_119 = arith.mulf %get3A_7, %mul3A_118 : vector<1024x512xf32>
    %reduce_max3A_120 = arith.constant dense<0xFF800000> : vector<1024xf32>
    %reduce_max3A_121 = vector.multi_reduction <maximumf>, %mul3A_116, %reduce_max3A_120 [1] : vector<1024x512xf32> to vector<1024xf32>
    %broadcast_in_dim3A_122 = vector.shape_cast %reduce_max3A_121 : vector<1024xf32> to vector<1024x1xf32>
    %sub3A_123 = vector.broadcast %broadcast_in_dim3A_122 : vector<1024x1xf32> to vector<1024x512xf32>
    %sub3A_124 = arith.subf %mul3A_116, %sub3A_123 : vector<1024x512xf32>
    %exp3A_125 = math.exp %sub3A_124 : vector<1024x512xf32>
    %reduce_sum3A_126 = arith.constant dense<0.000000e+00> : vector<1024xf32>
    %reduce_sum3A_127 = vector.multi_reduction <add>, %exp3A_125, %reduce_sum3A_126 [1] : vector<1024x512xf32> to vector<1024xf32>
    %broadcast_in_dim3A_128 = vector.shape_cast %reduce_sum3A_127 : vector<1024xf32> to vector<1024x1xf32>
    %log3A_129 = math.log %broadcast_in_dim3A_128 : vector<1024x1xf32>
    %add3A_130 = arith.addf %broadcast_in_dim3A_122, %log3A_129 : vector<1024x1xf32>
    %reduce_max3A_131 = arith.constant dense<0xFF800000> : vector<1024xf32>
    %reduce_max3A_132 = vector.multi_reduction <maximumf>, %mul3A_119, %reduce_max3A_131 [1] : vector<1024x512xf32> to vector<1024xf32>
    %broadcast_in_dim3A_133 = vector.shape_cast %reduce_max3A_132 : vector<1024xf32> to vector<1024x1xf32>
    %sub3A_134 = vector.broadcast %broadcast_in_dim3A_133 : vector<1024x1xf32> to vector<1024x512xf32>
    %sub3A_135 = arith.subf %mul3A_119, %sub3A_134 : vector<1024x512xf32>
    %exp3A_136 = math.exp %sub3A_135 : vector<1024x512xf32>
    %reduce_sum3A_137 = arith.constant dense<0.000000e+00> : vector<1024xf32>
    %reduce_sum3A_138 = vector.multi_reduction <add>, %exp3A_136, %reduce_sum3A_137 [1] : vector<1024x512xf32> to vector<1024xf32>
    %broadcast_in_dim3A_139 = vector.shape_cast %reduce_sum3A_138 : vector<1024xf32> to vector<1024x1xf32>
    %log3A_140 = math.log %broadcast_in_dim3A_139 : vector<1024x1xf32>
    %add3A_141 = arith.addf %broadcast_in_dim3A_133, %log3A_140 : vector<1024x1xf32>
    %sub3A_142 = vector.broadcast %add3A_130 : vector<1024x1xf32> to vector<1024x512xf32>
    %sub3A_143 = arith.subf %mul3A_116, %sub3A_142 : vector<1024x512xf32>
    %exp3A_144 = math.exp %sub3A_143 : vector<1024x512xf32>
    %sub3A_145 = vector.broadcast %add3A_141 : vector<1024x1xf32> to vector<1024x512xf32>
    %sub3A_146 = arith.subf %mul3A_119, %sub3A_145 : vector<1024x512xf32>
    %exp3A_147 = math.exp %sub3A_146 : vector<1024x512xf32>
    %sub3A_148 = arith.subf %mul3A_119, %mul3A_116 : vector<1024x512xf32>
    %mul3A_149 = arith.mulf %exp3A_147, %sub3A_148 : vector<1024x512xf32>
    %reduce_sum3A_150 = arith.constant dense<0.000000e+00> : vector<1024xf32>
    %reduce_sum3A_151 = vector.multi_reduction <add>, %mul3A_149, %reduce_sum3A_150 [1] : vector<1024x512xf32> to vector<1024xf32>
    %broadcast_in_dim3A_152 = vector.shape_cast %reduce_sum3A_151 : vector<1024xf32> to vector<1024x1xf32>
    %sub3A_153 = arith.subf %broadcast_in_dim3A_152, %add3A_141 : vector<1024x1xf32>
    %add3A_154 = arith.addf %sub3A_153, %add3A_130 : vector<1024x1xf32>
    %sub3A_155 = arith.subf %mul3A_116, %mul3A_119 : vector<1024x512xf32>
    %mul3A_156 = arith.mulf %exp3A_144, %sub3A_155 : vector<1024x512xf32>
    %reduce_sum3A_157 = arith.constant dense<0.000000e+00> : vector<1024xf32>
    %reduce_sum3A_158 = vector.multi_reduction <add>, %mul3A_156, %reduce_sum3A_157 [1] : vector<1024x512xf32> to vector<1024xf32>
    %broadcast_in_dim3A_159 = vector.shape_cast %reduce_sum3A_158 : vector<1024xf32> to vector<1024x1xf32>
    %sub3A_160 = arith.subf %broadcast_in_dim3A_159, %add3A_130 : vector<1024x1xf32>
    %add3A_161 = arith.addf %sub3A_160, %add3A_141 : vector<1024x1xf32>
    %add3A_162 = arith.addf %add3A_154, %add3A_161 : vector<1024x1xf32>
    %mul3A_163 = arith.mulf %get3A_10, %add3A_162 : vector<1024x1xf32>
    %reduce_sum3A_164 = vector.shape_cast %mul3A_163 : vector<1024x1xf32> to vector<1x1024x1xf32>
    %reduce_sum3A_165 = arith.constant dense<0.000000e+00> : vector<1xf32>
    %reduce_sum3A_166 = vector.multi_reduction <add>, %reduce_sum3A_164, %reduce_sum3A_165 [1, 2] : vector<1x1024x1xf32> to vector<1xf32>
    %reduce_sum3A_167 = vector.shape_cast %reduce_sum3A_166 : vector<1xf32> to vector<1x1x1xf32>
    %reduce_sum3A_168 = vector.extract %reduce_sum3A_167[0, 0, 0] : f32 from vector<1x1x1xf32>
    %mul3A_169 = arith.constant 1.600000e+01 : f32
    %mul3A_170 = arith.mulf %mul3A_169, %reduce_sum3A_168 : f32
    %div3A_171 = arith.constant 1.024000e+03 : f32
    %div3A_172 = arith.divf %mul3A_170, %div3A_171 : f32
    %mul3A_173 = arith.constant 2.500000e-01 : f32
    %mul3A_174 = vector.broadcast %mul3A_173 : f32 to vector<1024x512xf32>
    %mul3A_175 = arith.mulf %get3A_4, %mul3A_174 : vector<1024x512xf32>
    %mul3A_176 = arith.constant 2.500000e-01 : f32
    %mul3A_177 = vector.broadcast %mul3A_176 : f32 to vector<1024x512xf32>
    %mul3A_178 = arith.mulf %get3A_1, %mul3A_177 : vector<1024x512xf32>
    %gt3A_179 = arith.constant 0.000000e+00 : f32
    %gt3A_180 = vector.broadcast %gt3A_179 : f32 to vector<1024x512xf32>
    %gt3A_181 = arith.cmpf ogt, %convert_element_type3A_13, %gt3A_180 : vector<1024x512xf32>
    %jit3A_182 = arith.constant -1.000000e+30 : f32
    %broadcast_in_dim3A_183 = vector.broadcast %jit3A_182 : f32 to vector<1024x512xf32>
    %select_n3A_184 = arith.select %gt3A_181, %mul3A_175, %broadcast_in_dim3A_183 : vector<1024x512xi1>, vector<1024x512xf32>
    %reduce_max3A_185 = arith.constant dense<0xFF800000> : vector<1024xf32>
    %reduce_max3A_186 = vector.multi_reduction <maximumf>, %select_n3A_184, %reduce_max3A_185 [1] : vector<1024x512xf32> to vector<1024xf32>
    %broadcast_in_dim3A_187 = vector.shape_cast %reduce_max3A_186 : vector<1024xf32> to vector<1024x1xf32>
    %sub3A_188 = vector.broadcast %broadcast_in_dim3A_187 : vector<1024x1xf32> to vector<1024x512xf32>
    %sub3A_189 = arith.subf %select_n3A_184, %sub3A_188 : vector<1024x512xf32>
    %exp3A_190 = math.exp %sub3A_189 : vector<1024x512xf32>
    %reduce_sum3A_191 = arith.constant dense<0.000000e+00> : vector<1024xf32>
    %reduce_sum3A_192 = vector.multi_reduction <add>, %exp3A_190, %reduce_sum3A_191 [1] : vector<1024x512xf32> to vector<1024xf32>
    %broadcast_in_dim3A_193 = vector.shape_cast %reduce_sum3A_192 : vector<1024xf32> to vector<1024x1xf32>
    %log3A_194 = math.log %broadcast_in_dim3A_193 : vector<1024x1xf32>
    %add3A_195 = arith.addf %broadcast_in_dim3A_187, %log3A_194 : vector<1024x1xf32>
    %gt3A_196 = arith.constant 0.000000e+00 : f32
    %gt3A_197 = vector.broadcast %gt3A_196 : f32 to vector<1024x512xf32>
    %gt3A_198 = arith.cmpf ogt, %convert_element_type3A_13, %gt3A_197 : vector<1024x512xf32>
    %jit3A_199 = arith.constant -1.000000e+30 : f32
    %broadcast_in_dim3A_200 = vector.broadcast %jit3A_199 : f32 to vector<1024x512xf32>
    %select_n3A_201 = arith.select %gt3A_198, %mul3A_178, %broadcast_in_dim3A_200 : vector<1024x512xi1>, vector<1024x512xf32>
    %reduce_max3A_202 = arith.constant dense<0xFF800000> : vector<1024xf32>
    %reduce_max3A_203 = vector.multi_reduction <maximumf>, %select_n3A_201, %reduce_max3A_202 [1] : vector<1024x512xf32> to vector<1024xf32>
    %broadcast_in_dim3A_204 = vector.shape_cast %reduce_max3A_203 : vector<1024xf32> to vector<1024x1xf32>
    %sub3A_205 = vector.broadcast %broadcast_in_dim3A_204 : vector<1024x1xf32> to vector<1024x512xf32>
    %sub3A_206 = arith.subf %select_n3A_201, %sub3A_205 : vector<1024x512xf32>
    %exp3A_207 = math.exp %sub3A_206 : vector<1024x512xf32>
    %reduce_sum3A_208 = arith.constant dense<0.000000e+00> : vector<1024xf32>
    %reduce_sum3A_209 = vector.multi_reduction <add>, %exp3A_207, %reduce_sum3A_208 [1] : vector<1024x512xf32> to vector<1024xf32>
    %broadcast_in_dim3A_210 = vector.shape_cast %reduce_sum3A_209 : vector<1024xf32> to vector<1024x1xf32>
    %log3A_211 = math.log %broadcast_in_dim3A_210 : vector<1024x1xf32>
    %add3A_212 = arith.addf %broadcast_in_dim3A_204, %log3A_211 : vector<1024x1xf32>
    %sub3A_213 = vector.broadcast %add3A_195 : vector<1024x1xf32> to vector<1024x512xf32>
    %sub3A_214 = arith.subf %mul3A_175, %sub3A_213 : vector<1024x512xf32>
    %exp3A_215 = math.exp %sub3A_214 : vector<1024x512xf32>
    %mul3A_216 = arith.mulf %exp3A_215, %convert_element_type3A_13 : vector<1024x512xf32>
    %sub3A_217 = vector.broadcast %add3A_212 : vector<1024x1xf32> to vector<1024x512xf32>
    %sub3A_218 = arith.subf %mul3A_178, %sub3A_217 : vector<1024x512xf32>
    %exp3A_219 = math.exp %sub3A_218 : vector<1024x512xf32>
    %mul3A_220 = arith.mulf %exp3A_219, %convert_element_type3A_13 : vector<1024x512xf32>
    %sub3A_221 = arith.subf %mul3A_178, %mul3A_175 : vector<1024x512xf32>
    %mul3A_222 = arith.mulf %mul3A_220, %sub3A_221 : vector<1024x512xf32>
    %reduce_sum3A_223 = arith.constant dense<0.000000e+00> : vector<1024xf32>
    %reduce_sum3A_224 = vector.multi_reduction <add>, %mul3A_222, %reduce_sum3A_223 [1] : vector<1024x512xf32> to vector<1024xf32>
    %broadcast_in_dim3A_225 = vector.shape_cast %reduce_sum3A_224 : vector<1024xf32> to vector<1024x1xf32>
    %sub3A_226 = arith.subf %broadcast_in_dim3A_225, %add3A_212 : vector<1024x1xf32>
    %add3A_227 = arith.addf %sub3A_226, %add3A_195 : vector<1024x1xf32>
    %sub3A_228 = arith.subf %mul3A_175, %mul3A_178 : vector<1024x512xf32>
    %mul3A_229 = arith.mulf %mul3A_216, %sub3A_228 : vector<1024x512xf32>
    %reduce_sum3A_230 = arith.constant dense<0.000000e+00> : vector<1024xf32>
    %reduce_sum3A_231 = vector.multi_reduction <add>, %mul3A_229, %reduce_sum3A_230 [1] : vector<1024x512xf32> to vector<1024xf32>
    %broadcast_in_dim3A_232 = vector.shape_cast %reduce_sum3A_231 : vector<1024xf32> to vector<1024x1xf32>
    %sub3A_233 = arith.subf %broadcast_in_dim3A_232, %add3A_195 : vector<1024x1xf32>
    %add3A_234 = arith.addf %sub3A_233, %add3A_212 : vector<1024x1xf32>
    %add3A_235 = arith.addf %add3A_227, %add3A_234 : vector<1024x1xf32>
    %mul3A_236 = arith.mulf %get3A_10, %add3A_235 : vector<1024x1xf32>
    %reduce_sum3A_237 = vector.shape_cast %mul3A_236 : vector<1024x1xf32> to vector<1x1024x1xf32>
    %reduce_sum3A_238 = arith.constant dense<0.000000e+00> : vector<1xf32>
    %reduce_sum3A_239 = vector.multi_reduction <add>, %reduce_sum3A_237, %reduce_sum3A_238 [1, 2] : vector<1x1024x1xf32> to vector<1xf32>
    %reduce_sum3A_240 = vector.shape_cast %reduce_sum3A_239 : vector<1xf32> to vector<1x1x1xf32>
    %reduce_sum3A_241 = vector.extract %reduce_sum3A_240[0, 0, 0] : f32 from vector<1x1x1xf32>
    %mul3A_242 = arith.constant 1.600000e+01 : f32
    %mul3A_243 = arith.mulf %mul3A_242, %reduce_sum3A_241 : f32
    %div3A_244 = arith.constant 1.024000e+03 : f32
    %div3A_245 = arith.divf %mul3A_243, %div3A_244 : f32
    %swap3A = arith.constant 0 : index
    %swap3A_246 = arith.constant 0 : index
    %swap3A_247 = memref.load %arg4[%swap3A, %swap3A_246] : memref<1x1xf32, #tpu.memory_space<smem>>
    memref.store %div3A_113, %arg4[%swap3A, %swap3A_246] : memref<1x1xf32, #tpu.memory_space<smem>>
    %swap3A_248 = arith.constant 0 : index
    %swap3A_249 = arith.constant 0 : index
    %swap3A_250 = memref.load %arg5[%swap3A_248, %swap3A_249] : memref<1x1xf32, #tpu.memory_space<smem>>
    memref.store %div3A_245, %arg5[%swap3A_248, %swap3A_249] : memref<1x1xf32, #tpu.memory_space<smem>>
    %swap3A_251 = arith.constant 0 : index
    %swap3A_252 = arith.constant 0 : index
    %swap3A_253 = memref.load %arg6[%swap3A_251, %swap3A_252] : memref<1x1xf32, #tpu.memory_space<smem>>
    memref.store %div3A_61, %arg6[%swap3A_251, %swap3A_252] : memref<1x1xf32, #tpu.memory_space<smem>>
    %swap3A_254 = arith.constant 0 : index
    %swap3A_255 = arith.constant 0 : index
    %swap3A_256 = memref.load %arg7[%swap3A_254, %swap3A_255] : memref<1x1xf32, #tpu.memory_space<smem>>
    memref.store %div3A_172, %arg7[%swap3A_254, %swap3A_255] : memref<1x1xf32, #tpu.memory_space<smem>>
    return
  }
}

</mosaic_0001>

<sc_bundles>
// kernel: kernel.4.cloned.1.call-start
scs
__scs_entry_jumppad:
0x0: {  	(pc) =	sbr.rel $0x88, $3  }
0x1: {  	(tag) =	ssettag $0x0;
	lr =	simm.s32 $0x1  }
0x2: {  	[smem:$0x3F9A] =	sst lr;
	_ =	strace $0xD0000000  }
0x3: {  	_ = 	snop  }
0x4: {  	_ = 	snop  }
0x5: {  	_ = 	snop  }
0x6: {  	_ = 	snop  }
0x7: {  	_ = 	snop  }
__scs_overlays_trampoline_lowered:
0x8: {  	[smem:$0x3FA9] =	sst s0  }
0x9: {  	[smem:$0x3FAA] =	sst s1  }
0xa: {  	[smem:$0x3FAB] =	sst s2  }
0xb: {  	[smem:$0x3FAC] =	sst s3  }
0xc: {  	[smem:$0x3FAD] =	sst s4  }
0xd: {  	[smem:$0x3FAE] =	sst s5  }
0xe: {  	[smem:$0x3FAF] =	sst s6  }
0xf: {  	[smem:$0x3FB0] =	sst s7  }
0x10: {  	[smem:$0x3FB1] =	sst s8  }
0x11: {  	[smem:$0x3FB2] =	sst s9;
	s0 =	simm.s32 @!p0 $0x0  }
0x12: {  	s1 =	sld [smem:$0x3F98];
	s0 =	simm.s32 @p0 $0x1  }
0x13: {  	[smem:$0x3FB3] =	sst s0;
	s0 =	simm.s32 @!p1 $0x0  }
0x14: {  	s2 =	sld [smem:$0x3F97];
	s0 =	simm.s32 @p1 $0x1  }
0x15: {  	[smem:$0x3FB4] =	sst s0;
	s0 =	simm.s32 @!p2 $0x0  }
0x16: {  	s3 =	sld [smem:$0x3FDB];
	s0 =	simm.s32 @p2 $0x1  }
0x17: {  	s4 =	simm.s32 $0x1BF5;
	[smem:$0x3FB6] =	sst s0  }
0x18: {  	s0 =	sld [smem:$0x3F99];
	_ =	swait.ge [sflag:s4], $0x0  }
0x19: {  	s7 =	sld [smem:$0x3F9A]  }
0x1a: {  	s8 =	sadd.s32 $0xFFFFE003, lr  }
0x1b: {  	s9 =	sadd.s32 $0xFFFFFEF7, lr;
	s5 =	simm.s32 $0xFFFFFFFF;
	p2 =	slt.u32 s8, $0xFFFFF086  }
0x1c: {  	p1 =	slt.u32 s9, $0xF7A;
	s5 =	simm.s32 @!p2 $0x0  }
0x1d: {  	s5 =	simm.s32 @p1 $0x1;
	p0 =	seq.s32 s7, s2  }
0x1e: {  	s7 =	smul.u32 @!p0 $0xF7A, s2;
	p2 =	seq.s32 @!p0 s5, $0x0  }
0x1f: {  	s9 =	smul.u32 $0xF7A, s1;
	s8 =	simm.s32 @!p0 $0x1BF5;
	p2 =	por !p2, p0  }
0x20: {  	[sflag:s8] =	ssyncset.s32 @!p0 $0xFFFFF086;
	s6 =	sadd.s32 @!p0 s3, s7;
	s7 =	simm.s32 @!p0 $0x108  }
0x21: {  	s3 =	sadd.s32 s3, s9;
	s6 =	sadd.s32 @!p0 $0x88, s6;
	s7 =	simm.s32 @p2 $0x1082  }
0x22: {  	[simem:s7], [sflag:s8] =	dma.local @!p0 [hbm:s6], $0xF7A  }
0x23: {  	s9 =	sor.u32 $0xD0000000, s2;
	s6 =	simm.s32 $0x108;
	_ =	swait.ge @!p0 [sflag:s8], $0x0  }
0x24: {  	s3 =	sadd.s32 $0x88, s3;
	s6 =	simm.s32 @!p1 $0x1082;
	[sflag:s4] =	ssyncset.s32 $0xFFFFF086  }
0x25: {  	[simem:s6], [sflag:s4] =	dma.local [hbm:s3], $0xF7A  }
0x26: {  	[smem:$0x3F9A] =	sst s1;
	(tag) =	ssettag s2;
	_ =	strace s9  }
0x27: {  	s1 =	sld [smem:$0x3FAA]  }
0x28: {  	s2 =	sld [smem:$0x3FAB]  }
0x29: {  	s4 =	sld [smem:$0x3FAD]  }
0x2a: {  	p0 =	seq.s32 s5, $0x0;
	s5 =	sld [smem:$0x3FAE]  }
0x2b: {  	s6 =	sld [smem:$0x3FAF]  }
0x2c: {  	s7 =	sld [smem:$0x3FB0]  }
0x2d: {  	s3 =	simm.s32 $0x108;
	s8 =	sld [smem:$0x3FB1]  }
0x2e: {  	s3 =	simm.s32 @!p0 $0x1082;
	s9 =	sld [smem:$0x3FB2]  }
0x2f: {  	lr =	sadd.s32 s0, s3;
	s0 =	sld [smem:$0x3FA9]  }
0x30: {  	s3 =	sld [smem:$0x3FAC]  }
0x31: {  	[smem:$0x3FB5] =	sst s10  }
0x32: {  	s10 =	sld [smem:$0x3FB3];
	_ =	sdelay $0x3  }
0x33: {  	p0 =	seq.s32 s10, $0x1;
	s10 =	sld [smem:$0x3FB5];
	_ =	sdelay $0x3  }
0x34: {  	[smem:$0x3FB5] =	sst s10  }
0x35: {  	s10 =	sld [smem:$0x3FB4];
	_ =	sdelay $0x3  }
0x36: {  	p1 =	seq.s32 s10, $0x1;
	s10 =	sld [smem:$0x3FB5];
	_ =	sdelay $0x3  }
0x37: {  	[smem:$0x3FB5] =	sst s10  }
0x38: {  	s10 =	sld [smem:$0x3FB6]  }
0x39: {  	_ = 	snop;
	(pc) =	sbr.ind lr, $3  }
0x3a: {  	_ = 	snop  }
0x3b: {  	_ = 	snop  }
0x3c: {  	p2 =	seq.s32 s10, $0x1;
	s10 =	sld [smem:$0x3FB5]  }
0x3d: {  	_ =	shalt  }
0x3e: {  	_ =	shalt  }
0x3f: {  	_ =	shalt  }
0x40: {  	_ =	shalt  }
0x41: {  	_ =	shalt  }
0x42: {  	_ =	shalt  }
0x43: {  	_ =	shalt  }
0x44: {  	_ =	shalt  }
0x45: {  	_ =	shalt  }
0x46: {  	_ =	shalt  }
0x47: {  	_ =	shalt  }
0x48: {  	_ =	shalt  }
0x49: {  	_ =	shalt  }
0x4a: {  	_ =	shalt  }
0x4b: {  	_ =	shalt  }
0x4c: {  	_ =	shalt  }
0x4d: {  	_ =	shalt  }
0x4e: {  	_ =	shalt  }
0x4f: {  	_ =	shalt  }
0x50: {  	_ =	shalt  }
0x51: {  	_ =	shalt  }
0x52: {  	_ =	shalt  }
0x53: {  	_ =	shalt  }
0x54: {  	_ =	shalt  }
0x55: {  	_ =	shalt  }
0x56: {  	_ =	shalt  }
0x57: {  	_ =	shalt  }
0x58: {  	_ =	shalt  }
0x59: {  	_ =	shalt  }
0x5a: {  	_ =	shalt  }
0x5b: {  	_ =	shalt  }
0x5c: {  	_ =	shalt  }
0x5d: {  	_ =	shalt  }
0x5e: {  	_ =	shalt  }
0x5f: {  	_ =	shalt  }
0x60: {  	_ =	shalt  }
0x61: {  	_ =	shalt  }
0x62: {  	_ =	shalt  }
0x63: {  	_ =	shalt  }
0x64: {  	_ =	shalt  }
0x65: {  	_ =	shalt  }
0x66: {  	_ =	shalt  }
0x67: {  	_ =	shalt  }
0x68: {  	_ =	shalt  }
0x69: {  	_ =	shalt  }
0x6a: {  	_ =	shalt  }
0x6b: {  	_ =	shalt  }
0x6c: {  	_ =	shalt  }
0x6d: {  	_ =	shalt  }
0x6e: {  	_ =	shalt  }
0x6f: {  	_ =	shalt  }
0x70: {  	_ =	shalt  }
0x71: {  	_ =	shalt  }
0x72: {  	_ =	shalt  }
0x73: {  	_ =	shalt  }
0x74: {  	_ =	shalt  }
0x75: {  	_ =	shalt  }
0x76: {  	_ =	shalt  }
0x77: {  	_ =	shalt  }
0x78: {  	_ =	shalt  }
0x79: {  	_ =	shalt  }
0x7a: {  	_ =	shalt  }
0x7b: {  	_ =	shalt  }
0x7c: {  	_ =	shalt  }
0x7d: {  	_ =	shalt  }
0x7e: {  	_ =	shalt  }
0x7f: {  	_ =	shalt  }
0x80: {  	_ =	shalt  }
0x81: {  	_ =	shalt  }
0x82: {  	_ =	shalt  }
0x83: {  	_ =	shalt  }
0x84: {  	_ =	shalt  }
0x85: {  	_ =	shalt  }
0x86: {  	_ =	shalt  }
0x87: {  	_ =	shalt  }
.Lfunc_end0:
.L_simem_size_0:
called_computation_lowered:
.L_overlay_start_0:
0x88: {  	s2 =	sld [smem:$0x3FD9]  }
0x89: {  	s3 =	sld [smem:$0x3FFE];
	_ =	sdelay $0x1  }
0x8a: {  	s1 =	srdreg.scid  }
0x8b: {  	s0 =	sand.u32 $0x1, s1  }
0x8c: {  	s17 =	sshll.u32 s0, $0xA;
	s2 =	sadd.s32 s3, s2  }
0x8d: {  	s2 =	sadd.s32 s2, s17  }
0x8e: {  	[smem:$0x3FC1] =	sst s2  }
0x8f: {  	_ = 	snop  }
0x90: {  	s2 =	sld [smem:$0x3FC9]  }
0x91: {  	s18 =	sld [smem:$0x3FC8]  }
0x92: {  	s4 =	sld [smem:$0x3FC4]  }
0x93: {  	s5 =	sld [smem:$0x3FC3];
	(tm) =	ssettm $0x1  }
0x94: {  	s6 =	sld [smem:$0x3FFB];
	_ =	sdelay $0x3  }
0x95: {  	_ =	strace s6  }
0x96: {  	s6 =	sld [smem:$0x3FFC];
	_ =	sdelay $0x3  }
0x97: {  	_ =	strace s6  }
0x98: {  	s6 =	sld [smem:$0x3FFD];
	_ =	sdelay $0x3  }
0x99: {  	_ =	strace s6  }
0x9a: {  	_ =	strace $0x8FFFFFFF  }
0x9b: {  	s19 =	sld [smem:$0x3FDB];
	_ =	sdelay $0x1  }
0x9c: {  	s7 =	simm.s32 $_scs_section_size  }
0x9d: {  	s8 =	simm.s32 $_size__tile_overlayer_lowered;
	s9 =	simm.s32 $_tile_overlayer_lowered  }
0x9e: {  	s22 =	simm.s32 $0x1BFF;
	s21 =	sshll.u32 s9, $0x1;
	s6 =	sadd.s32 s7, s19  }
0x9f: {  	s10 =	simm.s32 $0x0;
	s20 =	sshll.u32 s8, $0x1;
	s8 =	sadd.s32 s21, s6  }
0xa0: {  	[timem:s10], [sflag:s22] =	dma.local [hbm:s8], s20  }
0xa1: {  	_ =	swait.ge [sflag:s22], s20  }
0xa2: {  	s7 =	ssub.s32 $0x0, s20;
	[sflag:s22] =	ssyncset.done $0x0  }
0xa3: {  	[sflag:s22] =	ssyncadd.s32 s7;
	_ =	sdelay $0x1  }
0xa4: {  	s23 =	simm.s32 $0x1B8B  }
0xa5: {  	_ =	swait.ge [sflag:s23], $0x1  }
0xa6: {  	[sflag:s23] =	ssyncset.done $0x0  }
0xa7: {  	s25 =	simm.s32 $0x1B8E;
	s24 =	sld [smem:$0x3FFE];
	[sflag:s23] =	ssyncadd.s32 $0xFFFFFFFF  }
0xa8: {  	s26 =	simm.s32 $execute0_lowered;
	[smem:$0x3FD2] =	sst s25  }
0xa9: {  	s8 =	sshll.u32 s26, $0x1;
	_ =	strace $0x80000046;
	[dreg:$0x1] =	wrdreg $0xFFFFFFFF  }
0xaa: {  	s28 =	simm.s32 $_size_execute0_lowered;
	s6 =	sadd.s32 s6, s8;
	[dreg:$0x0] =	wrdreg $0x0  }
0xab: {  	s8 =	sshll.u32 s28, $0x1;
	[dreg:$0x2] =	wrdreg s6  }
0xac: {  	[dreg:$0x3] =	wrdreg s8  }
0xad: {  	[dreg:$0x4] =	wrdreg $0xC0  }
0xae: {  	_ =	task [dreg:s10], $0x5FFFF  }
0xaf: {  	[dreg:$0x1] =	wrdreg $0xFFFFFFFF  }
0xb0: {  	[dreg:$0x0] =	wrdreg $0x60  }
0xb1: {  	[dreg:$0x2] =	wrdreg s4  }
0xb2: {  	[dreg:$0x3] =	wrdreg s5  }
0xb3: {  	[dreg:$0x4] =	wrdreg s2  }
0xb4: {  	[dreg:$0x5] =	wrdreg s18  }
0xb5: {  	[dreg:$0x6] =	wrdreg s24  }
0xb6: {  	[dreg:$0x7] =	wrdreg $0x9  }
0xb7: {  	_ =	task.clear_ibuf [dreg:s10], $0x8FFFF;
	_ =	strace $0x90000046  }
0xb8: {  	s29 =	simm.s32 $0x9;
	_ =	strace $0x80000048  }
0xb9: {  	_ =	swait.ge [sflag:s29], $0x1  }
0xba: {  	[sflag:s29] =	ssyncadd.s32 $0xFFFFFFFF  }
0xbb: {  	_ =	strace $0x90000048  }
0xbc: {  	_ =	sfence  }
0xbd: {  	s30 =	sld [smem:$0x0];
	_ =	sdelay $0x2  }
0xbe: {  	s31 =	sshll.u32 s1, $0xD;
	s1 =	sshrl.u32 s1, $0x2  }
0xbf: {  	s3 =	sand.u32 $0x4000, s31;
	s1 =	sadd.s32 s1, s30  }
0xc0: {  	s0 =	sor.u32 s3, s0;
	s1 =	sshll.u32 s1, $0x11  }
0xc1: {  	s0 =	sor.u32 s1, s0  }
0xc2: {  	s0 =	sadd.s32 $0x8F2B, s0  }
0xc3: {  	[sflag:s0] =	ssyncadd.remote.s32 $0x1  }
0xc4: {  	_ =	sfence.sel $0xFFFF  }
0xc5: {  	[dreg:$0x0] =	wrdreg $0xFFFFFFFF;
	(pc) =	sbr.abs _section_cstart, $3  }
0xc6: {  	[dreg:$0x1] =	wrdreg $0xFFFFFFFF  }
0xc7: {  	_ =	task.clear_ibuf [dreg:s10], $0x2FFFF;
	_ =	strace $0x9FFFFFFF  }
0xc8: {  	(tm) =	ssettm $0x7FFFFFFF  }
0xc9: {  	_ =	shalt  }
tec
execute0_lowered:
.L_overlay_start_1:
0x0: {  	(tag) =	ssettag $0x1  }
0x1: {  	s0 =	rddreg [dreg:$0x0]  }
0x2: {  	s2 =	rddreg [dreg:$0x1]  }
0x3: {  	s1 =	rddreg [dreg:$0x2]  }
0x4: {  	s3 =	srdreg.scid;
	s9 =	rddreg [dreg:$0x3]  }
0x5: {  	s4 =	stileid.u32;
	s8 =	rddreg [dreg:$0x4]  }
0x6: {  	s22 =	simm.s32 $0x0;
	s13 =	simm.s32 $0x9;
	s14 =	simm.s32 $0x4000  }
0x7: {  	s15 =	simm.s32 $0x5000;
	s17 =	simm.s32 $0x6000;
	s18 =	simm.s32 $0xC000  }
0x8: {  	s28 =	simm.s32 $0x8;
	s29 =	simm.s32 $0x2;
	s30 =	simm.s32 $0x5  }
0x9: {  	s31 =	simm.s32 $0x3;
	s3 =	sand.u32 $0x1, s3;
	s5 =	sshll.u32 s4, $0x6  }
0xa: {  	[smem:$0x7FF] =	sst s22;
	s6 =	sshll.u32 s3, $0x5;
	s3 =	ssub.s32 $0x2, s3  }
0xb: {  	s7 =	sadd.s32 $0x21200, s8;
	s5 =	sor.u32 s6, s5;
	s11 =	sshrl.u32 s3, $0x1  }
0xc: {  	_ =	strace $0x80000047;
	s6 =	sshll.u32 s5, $0x6;
	s3 =	ssub.s32 s3, s11  }
0xd: {  	v0 =	vlaneseq.u32;
	s23 =	sshll.u32 s5, $0x4;
	s10 =	sadd.s32 s6, s8;
	s6 =	sadd.s32 $0x11200, s8  }
.Ltmp0:
0xe: {  	v1 =	vmul.u32 $0x80, v0;
	s8 =	sadd.s32 $0x31200, s8;
	s1 =	sadd.s32 s1, s23;
	(pc) =	sbr.rel .LBB2_1-.Ltmp0, $4  }
0xf: {  	s25 =	sadd.s32 s9, s23;
	s26 =	smax.u32 s3, $0x1;
	[dreg:$0x7] =	wrdreg s1  }
0x10: {  	v2 =	vor.u32 $0x800, v1;
	s3 =	simm.s32 $0x6;
	s24 =	sadd.s32 $0x1200, s10;
	[dreg:$0x8] =	wrdreg s25  }
0x11: {  	v3 =	vor.u32 $0x1000, v1;
	v4 =	vor.u32 $0x1800, v1;
	v5 =	vor.u32 $0x2000, v1;
	[dreg:$0x9] =	wrdreg s26;
	s25 =	simm.s32 $0x4;
	s26 =	simm.s32 $0x7  }
0x12: {  	v6 =	vor.u32 $0x2800, v1;
	v7 =	vor.u32 $0x3000, v1;
	v8 =	vor.u32 $0x3800, v1;
	s1 =	simm.s32 $0x0;
	[dreg:$0x6] =	wrdreg s24;
	s24 =	simm.s32 $0x1  }
.LBB2_16:
0x13: {  	_ =	swait.ge [sflag:s26], $0x200  }
0x14: {  	[sflag:s26] =	ssyncset.done $0x0  }
0x15: {  	[sflag:s26] =	ssyncadd.s32 $0xFFFFFE00  }
0x16: {  	_ =	swait.ge [sflag:s26], $0x200  }
0x17: {  	[sflag:s26] =	ssyncset.done $0x0  }
0x18: {  	[sflag:s26] =	ssyncadd.s32 $0xFFFFFE00  }
0x19: {  	_ =	swait.ge [sflag:s26], $0x200  }
0x1a: {  	[sflag:s26] =	ssyncset.done $0x0  }
0x1b: {  	[sflag:s26] =	ssyncadd.s32 $0xFFFFFE00  }
0x1c: {  	_ =	swait.ge [sflag:s28], $0x200  }
0x1d: {  	[sflag:s28] =	ssyncset.done $0x0  }
0x1e: {  	[sflag:s28] =	ssyncadd.s32 $0xFFFFFE00  }
0x1f: {  	_ =	swait.ge [sflag:s28], $0x200  }
0x20: {  	[sflag:s28] =	ssyncset.done $0x0  }
0x21: {  	[sflag:s28] =	ssyncadd.s32 $0xFFFFFE00  }
0x22: {  	_ =	swait.ge [sflag:s28], $0x200  }
0x23: {  	s1 =	sadd.s32 $0x1, s1;
	s4 =	rddreg [dreg:$0x9]  }
0x24: {  	p0 =	sne.s32 s1, s4  }
.Ltmp1:
0x25: {  	_ = 	snop;
	(pc) =	sbr.rel @!p0 .LBB2_17-.Ltmp1, $3  }
0x26: {  	_ =	sdelay $0x1  }
0x27: {  	[sflag:s28] =	ssyncset.done $0x0  }
0x28: {  	[sflag:s28] =	ssyncadd.s32 $0xFFFFFE00  }
.LBB2_1:
0x29: {  	s4 =	simm.s32 $0x0;
	s9 =	rddreg [dreg:$0x6]  }
0x2a: {  	[tilespmem:s4], [sflag:$0x9] =	stream.linear.gather [hbm4b:s9+s4], $0x4000, $0x38;
	[tilespmem:$0x12C00] =	vst v63  }
0x2b: {  	_ =	swait.ge [sflag:s13], $0x4000  }
0x2c: {  	[sflag:s13] =	ssyncset.done $0x0  }
0x2d: {  	s12 =	rddreg [dreg:$0x7];
	[sflag:s13] =	ssyncadd.s32 $0xFFFFC000  }
0x2e: {  	[tilespmem:s14], [sflag:$0x9] =	stream.linear.gather [hbm4b:s12+s4], $0x1000, $0x38;
	[tilespmem:$0x12C00] =	vst v63  }
0x2f: {  	_ =	swait.ge [sflag:s13], $0x1000  }
0x30: {  	[sflag:s13] =	ssyncset.done $0x0  }
0x31: {  	s16 =	rddreg [dreg:$0x8];
	[sflag:s13] =	ssyncadd.s32 $0xFFFFF000  }
0x32: {  	[tilespmem:s15], [sflag:$0x9] =	stream.linear.gather [hbm4b:s16+s4], $0x1000, $0x38;
	[tilespmem:$0x12C00] =	vst v63  }
0x33: {  	_ =	swait.ge [sflag:s13], $0x1000  }
0x34: {  	[sflag:s13] =	ssyncset.done $0x0  }
0x35: {  	s19 =	simm.s32 $0x40;
	[sflag:s13] =	ssyncadd.s32 $0xFFFFF000  }
0x36: {  	[tilespmem:s17], [sflag:$0x1] =	stream.indirect.gather [hbm4b:s0+s19], $0x80, s4, s19, $0xb8;
	[tilespmem:$0x12C00] =	vst v63  }
0x37: {  	_ = 	snop  }
0x38: {  	[tilespmem:s18], [sflag:$0x4] =	stream.indirect.gather [hbm4b:s2+s19], $0x80, s4, s19, $0xb8;
	[tilespmem:$0x12C00] =	vst v63  }
0x39: {  	s20 =	simm.s32 $0x8000  }
0x3a: {  	[tilespmem:s20], [sflag:$0x2] =	stream.indirect.gather [hbm4b:s0+s19], $0x80, s19, s19, $0xb8;
	[tilespmem:$0x12C00] =	vst v63  }
0x3b: {  	s21 =	simm.s32 $0xE000  }
0x3c: {  	[tilespmem:s21], [sflag:$0x5] =	stream.indirect.gather [hbm4b:s2+s19], $0x80, s19, s19, $0xb8;
	[tilespmem:$0x12C00] =	vst v63  }
.Ltmp2:
0x3d: {  	s22 =	simm.s32 $0x400;
	s10 =	simm.s32 $0xA000;
	(pc) =	sbr.rel .LBB2_2-.Ltmp2, $4  }
0x3e: {  	[tilespmem:s10], [sflag:$0x3] =	stream.indirect.gather [hbm4b:s0+s19], $0x80, s22, s19, $0xb8;
	[tilespmem:$0x12C00] =	vst v63  }
0x3f: {  	s23 =	simm.s32 $0x10000  }
0x40: {  	[tilespmem:s23], [sflag:$0x6] =	stream.indirect.gather [hbm4b:s2+s19], $0x80, s22, s19, $0xb8;
	[tilespmem:$0x12C00] =	vst v63  }
0x41: {  	s19 =	simm.s32 $0x0  }
.LBB2_15:
0x42: {  	s19 =	sadd.s32 $0x1, s19  }
0x43: {  	p0 =	sne.s32 s19, $0x56  }
.Ltmp3:
0x44: {  	_ = 	snop;
	(pc) =	sbr.rel @!p0 .LBB2_16-.Ltmp3, $1  }
0x45: {  	_ =	sdelay $0x3  }
.LBB2_2:
0x46: {  	s20 =	smul.u32 $0x3, s19;
	_ =	sdelay $0x1  }
0x47: {  	s21 =	sand.u32 $0x7, s20  }
0x48: {  	_ =	swait.ge [sflag:s24], $0x2000;
	p1 =	sgt.u32 s19, $0x5;
	p0 =	seq.s32 s21, $0x0  }
0x49: {  	[sflag:s24] =	ssyncset.done $0x0;
	s23 =	sshrl.u32 s20, $0x3;
	p0 =	por !p1, !p0  }
0x4a: {  	[sflag:s24] =	ssyncadd.s32 $0xFFFFE000;
	s9 =	sand.u32 $0x1, s23;
	p1 =	por !p0, !p0  }
0x4b: {  	_ =	swait.ge [sflag:s25], $0x2000;
	p0 =	sne.s32 @p1 s9, $0x0  }
0x4c: {  	[sflag:s25] =	ssyncset.done $0x0;
	p2 =	por p0, !p1  }
0x4d: {  	[sflag:s25] =	ssyncadd.s32 $0xFFFFE000;
	s10 =	simm.s32 @!p2 $0x7  }
0x4e: {  	_ =	swait.ge @!p2 [sflag:s10], $0x200  }
0x4f: {  	[sflag:s10] =	ssyncset.done @!p2 $0x0  }
0x50: {  	[sflag:s10] =	ssyncadd.s32 @!p2 $0xFFFFFE00  }
0x51: {  	_ =	swait.ge @!p2 [sflag:s10], $0x200  }
0x52: {  	[sflag:s10] =	ssyncset.done @!p2 $0x0  }
0x53: {  	p0 =	seq.s32 s9, $0x1;
	[sflag:s10] =	ssyncadd.s32 @!p2 $0xFFFFFE00  }
0x54: {  	p1 =	por !p1, !p0;
	_ =	swait.ge @!p2 [sflag:s10], $0x200  }
0x55: {  	s11 =	simm.s32 $0x0;
	p1 =	por !p1, !p1;
	[sflag:s10] =	ssyncset.done @!p2 $0x0  }
0x56: {  	v9 =	vmov s11;
	[sflag:s10] =	ssyncadd.s32 @!p2 $0xFFFFFE00;
	s10 =	simm.s32 @p1 $0x8  }
0x57: {  	v9 =	vand.u32 $0x70, v9;
	_ =	swait.ge @p1 [sflag:s10], $0x200  }
0x58: {  	v10 =	vadd.s32 s11, v0;
	v11 =	vbroadcast v9, $0x0;
	[sflag:s10] =	ssyncset.done @p1 $0x0  }
0x59: {  	v10 =	vand.u32 $0xF, v10;
	s4 =	sshll.u32 s23, $0x7;
	[sflag:s10] =	ssyncadd.s32 @p1 $0xFFFFFE00  }
0x5a: {  	s12 =	simm.s32 $0x1;
	v9 =	vmov s4;
	v10 =	vor.u32 v10, v11;
	_ =	swait.ge @p1 [sflag:s10], $0x200  }
0x5b: {  	v12 =	vadd.s32 s12, v0;
	v13 =	vor.u32 v9, v10;
	[sflag:s10] =	ssyncset.done @p1 $0x0  }
0x5c: {  	v12 =	vand.u32 $0xF, v12;
	v14 =	vor.u32 v1, v10;
	[sflag:s10] =	ssyncadd.s32 @p1 $0xFFFFFE00  }
0x5d: {  	v11 =	vor.u32 v11, v12;
	v12 =	vor.u32 v4, v10;
	_ =	swait.ge @p1 [sflag:s10], $0x200  }
0x5e: {  	v15 =	vor.u32 v9, v11;
	[sflag:s10] =	ssyncset.done @p1 $0x0  }
0x5f: {  	[sflag:s10] =	ssyncadd.s32 @p1 $0xFFFFFE00  }
0x60: {  	v16 =	vor.u32 v2, v11;
	v17 =	vld.idx.msk [tilespmem:v13+s14+$0x0], $0xffff  }
0x61: {  	v18 =	vor.u32 v3, v10;
	v21 =	vld.idx.msk [tilespmem:v14+s17+$0x0], $0xffff  }
0x62: {  	v23 =	vor.u32 v4, v11;
	v19 =	vld.idx.msk [tilespmem:v12+s18+$0x0], $0xffff  }
0x63: {  	v10 =	vor.u32 v2, v10;
	v25 =	vld.idx.msk [tilespmem:v15+s15+$0x0], $0xffff  }
0x64: {  	v20 =	vor.u32 v1, v11;
	v14 =	vld.idx.msk [tilespmem:v14+s18+$0x0], $0xffff  }
0x65: {  	v30 =	vld.idx.msk [tilespmem:v16+s17+$0x0], $0xffff  }
0x66: {  	v22 =	vld.idx.msk [tilespmem:v18+s18+$0x0], $0xffff  }
0x67: {  	v31 =	vld.idx.msk [tilespmem:v23+s17+$0x0], $0xffff  }
0x68: {  	v27 =	vld.idx.msk [tilespmem:v10+s18+$0x0], $0xffff  }
0x69: {  	v29 =	vld.idx.msk [tilespmem:v20+s17+$0x0], $0xffff  }
0x6a: {  	v39 =	vld.idx.msk [tilespmem:v18+s17+$0x0], $0xffff  }
0x6b: {  	s22 =	simm.s32 $0x3;
	v24 =	vor.u32 v3, v11;
	v34 =	vld.idx.msk [tilespmem:v10+s17+$0x0], $0xffff  }
0x6c: {  	v11 =	vimm.f32 $0.0e+00;
	v18 =	vadd.s32 s22, v0;
	v13 =	vld.idx.msk [tilespmem:v13+s15+$0x0], $0xffff;
	v19 =	vmul.f32 v19, v17  }
0x6d: {  	s16 =	simm.s32 $0x2;
	v43 =	vld.idx.msk [tilespmem:v15+s14+$0x0], $0xffff;
	v18 =	vand.u32 $0xF, v18;
	v26 =	vmul.f32 v21, v17;
	v36 =	vmul.f32 v30, v25  }
0x6e: {  	v12 =	vld.idx.msk [tilespmem:v12+s17+$0x0], $0xffff;
	v46 =	vadd.f32 v19, v11;
	v19 =	vmul.f32 v22, v17;
	v22 =	vmov s16  }
0x6f: {  	v35 =	vld.idx.msk [tilespmem:v20+s18+$0x0], $0xffff;
	v10 =	vmul.f32 v14, v17;
	v27 =	vmul.f32 v27, v17;
	v14 =	vand.u32 $0x70, v22  }
0x70: {  	v32 =	vld.idx.msk [tilespmem:v24+s17+$0x0], $0xffff;
	v45 =	vmul.f32 v31, v25;
	v22 =	vadd.s32 s16, v0;
	v14 =	vbroadcast v14, $0x0  }
0x71: {  	v42 =	vld.idx.msk [tilespmem:v16+s18+$0x0], $0xffff;
	v38 =	vmul.f32 v39, v17;
	v47 =	vmul.f32 v29, v25;
	v15 =	vand.u32 $0xF, v22  }
0x72: {  	v29 =	vmul.f32 v29, v43;
	v44 =	vadd.f32 v19, v11;
	v19 =	vor.u32 v15, v14  }
0x73: {  	v49 =	vmul.f32 v12, v17;
	v51 =	vmul.f32 v34, v13;
	v20 =	vor.u32 v9, v19  }
0x74: {  	v50 =	vld.idx.msk [tilespmem:v23+s18+$0x0], $0xffff;
	v23 =	vmul.f32 v35, v43;
	v21 =	vmul.f32 v21, v13;
	v37 =	vor.u32 v1, v19  }
0x75: {  	v12 =	vmul.f32 v12, v13;
	v14 =	vor.u32 v14, v18;
	v18 =	vor.u32 v4, v19  }
0x76: {  	v42 =	vmul.f32 v42, v43;
	v15 =	vmul.f32 v32, v25;
	v25 =	vor.u32 v9, v14  }
0x77: {  	v48 =	vld.idx.msk [tilespmem:v24+s18+$0x0], $0xffff;
	v35 =	vmul.f32 v31, v43;
	v33 =	vadd.f32 v26, v11;
	v41 =	vadd.f32 v10, v11  }
0x78: {  	v26 =	vor.u32 v2, v19;
	v28 =	vor.u32 v3, v19;
	v16 =	vor.u32 v2, v14;
	v24 =	vld.idx.msk [tilespmem:v20+s14+$0x0], $0xffff  }
0x79: {  	v22 =	vor.u32 v3, v14;
	v19 =	vor.u32 v1, v14;
	v10 =	vor.u32 v4, v14;
	v14 =	vld.idx.msk [tilespmem:v37+s17+$0x0], $0xffff  }
0x7a: {  	v52 =	vadd.f32 v38, v11;
	v38 =	vmul.f32 v34, v17;
	v17 =	vadd.f32 v27, v11;
	v53 =	vld.idx.msk [tilespmem:v18+s18+$0x0], $0xffff  }
0x7b: {  	v31 =	vmul.f32 v32, v43;
	v34 =	vadd.f32 v49, v11;
	v12 =	vadd.f32 v12, v11;
	v27 =	vld.idx.msk [tilespmem:v25+s15+$0x0], $0xffff  }
0x7c: {  	v63 =	vmul.f32 v50, v43;
	v62 =	vadd.f32 v21, v11;
	v21 =	vadd.f32 v51, v11;
	v37 =	vld.idx.msk [tilespmem:v37+s18+$0x0], $0xffff  }
0x7d: {  	v40 =	vadd.f32 v29, v33;
	v29 =	vadd.f32 v23, v41;
	v41 =	vmul.f32 v39, v13;
	v33 =	vld.idx.msk [tilespmem:v16+s17+$0x0], $0xffff  }
0x7e: {  	v23 =	vadd.f32 v42, v17;
	v17 =	vmul.f32 v48, v43;
	v12 =	vadd.f32 v45, v12;
	v42 =	vld.idx.msk [tilespmem:v28+s18+$0x0], $0xffff  }
0x7f: {  	v43 =	vmul.f32 v30, v43;
	v31 =	vadd.f32 v31, v52;
	v21 =	vadd.f32 v36, v21;
	v13 =	vld.idx.msk [tilespmem:v10+s17+$0x0], $0xffff  }
0x80: {  	v30 =	vadd.f32 v47, v62;
	v39 =	vadd.f32 v17, v44;
	v17 =	vld.idx.msk [tilespmem:v22+s17+$0x0], $0xffff;
	v45 =	vmul.f32 v14, v24  }
0x81: {  	s10 =	simm.s32 $0x4;
	v46 =	vadd.f32 v63, v46;
	v32 =	vimm.f32 $0.0e+00;
	v36 =	vld.idx.msk [tilespmem:v19+s17+$0x0], $0xffff;
	v44 =	vmul.f32 v53, v24  }
.LBB2_3:
0x82: {  	p1 =	slt.u32 s10, $0x7E;
	v40 =	vadd.f32 v45, v40;
	v45 =	vld.idx.msk [tilespmem:v26+s18+$0x0], $0xffff;
	v11 =	vadd.f32 v38, v11;
	s11 =	smov.u32 s10;
	s10 =	sadd.s32 $0x2, s10  }
0x83: {  	v48 =	vmul.f32 v33, v27;
	s22 =	sadd.s32 $0x1, s11;
	v47 =	vld.idx.msk [tilespmem:v28+s17+$0x0], $0xffff;
	v46 =	vadd.f32 v44, v46;
	v28 =	vadd.f32 v41, v32  }
0x84: {  	v38 =	vadd.s32 s22, v0;
	v41 =	vld.idx.msk [tilespmem:v26+s17+$0x0], $0xffff;
	v26 =	vmul.f32 v42, v24;
	v11 =	vadd.f32 v43, v11;
	v43 =	vmovc v33  }
0x85: {  	v37 =	vmul.f32 v37, v24;
	v33 =	vmov s11;
	v32 =	vadd.f32 v15, v28  }
0x86: {  	v34 =	vadd.f32 v35, v34;
	v15 =	vand.u32 $0x70, v33;
	v28 =	vand.u32 $0xF, v38;
	v33 =	vld.idx.msk [tilespmem:v20+s15+$0x0], $0xffff  }
0x87: {  	v20 =	vadd.s32 s11, v0;
	v15 =	vbroadcast v15, $0x0;
	v39 =	vadd.f32 v26, v39;
	v44 =	vld.idx.msk [tilespmem:v25+s14+$0x0], $0xffff  }
0x88: {  	v20 =	vand.u32 $0xF, v20;
	v35 =	vmul.f32 v45, v24;
	v45 =	vmul.f32 v13, v27;
	v42 =	vld.idx.msk [tilespmem:v18+s17+$0x0], $0xffff  }
0x89: {  	v18 =	vor.u32 v20, v15;
	v38 =	vor.u32 v15, v28;
	v15 =	vmul.f32 v17, v27;
	v49 =	vld.idx.msk [tilespmem:v19+s18+$0x0], $0xffff  }
0x8a: {  	v29 =	vadd.f32 v37, v29;
	v20 =	vor.u32 v9, v18;
	v50 =	vor.u32 v1, v18  }
0x8b: {  	v37 =	vmul.f32 v47, v24;
	v26 =	vor.u32 v2, v18;
	v28 =	vor.u32 v3, v18;
	v51 =	vld.idx.msk [tilespmem:v16+s18+$0x0], $0xffff  }
0x8c: {  	v53 =	vmul.f32 v36, v27;
	v18 =	vor.u32 v4, v18;
	v52 =	vor.u32 v3, v38  }
0x8d: {  	v25 =	vor.u32 v9, v38;
	v19 =	vor.u32 v1, v38;
	v27 =	vmul.f32 v36, v44;
	v22 =	vld.idx.msk [tilespmem:v22+s18+$0x0], $0xffff  }
0x8e: {  	v16 =	vor.u32 v2, v38;
	v36 =	vmul.f32 v42, v24;
	v54 =	vld.idx.msk [tilespmem:v10+s18+$0x0], $0xffff;
	v10 =	vor.u32 v4, v38  }
0x8f: {  	v31 =	vadd.f32 v37, v31;
	v56 =	vmul.f32 v41, v33;
	v37 =	vmul.f32 v49, v44;
	v55 =	vld.idx.msk [tilespmem:v20+s14+$0x0], $0xffff  }
0x90: {  	v23 =	vadd.f32 v35, v23;
	v49 =	vmul.f32 v14, v33;
	v38 =	vmul.f32 v41, v24;
	v14 =	vld.idx.msk [tilespmem:v50+s17+$0x0], $0xffff  }
0x91: {  	v42 =	vmul.f32 v42, v33;
	v40 =	vadd.f32 v27, v40;
	v51 =	vmul.f32 v51, v44;
	v24 =	vld.idx.msk [tilespmem:v18+s18+$0x0], $0xffff  }
0x92: {  	v35 =	vmul.f32 v13, v44;
	v34 =	vadd.f32 v36, v34;
	v29 =	vadd.f32 v37, v29;
	v27 =	vld.idx.msk [tilespmem:v25+s15+$0x0], $0xffff  }
0x93: {  	v17 =	vmul.f32 v17, v44;
	v41 =	vmul.f32 v47, v33;
	v12 =	vadd.f32 v42, v12;
	v37 =	vld.idx.msk [tilespmem:v50+s18+$0x0], $0xffff  }
.Ltmp4:
0x94: {  	v30 =	vadd.f32 v49, v30;
	v23 =	vadd.f32 v51, v23;
	v22 =	vmul.f32 v22, v44;
	v33 =	vld.idx.msk [tilespmem:v16+s17+$0x0], $0xffff;
	(pc) =	sbr.rel @p1 .LBB2_3-.Ltmp4, $4  }
0x95: {  	v21 =	vadd.f32 v56, v21;
	v12 =	vadd.f32 v45, v12;
	v47 =	vmul.f32 v54, v44;
	v42 =	vld.idx.msk [tilespmem:v28+s18+$0x0], $0xffff  }
0x96: {  	v43 =	vmul.f32 v43, v44;
	v31 =	vadd.f32 v17, v31;
	v39 =	vadd.f32 v22, v39;
	v13 =	vld.idx.msk [tilespmem:v10+s17+$0x0], $0xffff  }
0x97: {  	v21 =	vadd.f32 v48, v21;
	v45 =	vmul.f32 v14, v55;
	v44 =	vmul.f32 v24, v55;
	v17 =	vld.idx.msk [tilespmem:v52+s17+$0x0], $0xffff  }
0x98: {  	v30 =	vadd.f32 v53, v30;
	v46 =	vadd.f32 v47, v46;
	v22 =	vmovc v52;
	v24 =	vmov v55;
	v36 =	vld.idx.msk [tilespmem:v19+s17+$0x0], $0xffff  }
0x99: {  	_ =	sdelay $0x3  }
0x9a: {  	v9 =	vld.idx.msk [tilespmem:v26+s18+$0x0], $0xffff  }
0x9b: {  	v28 =	vld.idx.msk [tilespmem:v28+s17+$0x0], $0xffff  }
0x9c: {  	v62 =	vld.idx.msk [tilespmem:v26+s17+$0x0], $0xffff  }
0x9d: {  	v20 =	vld.idx.msk [tilespmem:v20+s15+$0x0], $0xffff  }
0x9e: {  	v25 =	vld.idx.msk [tilespmem:v25+s14+$0x0], $0xffff  }
0x9f: {  	v40 =	vadd.f32 v45, v40;
	v11 =	vadd.f32 v38, v11;
	v63 =	vmul.f32 v33, v27;
	v18 =	vld.idx.msk [tilespmem:v18+s17+$0x0], $0xffff  }
0xa0: {  	v32 =	vadd.f32 v41, v32;
	v37 =	vmul.f32 v37, v24;
	v19 =	vld.idx.msk [tilespmem:v19+s18+$0x0], $0xffff;
	v45 =	vmul.f32 v42, v24  }
0xa1: {  	v38 =	vadd.f32 v44, v46;
	v46 =	vmul.f32 v13, v27;
	v47 =	vmul.f32 v17, v27  }
0xa2: {  	v34 =	vadd.f32 v35, v34;
	v16 =	vld.idx.msk [tilespmem:v16+s18+$0x0], $0xffff;
	v49 =	vmul.f32 v36, v27;
	v9 =	vmul.f32 v9, v24  }
0xa3: {  	v11 =	vadd.f32 v43, v11;
	v48 =	vmul.f32 v28, v24;
	v50 =	vmul.f32 v36, v25  }
0xa4: {  	v15 =	vadd.f32 v15, v32;
	v14 =	vmul.f32 v14, v20;
	v51 =	vmul.f32 v18, v24  }
0xa5: {  	v29 =	vadd.f32 v37, v29;
	v52 =	vmul.f32 v62, v20;
	v19 =	vmul.f32 v19, v25  }
0xa6: {  	v22 =	vld.idx.msk [tilespmem:v22+s18+$0x0], $0xffff;
	v39 =	vadd.f32 v45, v39;
	v53 =	vmul.f32 v62, v24;
	v18 =	vmul.f32 v18, v20  }
0xa7: {  	s10 =	smul.u32 $0x180, s19;
	v16 =	vmul.f32 v16, v25;
	v20 =	vmul.f32 v28, v20;
	v14 =	vadd.f32 v14, v30  }
0xa8: {  	v55 =	vmul.f32 v33, v25;
	v9 =	vadd.f32 v9, v23;
	v54 =	vadd.f32 v50, v40  }
0xa9: {  	s11 =	sshll.u32 s19, $0x6;
	s12 =	sshll.u32 s9, $0x7;
	s10 =	sand.u32 $0x300, s10;
	v58 =	vmul.f32 v17, v25;
	v19 =	vadd.f32 v19, v29;
	v21 =	vadd.f32 v52, v21  }
0xaa: {  	s22 =	sand.u32 $0x40, s11;
	s10 =	sor.u32 s12, s10;
	v11 =	vadd.f32 v53, v11;
	v14 =	vadd.f32 v49, v14;
	v23 =	vmul.f32 $1.428571410e+01, v54  }
0xab: {  	s10 =	sor.u32 s22, s10;
	v60 =	vmul.f32 v22, v25;
	v21 =	vadd.f32 v63, v21;
	v57 =	vmul.f32 $1.428571410e+01, v19  }
0xac: {  	v10 =	vld.idx.msk [tilespmem:v10+s18+$0x0], $0xffff;
	v15 =	vadd.f32 v20, v15;
	v11 =	vadd.f32 v55, v11;
	v14 =	vmul.f32 $1.428571410e+01, v14;
	[tilespmem:s10+$0x12400] =	vst v23  }
0xad: {  	v31 =	vadd.f32 v48, v31;
	v9 =	vadd.f32 v16, v9;
	v59 =	vmul.f32 $1.428571410e+01, v21;
	[tilespmem:s10+$0x12800] =	vst v57  }
0xae: {  	v62 =	vmul.f32 v13, v25;
	v15 =	vadd.f32 v47, v15;
	v11 =	vmul.f32 $1.428571410e+01, v11;
	[tilespmem:s10+$0x12000] =	vst v14  }
0xaf: {  	v12 =	vadd.f32 v18, v12;
	v61 =	vadd.f32 v58, v31;
	v9 =	vmul.f32 $1.428571410e+01, v9;
	[tilespmem:s10+$0x12010] =	vst v59  }
0xb0: {  	v56 =	vadd.f32 v51, v34;
	v63 =	vadd.f32 v60, v39;
	[tilespmem:s10+$0x12410] =	vst v11;
	v11 =	vmul.f32 $1.428571410e+01, v15  }
0xb1: {  	p1 =	seq.s32 s19, $0x55;
	v10 =	vmul.f32 v10, v25;
	v12 =	vadd.f32 v46, v12;
	[tilespmem:s10+$0x12810] =	vst v9;
	v9 =	vmul.f32 $1.428571410e+01, v61  }
0xb2: {  	s11 =	sadd.s32 @!p1 $0x3, s20;
	v13 =	vadd.f32 v62, v56;
	[tilespmem:s10+$0x12020] =	vst v11;
	v11 =	vmul.f32 $1.428571410e+01, v63  }
0xb3: {  	s4 =	sshll.u32 @!p1 s11, $0x9;
	s12 =	sshll.u32 @!p1 s11, $0x6;
	v10 =	vadd.f32 v10, v38;
	[tilespmem:s10+$0x12420] =	vst v9;
	v9 =	vmul.f32 $1.428571410e+01, v12  }
0xb4: {  	s4 =	sand.u32 @!p1 $0xC00, s4;
	s11 =	sshll.u32 @!p1 s11, $0x4;
	s16 =	sand.u32 @!p1 $0xF000, s12;
	[tilespmem:s10+$0x12820] =	vst v11;
	v11 =	vmul.f32 $1.428571410e+01, v13  }
0xb5: {  	p2 =	sne.s32 s21, $0x7;
	s11 =	sand.u32 @!p1 $0x380, s11;
	s4 =	sor.u32 @!p1 s4, s16;
	[tilespmem:s10+$0x12030] =	vst v9;
	v9 =	vmul.f32 $1.428571410e+01, v10  }
.Ltmp5:
0xb6: {  	s12 =	sand.u32 @!p1 $0x40, s12;
	s4 =	sor.u32 @!p1 s11, s4;
	[tilespmem:s10+$0x12430] =	vst v11;
	(pc) =	sbr.rel @p2 .LBB2_6-.Ltmp5, $4  }
0xb7: {  	s11 =	simm.s32 @!p1 $0x6000;
	s4 =	sor.u32 @!p1 s12, s4;
	[tilespmem:s10+$0x12830] =	vst v9;
	s10 =	simm.s32 @!p1 $0x40  }
0xb8: {  	[tilespmem:s11], [sflag:$0x1] =	stream.indirect.gather @!p1 [hbm4b:s0+s10], $0x80, s4, s10, $0xb8;
	[tilespmem:$0x12C00] =	vst v63  }
0xb9: {  	s11 =	simm.s32 @!p1 $0xC000  }
0xba: {  	[tilespmem:s11], [sflag:$0x4] =	stream.indirect.gather @!p1 [hbm4b:s2+s10], $0x80, s4, s10, $0xb8;
	[tilespmem:$0x12C00] =	vst v63  }
0xbb: {  	p2 =	sne.s32 s9, $0x0  }
0xbc: {  	s4 =	sadd.s32 @!p2 s5, s23  }
0xbd: {  	s9 =	sshll.u32 @!p2 s23, $0x4;
	s4 =	sshll.u32 @!p2 s4, $0x6  }
0xbe: {  	s9 =	sand.u32 @!p2 $0x60, s9;
	s4 =	sand.u32 @!p2 $0x1FE00, s4  }
0xbf: {  	s4 =	sor.u32 @!p2 s9, s4  }
0xc0: {  	s10 =	simm.s32 @!p2 $0x0;
	s11 =	simm.s32 @!p2 $0x12000;
	s9 =	sadd.s32 @!p2 s6, s4  }
0xc1: {  	[hbm4b:s9+s10] =	stream.linear.scatter @!p2 [tilespmem:s11], [sflag:$0x7], $0x80, $0x38;
	[tilespmem:$0x12C00] =	vst v63  }
0xc2: {  	s12 =	simm.s32 @!p2 $0x12100;
	s11 =	sadd.s32 @!p2 $0x80, s9  }
0xc3: {  	[hbm4b:s11+s10] =	stream.linear.scatter @!p2 [tilespmem:s12], [sflag:$0x7], $0x80, $0x38;
	[tilespmem:$0x12C00] =	vst v63  }
0xc4: {  	s11 =	sadd.s32 @!p2 $0x100, s9;
	s12 =	simm.s32 @!p2 $0x12200  }
0xc5: {  	[hbm4b:s11+s10] =	stream.linear.scatter @!p2 [tilespmem:s12], [sflag:$0x7], $0x80, $0x38;
	[tilespmem:$0x12C00] =	vst v63  }
0xc6: {  	s9 =	sadd.s32 @!p2 $0x180, s9;
	s11 =	simm.s32 @!p2 $0x12300  }
0xc7: {  	[hbm4b:s9+s10] =	stream.linear.scatter @!p2 [tilespmem:s11], [sflag:$0x7], $0x80, $0x38;
	[tilespmem:$0x12C00] =	vst v63  }
0xc8: {  	s9 =	sadd.s32 @!p2 s7, s4;
	s11 =	simm.s32 @!p2 $0x12400  }
0xc9: {  	[hbm4b:s9+s10] =	stream.linear.scatter @!p2 [tilespmem:s11], [sflag:$0x7], $0x80, $0x38;
	[tilespmem:$0x12C00] =	vst v63  }
0xca: {  	s12 =	simm.s32 @!p2 $0x12500;
	s11 =	sadd.s32 @!p2 $0x80, s9  }
0xcb: {  	[hbm4b:s11+s10] =	stream.linear.scatter @!p2 [tilespmem:s12], [sflag:$0x7], $0x80, $0x38;
	[tilespmem:$0x12C00] =	vst v63  }
0xcc: {  	s11 =	sadd.s32 @!p2 $0x100, s9;
	s12 =	simm.s32 @!p2 $0x12600  }
0xcd: {  	[hbm4b:s11+s10] =	stream.linear.scatter @!p2 [tilespmem:s12], [sflag:$0x7], $0x80, $0x38;
	[tilespmem:$0x12C00] =	vst v63  }
0xce: {  	s9 =	sadd.s32 @!p2 $0x180, s9;
	s11 =	simm.s32 @!p2 $0x12700  }
0xcf: {  	[hbm4b:s9+s10] =	stream.linear.scatter @!p2 [tilespmem:s11], [sflag:$0x7], $0x80, $0x38;
	[tilespmem:$0x12C00] =	vst v63  }
0xd0: {  	s4 =	sadd.s32 @!p2 s8, s4;
	s9 =	simm.s32 @!p2 $0x12800  }
0xd1: {  	[hbm4b:s4+s10] =	stream.linear.scatter @!p2 [tilespmem:s9], [sflag:$0x7], $0x80, $0x38;
	[tilespmem:$0x12C00] =	vst v63  }
0xd2: {  	s11 =	simm.s32 @!p2 $0x12900;
	s9 =	sadd.s32 @!p2 $0x80, s4  }
0xd3: {  	[hbm4b:s9+s10] =	stream.linear.scatter @!p2 [tilespmem:s11], [sflag:$0x7], $0x80, $0x38;
	[tilespmem:$0x12C00] =	vst v63  }
0xd4: {  	s9 =	sadd.s32 @!p2 $0x100, s4;
	s11 =	simm.s32 @!p2 $0x12A00  }
0xd5: {  	[hbm4b:s9+s10] =	stream.linear.scatter @!p2 [tilespmem:s11], [sflag:$0x7], $0x80, $0x38;
	[tilespmem:$0x12C00] =	vst v63  }
0xd6: {  	s4 =	sadd.s32 @!p2 $0x180, s4;
	s9 =	simm.s32 @!p2 $0x12B00  }
0xd7: {  	[hbm4b:s4+s10] =	stream.linear.scatter @!p2 [tilespmem:s9], [sflag:$0x7], $0x80, $0x38;
	[tilespmem:$0x12C00] =	vst v63  }
0xd8: {  	s4 =	sadd.s32 @p0 s5, s23  }
0xd9: {  	s9 =	sshll.u32 @p0 s23, $0x4;
	s4 =	sshll.u32 @p0 s4, $0x6  }
0xda: {  	s9 =	sand.u32 @p0 $0x70, s9;
	s4 =	sand.u32 @p0 $0x1FE00, s4  }
0xdb: {  	s4 =	sor.u32 @p0 s9, s4  }
0xdc: {  	s11 =	simm.s32 @p0 $0x12080;
	s10 =	simm.s32 @p0 $0x0;
	s9 =	sadd.s32 @p0 s6, s4  }
0xdd: {  	[hbm4b:s9+s10] =	stream.linear.scatter @p0 [tilespmem:s11], [sflag:$0x8], $0x80, $0x38;
	[tilespmem:$0x12C00] =	vst v63  }
0xde: {  	s12 =	simm.s32 @p0 $0x12180;
	s11 =	sadd.s32 @p0 $0x80, s9  }
0xdf: {  	[hbm4b:s11+s10] =	stream.linear.scatter @p0 [tilespmem:s12], [sflag:$0x8], $0x80, $0x38;
	[tilespmem:$0x12C00] =	vst v63  }
0xe0: {  	s11 =	sadd.s32 @p0 $0x100, s9;
	s12 =	simm.s32 @p0 $0x12280  }
0xe1: {  	[hbm4b:s11+s10] =	stream.linear.scatter @p0 [tilespmem:s12], [sflag:$0x8], $0x80, $0x38;
	[tilespmem:$0x12C00] =	vst v63  }
0xe2: {  	s9 =	sadd.s32 @p0 $0x180, s9;
	s11 =	simm.s32 @p0 $0x12380  }
0xe3: {  	[hbm4b:s9+s10] =	stream.linear.scatter @p0 [tilespmem:s11], [sflag:$0x8], $0x80, $0x38;
	[tilespmem:$0x12C00] =	vst v63  }
0xe4: {  	s9 =	sadd.s32 @p0 s7, s4;
	s11 =	simm.s32 @p0 $0x12480  }
0xe5: {  	[hbm4b:s9+s10] =	stream.linear.scatter @p0 [tilespmem:s11], [sflag:$0x8], $0x80, $0x38;
	[tilespmem:$0x12C00] =	vst v63  }
0xe6: {  	s12 =	simm.s32 @p0 $0x12580;
	s11 =	sadd.s32 @p0 $0x80, s9  }
0xe7: {  	[hbm4b:s11+s10] =	stream.linear.scatter @p0 [tilespmem:s12], [sflag:$0x8], $0x80, $0x38;
	[tilespmem:$0x12C00] =	vst v63  }
0xe8: {  	s11 =	sadd.s32 @p0 $0x100, s9;
	s12 =	simm.s32 @p0 $0x12680  }
0xe9: {  	[hbm4b:s11+s10] =	stream.linear.scatter @p0 [tilespmem:s12], [sflag:$0x8], $0x80, $0x38;
	[tilespmem:$0x12C00] =	vst v63  }
0xea: {  	s9 =	sadd.s32 @p0 $0x180, s9;
	s11 =	simm.s32 @p0 $0x12780  }
0xeb: {  	[hbm4b:s9+s10] =	stream.linear.scatter @p0 [tilespmem:s11], [sflag:$0x8], $0x80, $0x38;
	[tilespmem:$0x12C00] =	vst v63  }
0xec: {  	s4 =	sadd.s32 @p0 s8, s4;
	s9 =	simm.s32 @p0 $0x12880  }
0xed: {  	[hbm4b:s4+s10] =	stream.linear.scatter @p0 [tilespmem:s9], [sflag:$0x8], $0x80, $0x38;
	[tilespmem:$0x12C00] =	vst v63  }
0xee: {  	s11 =	simm.s32 @p0 $0x12980;
	s9 =	sadd.s32 @p0 $0x80, s4  }
0xef: {  	[hbm4b:s9+s10] =	stream.linear.scatter @p0 [tilespmem:s11], [sflag:$0x8], $0x80, $0x38;
	[tilespmem:$0x12C00] =	vst v63  }
0xf0: {  	s9 =	sadd.s32 @p0 $0x100, s4;
	s11 =	simm.s32 @p0 $0x12A80  }
0xf1: {  	[hbm4b:s9+s10] =	stream.linear.scatter @p0 [tilespmem:s11], [sflag:$0x8], $0x80, $0x38;
	[tilespmem:$0x12C00] =	vst v63  }
0xf2: {  	s4 =	sadd.s32 @p0 $0x180, s4;
	s9 =	simm.s32 @p0 $0x12B80  }
0xf3: {  	[hbm4b:s4+s10] =	stream.linear.scatter @p0 [tilespmem:s9], [sflag:$0x8], $0x80, $0x38;
	[tilespmem:$0x12C00] =	vst v63  }
.LBB2_6:
.Ltmp6:
0xf4: {  	(pc) =	sbr.rel @p1 .LBB2_16-.Ltmp6, $1  }
0xf5: {  	_ =	sdelay $0x3  }
0xf6: {  	s10 =	sadd.s32 $0x1, s20  }
0xf7: {  	s21 =	sand.u32 $0x7, s10  }
0xf8: {  	_ =	swait.ge [sflag:s29], $0x2000;
	p1 =	sgt.u32 s19, $0x4;
	p0 =	seq.s32 s21, $0x0  }
0xf9: {  	s23 =	sshrl.u32 s10, $0x3;
	[sflag:s29] =	ssyncset.done $0x0;
	p0 =	por !p1, !p0  }
0xfa: {  	[sflag:s29] =	ssyncadd.s32 $0xFFFFE000;
	s9 =	sand.u32 $0x1, s23;
	p0 =	por !p0, !p0  }
0xfb: {  	_ =	swait.ge [sflag:s30], $0x2000;
	p2 =	sne.s32 @p0 s9, $0x0  }
0xfc: {  	[sflag:s30] =	ssyncset.done $0x0;
	p3 =	por p2, !p0  }
0xfd: {  	[sflag:s30] =	ssyncadd.s32 $0xFFFFE000;
	s4 =	simm.s32 @!p3 $0x7  }
0xfe: {  	_ =	swait.ge @!p3 [sflag:s4], $0x200  }
0xff: {  	[sflag:s4] =	ssyncset.done @!p3 $0x0  }
0x100: {  	[sflag:s4] =	ssyncadd.s32 @!p3 $0xFFFFFE00  }
0x101: {  	_ =	swait.ge @!p3 [sflag:s4], $0x200  }
0x102: {  	[sflag:s4] =	ssyncset.done @!p3 $0x0  }
0x103: {  	p2 =	seq.s32 s9, $0x1;
	[sflag:s4] =	ssyncadd.s32 @!p3 $0xFFFFFE00  }
0x104: {  	p0 =	por !p0, !p2;
	_ =	swait.ge @!p3 [sflag:s4], $0x200  }
0x105: {  	s11 =	simm.s32 $0x0;
	p0 =	por !p0, !p0;
	[sflag:s4] =	ssyncset.done @!p3 $0x0  }
0x106: {  	v9 =	vmov s11;
	[sflag:s4] =	ssyncadd.s32 @!p3 $0xFFFFFE00;
	s4 =	simm.s32 @p0 $0x8  }
0x107: {  	v9 =	vand.u32 $0x70, v9;
	_ =	swait.ge @p0 [sflag:s4], $0x200  }
0x108: {  	v10 =	vadd.s32 s11, v0;
	v11 =	vbroadcast v9, $0x0;
	[sflag:s4] =	ssyncset.done @p0 $0x0  }
0x109: {  	s12 =	sshll.u32 s23, $0x7;
	v10 =	vand.u32 $0xF, v10;
	[sflag:s4] =	ssyncadd.s32 @p0 $0xFFFFFE00  }
0x10a: {  	s16 =	simm.s32 $0x1;
	v9 =	vmov s12;
	v10 =	vor.u32 v10, v11;
	_ =	swait.ge @p0 [sflag:s4], $0x200  }
0x10b: {  	v12 =	vadd.s32 s16, v0;
	v13 =	vor.u32 v9, v10;
	[sflag:s4] =	ssyncset.done @p0 $0x0  }
0x10c: {  	v12 =	vand.u32 $0xF, v12;
	v14 =	vor.u32 v5, v10;
	[sflag:s4] =	ssyncadd.s32 @p0 $0xFFFFFE00  }
0x10d: {  	v11 =	vor.u32 v11, v12;
	v12 =	vor.u32 v8, v10;
	_ =	swait.ge @p0 [sflag:s4], $0x200  }
0x10e: {  	v15 =	vor.u32 v9, v11;
	[sflag:s4] =	ssyncset.done @p0 $0x0  }
0x10f: {  	[sflag:s4] =	ssyncadd.s32 @p0 $0xFFFFFE00  }
0x110: {  	v16 =	vor.u32 v6, v11;
	v17 =	vld.idx.msk [tilespmem:v13+s14+$0x0], $0xffff  }
0x111: {  	v18 =	vor.u32 v7, v10;
	v21 =	vld.idx.msk [tilespmem:v14+s17+$0x0], $0xffff  }
0x112: {  	v23 =	vor.u32 v8, v11;
	v19 =	vld.idx.msk [tilespmem:v12+s18+$0x0], $0xffff  }
0x113: {  	v10 =	vor.u32 v6, v10;
	v25 =	vld.idx.msk [tilespmem:v15+s15+$0x0], $0xffff  }
0x114: {  	v20 =	vor.u32 v5, v11;
	v14 =	vld.idx.msk [tilespmem:v14+s18+$0x0], $0xffff  }
0x115: {  	v30 =	vld.idx.msk [tilespmem:v16+s17+$0x0], $0xffff  }
0x116: {  	v22 =	vld.idx.msk [tilespmem:v18+s18+$0x0], $0xffff  }
0x117: {  	v31 =	vld.idx.msk [tilespmem:v23+s17+$0x0], $0xffff  }
0x118: {  	v27 =	vld.idx.msk [tilespmem:v10+s18+$0x0], $0xffff  }
0x119: {  	v29 =	vld.idx.msk [tilespmem:v20+s17+$0x0], $0xffff  }
0x11a: {  	v39 =	vld.idx.msk [tilespmem:v18+s17+$0x0], $0xffff  }
0x11b: {  	s16 =	simm.s32 $0x3;
	v24 =	vor.u32 v7, v11;
	v34 =	vld.idx.msk [tilespmem:v10+s17+$0x0], $0xffff  }
0x11c: {  	v11 =	vimm.f32 $0.0e+00;
	v18 =	vadd.s32 s16, v0;
	v13 =	vld.idx.msk [tilespmem:v13+s15+$0x0], $0xffff;
	v19 =	vmul.f32 v19, v17  }
0x11d: {  	s12 =	simm.s32 $0x2;
	v43 =	vld.idx.msk [tilespmem:v15+s14+$0x0], $0xffff;
	v18 =	vand.u32 $0xF, v18;
	v26 =	vmul.f32 v21, v17;
	v36 =	vmul.f32 v30, v25  }
0x11e: {  	v12 =	vld.idx.msk [tilespmem:v12+s17+$0x0], $0xffff;
	v46 =	vadd.f32 v19, v11;
	v19 =	vmul.f32 v22, v17;
	v22 =	vmov s12  }
0x11f: {  	v35 =	vld.idx.msk [tilespmem:v20+s18+$0x0], $0xffff;
	v10 =	vmul.f32 v14, v17;
	v27 =	vmul.f32 v27, v17;
	v14 =	vand.u32 $0x70, v22  }
0x120: {  	v32 =	vld.idx.msk [tilespmem:v24+s17+$0x0], $0xffff;
	v45 =	vmul.f32 v31, v25;
	v22 =	vadd.s32 s12, v0;
	v14 =	vbroadcast v14, $0x0  }
0x121: {  	v42 =	vld.idx.msk [tilespmem:v16+s18+$0x0], $0xffff;
	v38 =	vmul.f32 v39, v17;
	v47 =	vmul.f32 v29, v25;
	v15 =	vand.u32 $0xF, v22  }
0x122: {  	v29 =	vmul.f32 v29, v43;
	v44 =	vadd.f32 v19, v11;
	v19 =	vor.u32 v15, v14  }
0x123: {  	v49 =	vmul.f32 v12, v17;
	v51 =	vmul.f32 v34, v13;
	v20 =	vor.u32 v9, v19  }
0x124: {  	v50 =	vld.idx.msk [tilespmem:v23+s18+$0x0], $0xffff;
	v23 =	vmul.f32 v35, v43;
	v21 =	vmul.f32 v21, v13;
	v37 =	vor.u32 v5, v19  }
0x125: {  	v12 =	vmul.f32 v12, v13;
	v14 =	vor.u32 v14, v18;
	v18 =	vor.u32 v8, v19  }
0x126: {  	v42 =	vmul.f32 v42, v43;
	v15 =	vmul.f32 v32, v25;
	v25 =	vor.u32 v9, v14  }
0x127: {  	v48 =	vld.idx.msk [tilespmem:v24+s18+$0x0], $0xffff;
	v35 =	vmul.f32 v31, v43;
	v33 =	vadd.f32 v26, v11;
	v41 =	vadd.f32 v10, v11  }
0x128: {  	v26 =	vor.u32 v6, v19;
	v28 =	vor.u32 v7, v19;
	v16 =	vor.u32 v6, v14;
	v24 =	vld.idx.msk [tilespmem:v20+s14+$0x0], $0xffff  }
0x129: {  	v22 =	vor.u32 v7, v14;
	v19 =	vor.u32 v5, v14;
	v10 =	vor.u32 v8, v14;
	v14 =	vld.idx.msk [tilespmem:v37+s17+$0x0], $0xffff  }
0x12a: {  	v52 =	vadd.f32 v38, v11;
	v38 =	vmul.f32 v34, v17;
	v17 =	vadd.f32 v27, v11;
	v53 =	vld.idx.msk [tilespmem:v18+s18+$0x0], $0xffff  }
0x12b: {  	v31 =	vmul.f32 v32, v43;
	v34 =	vadd.f32 v49, v11;
	v12 =	vadd.f32 v12, v11;
	v27 =	vld.idx.msk [tilespmem:v25+s15+$0x0], $0xffff  }
0x12c: {  	v63 =	vmul.f32 v50, v43;
	v62 =	vadd.f32 v21, v11;
	v21 =	vadd.f32 v51, v11;
	v37 =	vld.idx.msk [tilespmem:v37+s18+$0x0], $0xffff  }
0x12d: {  	v40 =	vadd.f32 v29, v33;
	v29 =	vadd.f32 v23, v41;
	v41 =	vmul.f32 v39, v13;
	v33 =	vld.idx.msk [tilespmem:v16+s17+$0x0], $0xffff  }
0x12e: {  	v23 =	vadd.f32 v42, v17;
	v17 =	vmul.f32 v48, v43;
	v12 =	vadd.f32 v45, v12;
	v42 =	vld.idx.msk [tilespmem:v28+s18+$0x0], $0xffff  }
0x12f: {  	v43 =	vmul.f32 v30, v43;
	v31 =	vadd.f32 v31, v52;
	v21 =	vadd.f32 v36, v21;
	v13 =	vld.idx.msk [tilespmem:v10+s17+$0x0], $0xffff  }
0x130: {  	v30 =	vadd.f32 v47, v62;
	v39 =	vadd.f32 v17, v44;
	v17 =	vld.idx.msk [tilespmem:v22+s17+$0x0], $0xffff;
	v45 =	vmul.f32 v14, v24  }
0x131: {  	s11 =	simm.s32 $0x4;
	v46 =	vadd.f32 v63, v46;
	v32 =	vimm.f32 $0.0e+00;
	v36 =	vld.idx.msk [tilespmem:v19+s17+$0x0], $0xffff;
	v44 =	vmul.f32 v53, v24  }
.LBB2_8:
0x132: {  	p0 =	slt.u32 s11, $0x7E;
	v40 =	vadd.f32 v45, v40;
	v45 =	vld.idx.msk [tilespmem:v26+s18+$0x0], $0xffff;
	v11 =	vadd.f32 v38, v11;
	s4 =	smov.u32 s11;
	s11 =	sadd.s32 $0x2, s11  }
0x133: {  	v48 =	vmul.f32 v33, v27;
	s12 =	sadd.s32 $0x1, s4;
	v47 =	vld.idx.msk [tilespmem:v28+s17+$0x0], $0xffff;
	v46 =	vadd.f32 v44, v46;
	v28 =	vadd.f32 v41, v32  }
0x134: {  	v38 =	vadd.s32 s12, v0;
	v41 =	vld.idx.msk [tilespmem:v26+s17+$0x0], $0xffff;
	v26 =	vmul.f32 v42, v24;
	v11 =	vadd.f32 v43, v11;
	v43 =	vmovc v33  }
0x135: {  	v37 =	vmul.f32 v37, v24;
	v33 =	vmov s4;
	v32 =	vadd.f32 v15, v28  }
0x136: {  	v34 =	vadd.f32 v35, v34;
	v15 =	vand.u32 $0x70, v33;
	v28 =	vand.u32 $0xF, v38;
	v33 =	vld.idx.msk [tilespmem:v20+s15+$0x0], $0xffff  }
0x137: {  	v20 =	vadd.s32 s4, v0;
	v15 =	vbroadcast v15, $0x0;
	v39 =	vadd.f32 v26, v39;
	v44 =	vld.idx.msk [tilespmem:v25+s14+$0x0], $0xffff  }
0x138: {  	v20 =	vand.u32 $0xF, v20;
	v35 =	vmul.f32 v45, v24;
	v45 =	vmul.f32 v13, v27;
	v42 =	vld.idx.msk [tilespmem:v18+s17+$0x0], $0xffff  }
0x139: {  	v18 =	vor.u32 v20, v15;
	v38 =	vor.u32 v15, v28;
	v15 =	vmul.f32 v17, v27;
	v49 =	vld.idx.msk [tilespmem:v19+s18+$0x0], $0xffff  }
0x13a: {  	v29 =	vadd.f32 v37, v29;
	v20 =	vor.u32 v9, v18;
	v50 =	vor.u32 v5, v18  }
0x13b: {  	v37 =	vmul.f32 v47, v24;
	v26 =	vor.u32 v6, v18;
	v28 =	vor.u32 v7, v18;
	v51 =	vld.idx.msk [tilespmem:v16+s18+$0x0], $0xffff  }
0x13c: {  	v53 =	vmul.f32 v36, v27;
	v18 =	vor.u32 v8, v18;
	v52 =	vor.u32 v7, v38  }
0x13d: {  	v25 =	vor.u32 v9, v38;
	v19 =	vor.u32 v5, v38;
	v27 =	vmul.f32 v36, v44;
	v22 =	vld.idx.msk [tilespmem:v22+s18+$0x0], $0xffff  }
0x13e: {  	v16 =	vor.u32 v6, v38;
	v36 =	vmul.f32 v42, v24;
	v54 =	vld.idx.msk [tilespmem:v10+s18+$0x0], $0xffff;
	v10 =	vor.u32 v8, v38  }
0x13f: {  	v31 =	vadd.f32 v37, v31;
	v56 =	vmul.f32 v41, v33;
	v37 =	vmul.f32 v49, v44;
	v55 =	vld.idx.msk [tilespmem:v20+s14+$0x0], $0xffff  }
0x140: {  	v23 =	vadd.f32 v35, v23;
	v49 =	vmul.f32 v14, v33;
	v38 =	vmul.f32 v41, v24;
	v14 =	vld.idx.msk [tilespmem:v50+s17+$0x0], $0xffff  }
0x141: {  	v42 =	vmul.f32 v42, v33;
	v40 =	vadd.f32 v27, v40;
	v51 =	vmul.f32 v51, v44;
	v24 =	vld.idx.msk [tilespmem:v18+s18+$0x0], $0xffff  }
0x142: {  	v35 =	vmul.f32 v13, v44;
	v34 =	vadd.f32 v36, v34;
	v29 =	vadd.f32 v37, v29;
	v27 =	vld.idx.msk [tilespmem:v25+s15+$0x0], $0xffff  }
0x143: {  	v17 =	vmul.f32 v17, v44;
	v41 =	vmul.f32 v47, v33;
	v12 =	vadd.f32 v42, v12;
	v37 =	vld.idx.msk [tilespmem:v50+s18+$0x0], $0xffff  }
.Ltmp7:
0x144: {  	v30 =	vadd.f32 v49, v30;
	v23 =	vadd.f32 v51, v23;
	v22 =	vmul.f32 v22, v44;
	v33 =	vld.idx.msk [tilespmem:v16+s17+$0x0], $0xffff;
	(pc) =	sbr.rel @p0 .LBB2_8-.Ltmp7, $4  }
0x145: {  	v21 =	vadd.f32 v56, v21;
	v12 =	vadd.f32 v45, v12;
	v47 =	vmul.f32 v54, v44;
	v42 =	vld.idx.msk [tilespmem:v28+s18+$0x0], $0xffff  }
0x146: {  	v43 =	vmul.f32 v43, v44;
	v31 =	vadd.f32 v17, v31;
	v39 =	vadd.f32 v22, v39;
	v13 =	vld.idx.msk [tilespmem:v10+s17+$0x0], $0xffff  }
0x147: {  	v21 =	vadd.f32 v48, v21;
	v45 =	vmul.f32 v14, v55;
	v44 =	vmul.f32 v24, v55;
	v17 =	vld.idx.msk [tilespmem:v52+s17+$0x0], $0xffff  }
0x148: {  	v30 =	vadd.f32 v53, v30;
	v46 =	vadd.f32 v47, v46;
	v22 =	vmovc v52;
	v24 =	vmov v55;
	v36 =	vld.idx.msk [tilespmem:v19+s17+$0x0], $0xffff  }
0x149: {  	_ =	sdelay $0x3  }
0x14a: {  	v9 =	vld.idx.msk [tilespmem:v26+s18+$0x0], $0xffff  }
0x14b: {  	v28 =	vld.idx.msk [tilespmem:v28+s17+$0x0], $0xffff  }
0x14c: {  	v62 =	vld.idx.msk [tilespmem:v26+s17+$0x0], $0xffff  }
0x14d: {  	v20 =	vld.idx.msk [tilespmem:v20+s15+$0x0], $0xffff  }
0x14e: {  	v25 =	vld.idx.msk [tilespmem:v25+s14+$0x0], $0xffff  }
0x14f: {  	v40 =	vadd.f32 v45, v40;
	v11 =	vadd.f32 v38, v11;
	v63 =	vmul.f32 v33, v27;
	v18 =	vld.idx.msk [tilespmem:v18+s17+$0x0], $0xffff  }
0x150: {  	v32 =	vadd.f32 v41, v32;
	v37 =	vmul.f32 v37, v24;
	v19 =	vld.idx.msk [tilespmem:v19+s18+$0x0], $0xffff;
	v45 =	vmul.f32 v42, v24  }
0x151: {  	v38 =	vadd.f32 v44, v46;
	v46 =	vmul.f32 v13, v27;
	v47 =	vmul.f32 v17, v27  }
0x152: {  	v34 =	vadd.f32 v35, v34;
	v16 =	vld.idx.msk [tilespmem:v16+s18+$0x0], $0xffff;
	v49 =	vmul.f32 v36, v27;
	v9 =	vmul.f32 v9, v24  }
0x153: {  	v11 =	vadd.f32 v43, v11;
	v48 =	vmul.f32 v28, v24;
	v50 =	vmul.f32 v36, v25  }
0x154: {  	v15 =	vadd.f32 v15, v32;
	v14 =	vmul.f32 v14, v20;
	v51 =	vmul.f32 v18, v24  }
0x155: {  	v29 =	vadd.f32 v37, v29;
	v52 =	vmul.f32 v62, v20;
	v19 =	vmul.f32 v19, v25  }
0x156: {  	v22 =	vld.idx.msk [tilespmem:v22+s18+$0x0], $0xffff;
	v39 =	vadd.f32 v45, v39;
	v53 =	vmul.f32 v62, v24;
	v18 =	vmul.f32 v18, v20  }
0x157: {  	v16 =	vmul.f32 v16, v25;
	v20 =	vmul.f32 v28, v20;
	v14 =	vadd.f32 v14, v30  }
0x158: {  	s4 =	sshll.u32 s10, $0x6;
	s16 =	sshll.u32 s10, $0x7;
	v55 =	vmul.f32 v33, v25;
	v9 =	vadd.f32 v9, v23;
	v54 =	vadd.f32 v50, v40  }
0x159: {  	s4 =	sand.u32 $0x40, s4;
	s10 =	sand.u32 $0x300, s16;
	v58 =	vmul.f32 v17, v25;
	v19 =	vadd.f32 v19, v29;
	v21 =	vadd.f32 v52, v21  }
0x15a: {  	s11 =	sshll.u32 s9, $0x7;
	s4 =	sor.u32 s4, s10;
	v11 =	vadd.f32 v53, v11;
	v14 =	vadd.f32 v49, v14;
	v23 =	vmul.f32 $1.428571410e+01, v54  }
0x15b: {  	s4 =	sor.u32 s11, s4;
	v60 =	vmul.f32 v22, v25;
	v21 =	vadd.f32 v63, v21;
	v57 =	vmul.f32 $1.428571410e+01, v19  }
0x15c: {  	v10 =	vld.idx.msk [tilespmem:v10+s18+$0x0], $0xffff;
	v15 =	vadd.f32 v20, v15;
	v11 =	vadd.f32 v55, v11;
	v14 =	vmul.f32 $1.428571410e+01, v14;
	[tilespmem:s4+$0x12400] =	vst v23  }
0x15d: {  	v31 =	vadd.f32 v48, v31;
	v9 =	vadd.f32 v16, v9;
	v59 =	vmul.f32 $1.428571410e+01, v21;
	[tilespmem:s4+$0x12800] =	vst v57  }
0x15e: {  	v62 =	vmul.f32 v13, v25;
	v15 =	vadd.f32 v47, v15;
	v11 =	vmul.f32 $1.428571410e+01, v11;
	[tilespmem:s4+$0x12000] =	vst v14  }
0x15f: {  	v12 =	vadd.f32 v18, v12;
	v61 =	vadd.f32 v58, v31;
	v9 =	vmul.f32 $1.428571410e+01, v9;
	[tilespmem:s4+$0x12010] =	vst v59  }
0x160: {  	v56 =	vadd.f32 v51, v34;
	v63 =	vadd.f32 v60, v39;
	[tilespmem:s4+$0x12410] =	vst v11;
	v11 =	vmul.f32 $1.428571410e+01, v15  }
0x161: {  	p0 =	sgt.u32 s19, $0x53;
	v10 =	vmul.f32 v10, v25;
	v12 =	vadd.f32 v46, v12;
	[tilespmem:s4+$0x12810] =	vst v9;
	v9 =	vmul.f32 $1.428571410e+01, v61  }
0x162: {  	s10 =	sadd.s32 @!p0 $0x4, s20;
	v13 =	vadd.f32 v62, v56;
	[tilespmem:s4+$0x12020] =	vst v11;
	v11 =	vmul.f32 $1.428571410e+01, v63  }
0x163: {  	s11 =	sshll.u32 @!p0 s10, $0x6;
	s12 =	sshll.u32 @!p0 s10, $0x9;
	v10 =	vadd.f32 v10, v38;
	[tilespmem:s4+$0x12420] =	vst v9;
	v9 =	vmul.f32 $1.428571410e+01, v12  }
0x164: {  	s10 =	sshll.u32 @!p0 s10, $0x4;
	s11 =	sand.u32 @!p0 $0xF000, s11;
	s12 =	sand.u32 @!p0 $0xC00, s12;
	[tilespmem:s4+$0x12820] =	vst v11;
	v11 =	vmul.f32 $1.428571410e+01, v13  }
0x165: {  	p3 =	sne.s32 s21, $0x7;
	s10 =	sand.u32 @!p0 $0x380, s10;
	s11 =	sor.u32 @!p0 s12, s11;
	[tilespmem:s4+$0x12030] =	vst v9;
	v9 =	vmul.f32 $1.428571410e+01, v10  }
.Ltmp8:
0x166: {  	s10 =	sor.u32 @!p0 s10, s11;
	[tilespmem:s4+$0x12430] =	vst v11;
	(pc) =	sbr.rel @p3 .LBB2_11-.Ltmp8, $4  }
0x167: {  	s11 =	simm.s32 @!p0 $0x8000;
	[tilespmem:s4+$0x12830] =	vst v9;
	s4 =	sor.u32 @!p0 s22, s10;
	s10 =	simm.s32 @!p0 $0x40  }
0x168: {  	[tilespmem:s11], [sflag:$0x2] =	stream.indirect.gather @!p0 [hbm4b:s0+s10], $0x80, s4, s10, $0xb8;
	[tilespmem:$0x12C00] =	vst v63  }
0x169: {  	s11 =	simm.s32 @!p0 $0xE000  }
0x16a: {  	[tilespmem:s11], [sflag:$0x5] =	stream.indirect.gather @!p0 [hbm4b:s2+s10], $0x80, s4, s10, $0xb8;
	[tilespmem:$0x12C00] =	vst v63  }
0x16b: {  	p3 =	sne.s32 s9, $0x0  }
0x16c: {  	s4 =	sadd.s32 @!p3 s5, s23  }
0x16d: {  	s9 =	sshll.u32 @!p3 s23, $0x4;
	s4 =	sshll.u32 @!p3 s4, $0x6  }
0x16e: {  	s9 =	sand.u32 @!p3 $0x60, s9;
	s4 =	sand.u32 @!p3 $0xFFFFE00, s4  }
0x16f: {  	s4 =	sor.u32 @!p3 s9, s4  }
0x170: {  	s10 =	simm.s32 @!p3 $0x0;
	s11 =	simm.s32 @!p3 $0x12000;
	s9 =	sadd.s32 @!p3 s6, s4  }
0x171: {  	[hbm4b:s9+s10] =	stream.linear.scatter @!p3 [tilespmem:s11], [sflag:$0x7], $0x80, $0x38;
	[tilespmem:$0x12C00] =	vst v63  }
0x172: {  	s12 =	simm.s32 @!p3 $0x12100;
	s11 =	sadd.s32 @!p3 $0x80, s9  }
0x173: {  	[hbm4b:s11+s10] =	stream.linear.scatter @!p3 [tilespmem:s12], [sflag:$0x7], $0x80, $0x38;
	[tilespmem:$0x12C00] =	vst v63  }
0x174: {  	s11 =	sadd.s32 @!p3 $0x100, s9;
	s12 =	simm.s32 @!p3 $0x12200  }
0x175: {  	[hbm4b:s11+s10] =	stream.linear.scatter @!p3 [tilespmem:s12], [sflag:$0x7], $0x80, $0x38;
	[tilespmem:$0x12C00] =	vst v63  }
0x176: {  	s9 =	sadd.s32 @!p3 $0x180, s9;
	s11 =	simm.s32 @!p3 $0x12300  }
0x177: {  	[hbm4b:s9+s10] =	stream.linear.scatter @!p3 [tilespmem:s11], [sflag:$0x7], $0x80, $0x38;
	[tilespmem:$0x12C00] =	vst v63  }
0x178: {  	s9 =	sadd.s32 @!p3 s7, s4;
	s11 =	simm.s32 @!p3 $0x12400  }
0x179: {  	[hbm4b:s9+s10] =	stream.linear.scatter @!p3 [tilespmem:s11], [sflag:$0x7], $0x80, $0x38;
	[tilespmem:$0x12C00] =	vst v63  }
0x17a: {  	s12 =	simm.s32 @!p3 $0x12500;
	s11 =	sadd.s32 @!p3 $0x80, s9  }
0x17b: {  	[hbm4b:s11+s10] =	stream.linear.scatter @!p3 [tilespmem:s12], [sflag:$0x7], $0x80, $0x38;
	[tilespmem:$0x12C00] =	vst v63  }
0x17c: {  	s11 =	sadd.s32 @!p3 $0x100, s9;
	s12 =	simm.s32 @!p3 $0x12600  }
0x17d: {  	[hbm4b:s11+s10] =	stream.linear.scatter @!p3 [tilespmem:s12], [sflag:$0x7], $0x80, $0x38;
	[tilespmem:$0x12C00] =	vst v63  }
0x17e: {  	s9 =	sadd.s32 @!p3 $0x180, s9;
	s11 =	simm.s32 @!p3 $0x12700  }
0x17f: {  	[hbm4b:s9+s10] =	stream.linear.scatter @!p3 [tilespmem:s11], [sflag:$0x7], $0x80, $0x38;
	[tilespmem:$0x12C00] =	vst v63  }
0x180: {  	s4 =	sadd.s32 @!p3 s8, s4;
	s9 =	simm.s32 @!p3 $0x12800  }
0x181: {  	[hbm4b:s4+s10] =	stream.linear.scatter @!p3 [tilespmem:s9], [sflag:$0x7], $0x80, $0x38;
	[tilespmem:$0x12C00] =	vst v63  }
0x182: {  	s11 =	simm.s32 @!p3 $0x12900;
	s9 =	sadd.s32 @!p3 $0x80, s4  }
0x183: {  	[hbm4b:s9+s10] =	stream.linear.scatter @!p3 [tilespmem:s11], [sflag:$0x7], $0x80, $0x38;
	[tilespmem:$0x12C00] =	vst v63  }
0x184: {  	s9 =	sadd.s32 @!p3 $0x100, s4;
	s11 =	simm.s32 @!p3 $0x12A00  }
0x185: {  	[hbm4b:s9+s10] =	stream.linear.scatter @!p3 [tilespmem:s11], [sflag:$0x7], $0x80, $0x38;
	[tilespmem:$0x12C00] =	vst v63  }
0x186: {  	s4 =	sadd.s32 @!p3 $0x180, s4;
	s9 =	simm.s32 @!p3 $0x12B00  }
0x187: {  	[hbm4b:s4+s10] =	stream.linear.scatter @!p3 [tilespmem:s9], [sflag:$0x7], $0x80, $0x38;
	[tilespmem:$0x12C00] =	vst v63  }
0x188: {  	s4 =	sadd.s32 @p2 s5, s23  }
0x189: {  	s9 =	sshll.u32 @p2 s23, $0x4;
	s4 =	sshll.u32 @p2 s4, $0x6  }
0x18a: {  	s9 =	sand.u32 @p2 $0x70, s9;
	s4 =	sand.u32 @p2 $0xFFFFE00, s4  }
0x18b: {  	s4 =	sor.u32 @p2 s9, s4  }
0x18c: {  	s11 =	simm.s32 @p2 $0x12080;
	s10 =	simm.s32 @p2 $0x0;
	s9 =	sadd.s32 @p2 s6, s4  }
0x18d: {  	[hbm4b:s9+s10] =	stream.linear.scatter @p2 [tilespmem:s11], [sflag:$0x8], $0x80, $0x38;
	[tilespmem:$0x12C00] =	vst v63  }
0x18e: {  	s12 =	simm.s32 @p2 $0x12180;
	s11 =	sadd.s32 @p2 $0x80, s9  }
0x18f: {  	[hbm4b:s11+s10] =	stream.linear.scatter @p2 [tilespmem:s12], [sflag:$0x8], $0x80, $0x38;
	[tilespmem:$0x12C00] =	vst v63  }
0x190: {  	s11 =	sadd.s32 @p2 $0x100, s9;
	s12 =	simm.s32 @p2 $0x12280  }
0x191: {  	[hbm4b:s11+s10] =	stream.linear.scatter @p2 [tilespmem:s12], [sflag:$0x8], $0x80, $0x38;
	[tilespmem:$0x12C00] =	vst v63  }
0x192: {  	s9 =	sadd.s32 @p2 $0x180, s9;
	s11 =	simm.s32 @p2 $0x12380  }
0x193: {  	[hbm4b:s9+s10] =	stream.linear.scatter @p2 [tilespmem:s11], [sflag:$0x8], $0x80, $0x38;
	[tilespmem:$0x12C00] =	vst v63  }
0x194: {  	s9 =	sadd.s32 @p2 s7, s4;
	s11 =	simm.s32 @p2 $0x12480  }
0x195: {  	[hbm4b:s9+s10] =	stream.linear.scatter @p2 [tilespmem:s11], [sflag:$0x8], $0x80, $0x38;
	[tilespmem:$0x12C00] =	vst v63  }
0x196: {  	s12 =	simm.s32 @p2 $0x12580;
	s11 =	sadd.s32 @p2 $0x80, s9  }
0x197: {  	[hbm4b:s11+s10] =	stream.linear.scatter @p2 [tilespmem:s12], [sflag:$0x8], $0x80, $0x38;
	[tilespmem:$0x12C00] =	vst v63  }
0x198: {  	s11 =	sadd.s32 @p2 $0x100, s9;
	s12 =	simm.s32 @p2 $0x12680  }
0x199: {  	[hbm4b:s11+s10] =	stream.linear.scatter @p2 [tilespmem:s12], [sflag:$0x8], $0x80, $0x38;
	[tilespmem:$0x12C00] =	vst v63  }
0x19a: {  	s9 =	sadd.s32 @p2 $0x180, s9;
	s11 =	simm.s32 @p2 $0x12780  }
0x19b: {  	[hbm4b:s9+s10] =	stream.linear.scatter @p2 [tilespmem:s11], [sflag:$0x8], $0x80, $0x38;
	[tilespmem:$0x12C00] =	vst v63  }
0x19c: {  	s4 =	sadd.s32 @p2 s8, s4;
	s9 =	simm.s32 @p2 $0x12880  }
0x19d: {  	[hbm4b:s4+s10] =	stream.linear.scatter @p2 [tilespmem:s9], [sflag:$0x8], $0x80, $0x38;
	[tilespmem:$0x12C00] =	vst v63  }
0x19e: {  	s11 =	simm.s32 @p2 $0x12980;
	s9 =	sadd.s32 @p2 $0x80, s4  }
0x19f: {  	[hbm4b:s9+s10] =	stream.linear.scatter @p2 [tilespmem:s11], [sflag:$0x8], $0x80, $0x38;
	[tilespmem:$0x12C00] =	vst v63  }
0x1a0: {  	s9 =	sadd.s32 @p2 $0x100, s4;
	s11 =	simm.s32 @p2 $0x12A80  }
0x1a1: {  	[hbm4b:s9+s10] =	stream.linear.scatter @p2 [tilespmem:s11], [sflag:$0x8], $0x80, $0x38;
	[tilespmem:$0x12C00] =	vst v63  }
0x1a2: {  	s4 =	sadd.s32 @p2 $0x180, s4;
	s9 =	simm.s32 @p2 $0x12B80  }
0x1a3: {  	[hbm4b:s4+s10] =	stream.linear.scatter @p2 [tilespmem:s9], [sflag:$0x8], $0x80, $0x38;
	[tilespmem:$0x12C00] =	vst v63  }
.LBB2_11:
0x1a4: {  	s9 =	sadd.s32 $0x2, s20  }
0x1a5: {  	s23 =	sand.u32 $0x7, s9  }
0x1a6: {  	_ =	swait.ge [sflag:s31], $0x2000;
	p2 =	seq.s32 s23, $0x0  }
0x1a7: {  	s22 =	sshrl.u32 s9, $0x3;
	[sflag:s31] =	ssyncset.done $0x0;
	p1 =	por !p1, !p2  }
0x1a8: {  	[sflag:s31] =	ssyncadd.s32 $0xFFFFE000;
	s21 =	sand.u32 $0x1, s22;
	p2 =	por !p1, !p1  }
0x1a9: {  	_ =	swait.ge [sflag:s3], $0x2000;
	p1 =	sne.s32 @p2 s21, $0x0  }
0x1aa: {  	[sflag:s3] =	ssyncset.done $0x0;
	p3 =	por p1, !p2  }
0x1ab: {  	[sflag:s3] =	ssyncadd.s32 $0xFFFFE000;
	s4 =	simm.s32 @!p3 $0x7  }
0x1ac: {  	_ =	swait.ge @!p3 [sflag:s4], $0x200  }
0x1ad: {  	[sflag:s4] =	ssyncset.done @!p3 $0x0  }
0x1ae: {  	[sflag:s4] =	ssyncadd.s32 @!p3 $0xFFFFFE00  }
0x1af: {  	_ =	swait.ge @!p3 [sflag:s4], $0x200  }
0x1b0: {  	[sflag:s4] =	ssyncset.done @!p3 $0x0  }
0x1b1: {  	p1 =	seq.s32 s21, $0x1;
	[sflag:s4] =	ssyncadd.s32 @!p3 $0xFFFFFE00  }
0x1b2: {  	p2 =	por !p2, !p1;
	_ =	swait.ge @!p3 [sflag:s4], $0x200  }
0x1b3: {  	s10 =	simm.s32 $0x0;
	p2 =	por !p2, !p2;
	[sflag:s4] =	ssyncset.done @!p3 $0x0  }
0x1b4: {  	v9 =	vmov s10;
	[sflag:s4] =	ssyncadd.s32 @!p3 $0xFFFFFE00;
	s4 =	simm.s32 @p2 $0x8  }
0x1b5: {  	v9 =	vand.u32 $0x70, v9;
	_ =	swait.ge @p2 [sflag:s4], $0x200  }
0x1b6: {  	v10 =	vadd.s32 s10, v0;
	v13 =	vbroadcast v9, $0x0;
	[sflag:s4] =	ssyncset.done @p2 $0x0  }
0x1b7: {  	v10 =	vand.u32 $0xF, v10;
	[sflag:s4] =	ssyncadd.s32 @p2 $0xFFFFFE00  }
0x1b8: {  	s16 =	sshll.u32 s22, $0x7;
	v9 =	vor.u32 $0x4000, v1;
	v14 =	vor.u32 v10, v13;
	_ =	swait.ge @p2 [sflag:s4], $0x200  }
0x1b9: {  	s11 =	simm.s32 $0x1;
	v10 =	vmov s16;
	v15 =	vor.u32 v9, v14;
	[sflag:s4] =	ssyncset.done @p2 $0x0  }
0x1ba: {  	v12 =	vadd.s32 s11, v0;
	v16 =	vor.u32 v10, v14;
	[sflag:s4] =	ssyncadd.s32 @p2 $0xFFFFFE00  }
0x1bb: {  	v11 =	vor.u32 $0x5800, v1;
	v17 =	vand.u32 $0xF, v12;
	_ =	swait.ge @p2 [sflag:s4], $0x200  }
0x1bc: {  	v12 =	vor.u32 $0x4800, v1;
	v18 =	vor.u32 v13, v17;
	v17 =	vor.u32 v11, v14;
	[sflag:s4] =	ssyncset.done @p2 $0x0  }
0x1bd: {  	v19 =	vor.u32 v12, v18;
	[sflag:s4] =	ssyncadd.s32 @p2 $0xFFFFFE00  }
0x1be: {  	v13 =	vor.u32 $0x5000, v1;
	v20 =	vor.u32 v10, v18;
	v21 =	vld.idx.msk [tilespmem:v15+s17+$0x0], $0xffff  }
0x1bf: {  	v22 =	vor.u32 v13, v18;
	v23 =	vld.idx.msk [tilespmem:v16+s14+$0x0], $0xffff  }
0x1c0: {  	v24 =	vor.u32 v11, v18;
	v15 =	vld.idx.msk [tilespmem:v15+s18+$0x0], $0xffff  }
0x1c1: {  	v25 =	vld.idx.msk [tilespmem:v17+s18+$0x0], $0xffff  }
0x1c2: {  	v26 =	vor.u32 v13, v14;
	v27 =	vld.idx.msk [tilespmem:v19+s17+$0x0], $0xffff  }
0x1c3: {  	v28 =	vld.idx.msk [tilespmem:v20+s15+$0x0], $0xffff  }
0x1c4: {  	v34 =	vld.idx.msk [tilespmem:v22+s17+$0x0], $0xffff  }
0x1c5: {  	v38 =	vld.idx.msk [tilespmem:v24+s17+$0x0], $0xffff  }
0x1c6: {  	v14 =	vor.u32 v12, v14;
	v39 =	vld.idx.msk [tilespmem:v17+s17+$0x0], $0xffff  }
0x1c7: {  	v30 =	vld.idx.msk [tilespmem:v26+s18+$0x0], $0xffff  }
0x1c8: {  	s16 =	simm.s32 $0x2;
	v40 =	vld.idx.msk [tilespmem:v16+s15+$0x0], $0xffff  }
0x1c9: {  	v33 =	vmov s16;
	v19 =	vld.idx.msk [tilespmem:v19+s18+$0x0], $0xffff  }
0x1ca: {  	v31 =	vor.u32 v9, v18;
	v42 =	vld.idx.msk [tilespmem:v20+s14+$0x0], $0xffff;
	v20 =	vand.u32 $0x70, v33  }
0x1cb: {  	v43 =	vld.idx.msk [tilespmem:v14+s17+$0x0], $0xffff;
	v20 =	vbroadcast v20, $0x0;
	v29 =	vmul.f32 v21, v23  }
0x1cc: {  	v16 =	vmul.f32 v15, v23;
	v25 =	vmul.f32 v25, v23  }
0x1cd: {  	s12 =	simm.s32 $0x3;
	v22 =	vld.idx.msk [tilespmem:v22+s18+$0x0], $0xffff;
	v18 =	vmul.f32 v34, v28;
	v45 =	vmul.f32 v27, v28  }
0x1ce: {  	v32 =	vadd.s32 s12, v0;
	v26 =	vld.idx.msk [tilespmem:v26+s17+$0x0], $0xffff;
	v15 =	vmul.f32 v38, v28;
	v35 =	vmul.f32 v39, v23  }
0x1cf: {  	v17 =	vimm.f32 $0.0e+00;
	v51 =	vld.idx.msk [tilespmem:v31+s18+$0x0], $0xffff;
	v36 =	vmul.f32 v30, v23;
	v21 =	vmul.f32 v21, v40  }
0x1d0: {  	v30 =	vadd.s32 s16, v0;
	v19 =	vmul.f32 v19, v42;
	v50 =	vmul.f32 v43, v23  }
0x1d1: {  	v27 =	vmul.f32 v27, v42;
	v41 =	vadd.f32 v29, v17;
	v29 =	vld.idx.msk [tilespmem:v14+s18+$0x0], $0xffff;
	v14 =	vand.u32 $0xF, v30  }
0x1d2: {  	v43 =	vmul.f32 v43, v40;
	v22 =	vmul.f32 v22, v42;
	v14 =	vor.u32 v14, v20  }
0x1d3: {  	v34 =	vmul.f32 v34, v42;
	v48 =	vadd.f32 v25, v17;
	v25 =	vld.idx.msk [tilespmem:v31+s17+$0x0], $0xffff;
	v47 =	vor.u32 v9, v14  }
0x1d4: {  	v62 =	vmul.f32 v26, v40;
	v51 =	vmul.f32 v51, v42;
	v33 =	vor.u32 v10, v14  }
0x1d5: {  	v63 =	vmul.f32 v38, v42;
	v30 =	vand.u32 $0xF, v32;
	v44 =	vadd.f32 v35, v17  }
0x1d6: {  	v46 =	vadd.f32 v16, v17;
	v59 =	vor.u32 v20, v30;
	v49 =	vor.u32 v11, v14  }
0x1d7: {  	v53 =	vld.idx.msk [tilespmem:v24+s18+$0x0], $0xffff;
	v21 =	vadd.f32 v21, v17;
	v37 =	vor.u32 v12, v59;
	v16 =	vmul.f32 v29, v23  }
0x1d8: {  	v36 =	vadd.f32 v36, v17;
	v29 =	vor.u32 v13, v14;
	v28 =	vmul.f32 v25, v28;
	v31 =	vld.idx.msk [tilespmem:v47+s17+$0x0], $0xffff  }
0x1d9: {  	v30 =	vor.u32 v12, v14;
	v32 =	vor.u32 v10, v59;
	v52 =	vadd.f32 v16, v17;
	v35 =	vld.idx.msk [tilespmem:v33+s14+$0x0], $0xffff  }
0x1da: {  	v14 =	vor.u32 v13, v59;
	v54 =	vmul.f32 v25, v42;
	v24 =	vadd.f32 v28, v21;
	v21 =	vld.idx.msk [tilespmem:v47+s18+$0x0], $0xffff  }
0x1db: {  	v16 =	vor.u32 v11, v59;
	v60 =	vld.idx.msk [tilespmem:v49+s18+$0x0], $0xffff;
	v25 =	vadd.f32 v19, v52;
	v19 =	vadd.f32 v50, v17  }
0x1dc: {  	v61 =	vadd.f32 v43, v17;
	v43 =	vadd.f32 v62, v17;
	v23 =	vmul.f32 v26, v23;
	v28 =	vld.idx.msk [tilespmem:v37+s17+$0x0], $0xffff  }
0x1dd: {  	v53 =	vmul.f32 v53, v42;
	v38 =	vadd.f32 v51, v46;
	v42 =	vld.idx.msk [tilespmem:v29+s18+$0x0], $0xffff;
	v26 =	vadd.f32 v27, v19  }
0x1de: {  	v20 =	vor.u32 v9, v59;
	v27 =	vadd.f32 v22, v36;
	v36 =	vld.idx.msk [tilespmem:v32+s15+$0x0], $0xffff;
	v22 =	vadd.f32 v23, v17  }
0x1df: {  	v41 =	vadd.f32 v54, v41;
	v47 =	vmul.f32 v39, v40;
	v40 =	vadd.f32 v63, v44;
	v23 =	vld.idx.msk [tilespmem:v14+s17+$0x0], $0xffff  }
0x1e0: {  	v19 =	vld.idx.msk [tilespmem:v16+s17+$0x0], $0xffff;
	v46 =	vmul.f32 v31, v35;
	v39 =	vmul.f32 v21, v35;
	v22 =	vadd.f32 v34, v22  }
0x1e1: {  	s10 =	simm.s32 $0x4;
	v21 =	vld.idx.msk [tilespmem:v49+s17+$0x0], $0xffff;
	v44 =	vmul.f32 v60, v35;
	v34 =	vadd.f32 v45, v61;
	v45 =	vadd.f32 v53, v48  }
.LBB2_12:
0x1e2: {  	p2 =	slt.u32 s10, $0x7E;
	v48 =	vld.idx.msk [tilespmem:v33+s15+$0x0], $0xffff;
	v17 =	vadd.f32 v47, v17;
	v47 =	vmov v29;
	v49 =	vmov v35;
	s4 =	smov.u32 s10;
	s10 =	sadd.s32 $0x2, s10  }
0x1e3: {  	v43 =	vadd.f32 v18, v43;
	v29 =	vld.idx.msk [tilespmem:v30+s18+$0x0], $0xffff  }
0x1e4: {  	v41 =	vadd.f32 v46, v41;
	s11 =	sadd.s32 $0x1, s4;
	v18 =	vmul.f32 v23, v36;
	v46 =	vld.idx.msk [tilespmem:v30+s17+$0x0], $0xffff;
	v17 =	vadd.f32 v15, v17  }
0x1e5: {  	v50 =	vmul.f32 v28, v36;
	v30 =	vadd.s32 s11, v0;
	v15 =	vmul.f32 v19, v36;
	v35 =	vld.idx.msk [tilespmem:v37+s18+$0x0], $0xffff  }
0x1e6: {  	v33 =	vmov s4;
	v45 =	vadd.f32 v44, v45;
	v37 =	vmul.f32 v21, v49;
	v44 =	vld.idx.msk [tilespmem:v32+s14+$0x0], $0xffff  }
0x1e7: {  	v32 =	vand.u32 $0x70, v33;
	v42 =	vmul.f32 v42, v49;
	v51 =	vld.idx.msk [tilespmem:v20+s17+$0x0], $0xffff  }
0x1e8: {  	v33 =	vadd.s32 s4, v0;
	v32 =	vbroadcast v32, $0x0;
	v31 =	vmul.f32 v31, v48  }
0x1e9: {  	v30 =	vand.u32 $0xF, v30;
	v33 =	vand.u32 $0xF, v33;
	v40 =	vadd.f32 v37, v40  }
0x1ea: {  	v38 =	vadd.f32 v39, v38;
	v37 =	vor.u32 v33, v32;
	v52 =	vor.u32 v32, v30  }
0x1eb: {  	v53 =	vmul.f32 v29, v49;
	v33 =	vor.u32 v10, v37;
	v39 =	vor.u32 v9, v37  }
0x1ec: {  	v30 =	vor.u32 v12, v37;
	v29 =	vor.u32 v13, v37;
	v54 =	vmul.f32 v35, v44;
	v55 =	vld.idx.msk [tilespmem:v14+s18+$0x0], $0xffff  }
0x1ed: {  	v56 =	vor.u32 v11, v37;
	v14 =	vor.u32 v13, v52;
	v36 =	vmul.f32 v51, v36;
	v47 =	vld.idx.msk [tilespmem:v47+s17+$0x0], $0xffff  }
0x1ee: {  	v57 =	vmul.f32 v46, v49;
	v32 =	vor.u32 v10, v52;
	v58 =	vld.idx.msk [tilespmem:v20+s18+$0x0], $0xffff;
	v20 =	vor.u32 v9, v52  }
0x1ef: {  	v24 =	vadd.f32 v31, v24;
	v37 =	vor.u32 v12, v52;
	v25 =	vadd.f32 v53, v25;
	v53 =	vld.idx.msk [tilespmem:v16+s18+$0x0], $0xffff  }
0x1f0: {  	v51 =	vmul.f32 v51, v44;
	v16 =	vor.u32 v11, v52;
	v52 =	vmul.f32 v28, v44;
	v31 =	vld.idx.msk [tilespmem:v39+s17+$0x0], $0xffff  }
0x1f1: {  	v25 =	vadd.f32 v54, v25;
	v24 =	vadd.f32 v36, v24;
	v28 =	vmul.f32 v46, v48;
	v35 =	vld.idx.msk [tilespmem:v33+s14+$0x0], $0xffff  }
0x1f2: {  	v27 =	vadd.f32 v42, v27;
	v26 =	vadd.f32 v57, v26;
	v36 =	vmul.f32 v55, v44;
	v39 =	vld.idx.msk [tilespmem:v39+s18+$0x0], $0xffff  }
0x1f3: {  	v46 =	vmul.f32 v23, v44;
	v34 =	vadd.f32 v28, v34;
	v42 =	vmul.f32 v47, v49;
	v54 =	vld.idx.msk [tilespmem:v56+s18+$0x0], $0xffff  }
0x1f4: {  	v26 =	vadd.f32 v52, v26;
	v47 =	vmul.f32 v47, v48;
	v27 =	vadd.f32 v36, v27;
	v28 =	vld.idx.msk [tilespmem:v37+s17+$0x0], $0xffff  }
.Ltmp9:
0x1f5: {  	v41 =	vadd.f32 v51, v41;
	v22 =	vadd.f32 v42, v22;
	v42 =	vmul.f32 v58, v44;
	v36 =	vld.idx.msk [tilespmem:v32+s15+$0x0], $0xffff;
	(pc) =	sbr.rel @p2 .LBB2_12-.Ltmp9, $4  }
0x1f6: {  	v49 =	vmul.f32 v19, v44;
	v43 =	vadd.f32 v47, v43;
	v51 =	vmul.f32 v53, v44;
	v23 =	vld.idx.msk [tilespmem:v14+s17+$0x0], $0xffff  }
0x1f7: {  	v47 =	vmul.f32 v21, v48;
	v38 =	vadd.f32 v42, v38;
	v22 =	vadd.f32 v46, v22;
	v19 =	vld.idx.msk [tilespmem:v16+s17+$0x0], $0xffff  }
0x1f8: {  	v40 =	vadd.f32 v49, v40;
	v46 =	vmul.f32 v31, v35;
	v39 =	vmul.f32 v39, v35;
	v21 =	vld.idx.msk [tilespmem:v56+s17+$0x0], $0xffff  }
0x1f9: {  	v34 =	vadd.f32 v50, v34;
	v45 =	vadd.f32 v51, v45;
	v44 =	vmul.f32 v54, v35;
	v42 =	vld.idx.msk [tilespmem:v29+s18+$0x0], $0xffff  }
0x1fa: {  	_ =	sdelay $0x3  }
0x1fb: {  	v9 =	vld.idx.msk [tilespmem:v33+s15+$0x0], $0xffff  }
0x1fc: {  	v10 =	vld.idx.msk [tilespmem:v30+s18+$0x0], $0xffff  }
0x1fd: {  	v11 =	vld.idx.msk [tilespmem:v37+s18+$0x0], $0xffff  }
0x1fe: {  	v12 =	vld.idx.msk [tilespmem:v32+s14+$0x0], $0xffff  }
0x1ff: {  	v13 =	vld.idx.msk [tilespmem:v20+s17+$0x0], $0xffff  }
0x200: {  	v61 =	vld.idx.msk [tilespmem:v30+s17+$0x0], $0xffff;
	v63 =	vadd.f32 v46, v41;
	v46 =	vmul.f32 v28, v36  }
0x201: {  	v17 =	vadd.f32 v47, v17;
	v50 =	vld.idx.msk [tilespmem:v20+s18+$0x0], $0xffff;
	v62 =	vmul.f32 v23, v36;
	v47 =	vmul.f32 v19, v36  }
0x202: {  	v29 =	vld.idx.msk [tilespmem:v29+s17+$0x0], $0xffff;
	v48 =	vmul.f32 v21, v35;
	v42 =	vmul.f32 v42, v35  }
0x203: {  	v18 =	vadd.f32 v18, v43;
	v31 =	vmul.f32 v31, v9;
	v10 =	vmul.f32 v10, v35  }
0x204: {  	v53 =	vadd.f32 v39, v38;
	v11 =	vmul.f32 v11, v12;
	v51 =	vmul.f32 v13, v36  }
0x205: {  	v14 =	vld.idx.msk [tilespmem:v14+s18+$0x0], $0xffff;
	v49 =	vadd.f32 v44, v45;
	v52 =	vmul.f32 v61, v35;
	v13 =	vmul.f32 v13, v12  }
0x206: {  	v15 =	vadd.f32 v15, v17;
	v54 =	vmul.f32 v28, v12;
	v30 =	vmul.f32 v61, v9  }
0x207: {  	v17 =	vadd.f32 v48, v40;
	v20 =	vmul.f32 v50, v12;
	v57 =	vmul.f32 v29, v35  }
0x208: {  	v29 =	vmul.f32 v29, v9;
	v58 =	vmul.f32 v23, v12;
	v24 =	vadd.f32 v31, v24  }
0x209: {  	s4 =	sshll.u32 s9, $0x6;
	s16 =	sshll.u32 s9, $0x7;
	v9 =	vmul.f32 v21, v9;
	v10 =	vadd.f32 v10, v25;
	v13 =	vadd.f32 v13, v63  }
0x20a: {  	v16 =	vld.idx.msk [tilespmem:v16+s18+$0x0], $0xffff;
	s4 =	sand.u32 $0x40, s4;
	s9 =	sand.u32 $0x300, s16;
	v14 =	vmul.f32 v14, v12;
	v56 =	vadd.f32 v30, v34;
	v20 =	vadd.f32 v20, v53  }
0x20b: {  	s10 =	sshll.u32 s21, $0x7;
	s4 =	sor.u32 s4, s9;
	v22 =	vadd.f32 v57, v22;
	v24 =	vadd.f32 v51, v24;
	v13 =	vmul.f32 $1.428571410e+01, v13  }
0x20c: {  	s4 =	sor.u32 s10, s4;
	v9 =	vadd.f32 v9, v15;
	v59 =	vadd.f32 v46, v56;
	v20 =	vmul.f32 $1.428571410e+01, v20  }
0x20d: {  	v10 =	vadd.f32 v11, v10;
	v11 =	vadd.f32 v52, v26;
	v24 =	vmul.f32 $1.428571410e+01, v24;
	[tilespmem:s4+$0x12400] =	vst v13  }
0x20e: {  	v63 =	vmul.f32 v19, v12;
	v9 =	vadd.f32 v47, v9;
	v60 =	vmul.f32 $1.428571410e+01, v59;
	[tilespmem:s4+$0x12800] =	vst v20  }
0x20f: {  	v12 =	vmul.f32 v16, v12;
	v11 =	vadd.f32 v54, v11;
	v10 =	vmul.f32 $1.428571410e+01, v10;
	[tilespmem:s4+$0x12000] =	vst v24  }
0x210: {  	v18 =	vadd.f32 v29, v18;
	v61 =	vadd.f32 v58, v22;
	v9 =	vmul.f32 $1.428571410e+01, v9;
	[tilespmem:s4+$0x12010] =	vst v60  }
0x211: {  	v55 =	vadd.f32 v42, v27;
	v12 =	vadd.f32 v12, v49;
	v11 =	vmul.f32 $1.428571410e+01, v11;
	[tilespmem:s4+$0x12810] =	vst v10  }
0x212: {  	v18 =	vadd.f32 v62, v18;
	v10 =	vmul.f32 $1.428571410e+01, v61;
	[tilespmem:s4+$0x12030] =	vst v9  }
0x213: {  	s9 =	sadd.s32 @!p0 $0x5, s20;
	v62 =	vadd.f32 v14, v55;
	v14 =	vadd.f32 v63, v17;
	v9 =	vmul.f32 $1.428571410e+01, v12;
	[tilespmem:s4+$0x12410] =	vst v11  }
0x214: {  	s10 =	sshll.u32 @!p0 s9, $0x6;
	s11 =	sshll.u32 @!p0 s9, $0x9;
	v11 =	vmul.f32 $1.428571410e+01, v18;
	[tilespmem:s4+$0x12420] =	vst v10  }
0x215: {  	s9 =	sshll.u32 @!p0 s9, $0x4;
	s12 =	sand.u32 @!p0 $0xF000, s10;
	s11 =	sand.u32 @!p0 $0xC00, s11;
	v10 =	vmul.f32 $1.428571410e+01, v14;
	[tilespmem:s4+$0x12830] =	vst v9  }
0x216: {  	s9 =	sand.u32 @!p0 $0x380, s9;
	s11 =	sor.u32 @!p0 s11, s12;
	[tilespmem:s4+$0x12020] =	vst v11;
	v11 =	vmul.f32 $1.428571410e+01, v62  }
0x217: {  	s10 =	sand.u32 @!p0 $0x40, s10;
	s9 =	sor.u32 @!p0 s9, s11;
	[tilespmem:s4+$0x12430] =	vst v10  }
0x218: {  	[tilespmem:s4+$0x12820] =	vst v11;
	s4 =	sor.u32 @!p0 s10, s9;
	s9 =	simm.s32 @!p0 $0x40;
	s10 =	simm.s32 @!p0 $0xA000  }
0x219: {  	[tilespmem:s10], [sflag:$0x3] =	stream.indirect.gather @!p0 [hbm4b:s0+s9], $0x80, s4, s9, $0xb8;
	[tilespmem:$0x12C00] =	vst v63  }
0x21a: {  	s10 =	simm.s32 @!p0 $0x10000  }
0x21b: {  	[tilespmem:s10], [sflag:$0x6] =	stream.indirect.gather @!p0 [hbm4b:s2+s9], $0x80, s4, s9, $0xb8;
	[tilespmem:$0x12C00] =	vst v63  }
0x21c: {  	p0 =	sne.s32 s23, $0x7  }
.Ltmp10:
0x21d: {  	_ = 	snop;
	(pc) =	sbr.rel @p0 .LBB2_15-.Ltmp10, $1  }
0x21e: {  	_ =	sdelay $0x3  }
0x21f: {  	p0 =	sne.s32 s21, $0x0  }
0x220: {  	s4 =	sadd.s32 @!p0 s5, s22  }
0x221: {  	s9 =	sshll.u32 @!p0 s22, $0x4;
	s4 =	sshll.u32 @!p0 s4, $0x6  }
0x222: {  	s9 =	sand.u32 @!p0 $0x60, s9;
	s4 =	sand.u32 @!p0 $0xFFFFE00, s4  }
0x223: {  	s4 =	sor.u32 @!p0 s9, s4  }
0x224: {  	s10 =	simm.s32 @!p0 $0x0;
	s11 =	simm.s32 @!p0 $0x12000;
	s9 =	sadd.s32 @!p0 s6, s4  }
0x225: {  	[hbm4b:s9+s10] =	stream.linear.scatter @!p0 [tilespmem:s11], [sflag:$0x7], $0x80, $0x38;
	[tilespmem:$0x12C00] =	vst v63  }
0x226: {  	s12 =	simm.s32 @!p0 $0x12100;
	s11 =	sadd.s32 @!p0 $0x80, s9  }
0x227: {  	[hbm4b:s11+s10] =	stream.linear.scatter @!p0 [tilespmem:s12], [sflag:$0x7], $0x80, $0x38;
	[tilespmem:$0x12C00] =	vst v63  }
0x228: {  	s11 =	sadd.s32 @!p0 $0x100, s9;
	s12 =	simm.s32 @!p0 $0x12200  }
0x229: {  	[hbm4b:s11+s10] =	stream.linear.scatter @!p0 [tilespmem:s12], [sflag:$0x7], $0x80, $0x38;
	[tilespmem:$0x12C00] =	vst v63  }
0x22a: {  	s9 =	sadd.s32 @!p0 $0x180, s9;
	s11 =	simm.s32 @!p0 $0x12300  }
0x22b: {  	[hbm4b:s9+s10] =	stream.linear.scatter @!p0 [tilespmem:s11], [sflag:$0x7], $0x80, $0x38;
	[tilespmem:$0x12C00] =	vst v63  }
0x22c: {  	s9 =	sadd.s32 @!p0 s7, s4;
	s11 =	simm.s32 @!p0 $0x12400  }
0x22d: {  	[hbm4b:s9+s10] =	stream.linear.scatter @!p0 [tilespmem:s11], [sflag:$0x7], $0x80, $0x38;
	[tilespmem:$0x12C00] =	vst v63  }
0x22e: {  	s12 =	simm.s32 @!p0 $0x12500;
	s11 =	sadd.s32 @!p0 $0x80, s9  }
0x22f: {  	[hbm4b:s11+s10] =	stream.linear.scatter @!p0 [tilespmem:s12], [sflag:$0x7], $0x80, $0x38;
	[tilespmem:$0x12C00] =	vst v63  }
0x230: {  	s11 =	sadd.s32 @!p0 $0x100, s9;
	s12 =	simm.s32 @!p0 $0x12600  }
0x231: {  	[hbm4b:s11+s10] =	stream.linear.scatter @!p0 [tilespmem:s12], [sflag:$0x7], $0x80, $0x38;
	[tilespmem:$0x12C00] =	vst v63  }
0x232: {  	s9 =	sadd.s32 @!p0 $0x180, s9;
	s11 =	simm.s32 @!p0 $0x12700  }
0x233: {  	[hbm4b:s9+s10] =	stream.linear.scatter @!p0 [tilespmem:s11], [sflag:$0x7], $0x80, $0x38;
	[tilespmem:$0x12C00] =	vst v63  }
0x234: {  	s4 =	sadd.s32 @!p0 s8, s4;
	s9 =	simm.s32 @!p0 $0x12800  }
0x235: {  	[hbm4b:s4+s10] =	stream.linear.scatter @!p0 [tilespmem:s9], [sflag:$0x7], $0x80, $0x38;
	[tilespmem:$0x12C00] =	vst v63  }
0x236: {  	s11 =	simm.s32 @!p0 $0x12900;
	s9 =	sadd.s32 @!p0 $0x80, s4  }
0x237: {  	[hbm4b:s9+s10] =	stream.linear.scatter @!p0 [tilespmem:s11], [sflag:$0x7], $0x80, $0x38;
	[tilespmem:$0x12C00] =	vst v63  }
0x238: {  	s9 =	sadd.s32 @!p0 $0x100, s4;
	s11 =	simm.s32 @!p0 $0x12A00  }
0x239: {  	[hbm4b:s9+s10] =	stream.linear.scatter @!p0 [tilespmem:s11], [sflag:$0x7], $0x80, $0x38;
	[tilespmem:$0x12C00] =	vst v63  }
0x23a: {  	s4 =	sadd.s32 @!p0 $0x180, s4;
	s9 =	simm.s32 @!p0 $0x12B00  }
0x23b: {  	[hbm4b:s4+s10] =	stream.linear.scatter @!p0 [tilespmem:s9], [sflag:$0x7], $0x80, $0x38;
	[tilespmem:$0x12C00] =	vst v63  }
0x23c: {  	s4 =	sadd.s32 @p1 s5, s22  }
0x23d: {  	s9 =	sshll.u32 @p1 s22, $0x4;
	s4 =	sshll.u32 @p1 s4, $0x6  }
0x23e: {  	s9 =	sand.u32 @p1 $0x70, s9;
	s4 =	sand.u32 @p1 $0xFFFFE00, s4  }
0x23f: {  	s4 =	sor.u32 @p1 s9, s4  }
0x240: {  	s11 =	simm.s32 @p1 $0x12080;
	s10 =	simm.s32 @p1 $0x0;
	s9 =	sadd.s32 @p1 s6, s4  }
0x241: {  	[hbm4b:s9+s10] =	stream.linear.scatter @p1 [tilespmem:s11], [sflag:$0x8], $0x80, $0x38;
	[tilespmem:$0x12C00] =	vst v63  }
0x242: {  	s12 =	simm.s32 @p1 $0x12180;
	s11 =	sadd.s32 @p1 $0x80, s9  }
0x243: {  	[hbm4b:s11+s10] =	stream.linear.scatter @p1 [tilespmem:s12], [sflag:$0x8], $0x80, $0x38;
	[tilespmem:$0x12C00] =	vst v63  }
0x244: {  	s11 =	sadd.s32 @p1 $0x100, s9;
	s12 =	simm.s32 @p1 $0x12280  }
0x245: {  	[hbm4b:s11+s10] =	stream.linear.scatter @p1 [tilespmem:s12], [sflag:$0x8], $0x80, $0x38;
	[tilespmem:$0x12C00] =	vst v63  }
0x246: {  	s9 =	sadd.s32 @p1 $0x180, s9;
	s11 =	simm.s32 @p1 $0x12380  }
0x247: {  	[hbm4b:s9+s10] =	stream.linear.scatter @p1 [tilespmem:s11], [sflag:$0x8], $0x80, $0x38;
	[tilespmem:$0x12C00] =	vst v63  }
0x248: {  	s9 =	sadd.s32 @p1 s7, s4;
	s11 =	simm.s32 @p1 $0x12480  }
0x249: {  	[hbm4b:s9+s10] =	stream.linear.scatter @p1 [tilespmem:s11], [sflag:$0x8], $0x80, $0x38;
	[tilespmem:$0x12C00] =	vst v63  }
0x24a: {  	s12 =	simm.s32 @p1 $0x12580;
	s11 =	sadd.s32 @p1 $0x80, s9  }
0x24b: {  	[hbm4b:s11+s10] =	stream.linear.scatter @p1 [tilespmem:s12], [sflag:$0x8], $0x80, $0x38;
	[tilespmem:$0x12C00] =	vst v63  }
0x24c: {  	s11 =	sadd.s32 @p1 $0x100, s9;
	s12 =	simm.s32 @p1 $0x12680  }
0x24d: {  	[hbm4b:s11+s10] =	stream.linear.scatter @p1 [tilespmem:s12], [sflag:$0x8], $0x80, $0x38;
	[tilespmem:$0x12C00] =	vst v63  }
0x24e: {  	s9 =	sadd.s32 @p1 $0x180, s9;
	s11 =	simm.s32 @p1 $0x12780  }
0x24f: {  	[hbm4b:s9+s10] =	stream.linear.scatter @p1 [tilespmem:s11], [sflag:$0x8], $0x80, $0x38;
	[tilespmem:$0x12C00] =	vst v63  }
0x250: {  	s4 =	sadd.s32 @p1 s8, s4;
	s9 =	simm.s32 @p1 $0x12880  }
0x251: {  	[hbm4b:s4+s10] =	stream.linear.scatter @p1 [tilespmem:s9], [sflag:$0x8], $0x80, $0x38;
	[tilespmem:$0x12C00] =	vst v63  }
0x252: {  	s11 =	simm.s32 @p1 $0x12980;
	s9 =	sadd.s32 @p1 $0x80, s4  }
0x253: {  	[hbm4b:s9+s10] =	stream.linear.scatter @p1 [tilespmem:s11], [sflag:$0x8], $0x80, $0x38;
	[tilespmem:$0x12C00] =	vst v63  }
.Ltmp11:
0x254: {  	_ = 	snop;
	(pc) =	sbr.rel .LBB2_15-.Ltmp11, $4  }
0x255: {  	s9 =	sadd.s32 @p1 $0x100, s4;
	s11 =	simm.s32 @p1 $0x12A80  }
0x256: {  	[hbm4b:s9+s10] =	stream.linear.scatter @p1 [tilespmem:s11], [sflag:$0x8], $0x80, $0x38;
	[tilespmem:$0x12C00] =	vst v63  }
0x257: {  	s4 =	sadd.s32 @p1 $0x180, s4;
	s9 =	simm.s32 @p1 $0x12B80  }
0x258: {  	[hbm4b:s4+s10] =	stream.linear.scatter @p1 [tilespmem:s9], [sflag:$0x8], $0x80, $0x38;
	[tilespmem:$0x12C00] =	vst v63  }
.LBB2_17:
0x259: {  	_ =	sfence.sel $0x180000  }
0x25a: {  	[bflag:$0x0] =	sbarrier.arrive $0xFFFF  }
0x25b: {  	_ =	strace $0x90000047  }
0x25c: {  	s0 =	stileid.u32;
	[bflag:$0x2] =	sbarrier.arrive $0xFFFF  }
0x25d: {  	p0 =	sne.s32 s0, $0x0;
	s0 =	rddreg [dreg:$0x5]  }
0x25e: {  	s0 =	sadd.s32 @!p0 $0x100000, s0  }
0x25f: {  	[sflag:s0] =	ssyncadd.tile.s32 @!p0 $0x1;
	_ =	shalt  }
.Lfunc_end2:
_tile_overlayer_lowered:
.L_overlay_start_2:
0x260: {  	(tag) =	ssettag $0x2  }
0x261: {  	s0 =	rddreg [dreg:$0x0];
	s2 =	stileid.u32  }
0x262: {  	s1 =	rddreg [dreg:$0x1];
	p0 =	sne.s32 s2, $0x0  }
0x263: {  	s3 =	rddreg [dreg:$0x2];
	[bflag:$0x3] =	sbarrier.arrive $0xFFFF;
	s2 =	simm.s32 @!p0 $0x1C09  }
0x264: {  	[timem:s3], [sflag:s2] =	dma.local @!p0 [hbm:s0], s1  }
0x265: {  	s0 =	simm.s32 @!p0 $0x9  }
0x266: {  	_ =	swait.ge @!p0 [sflag:s0], s1  }
0x267: {  	s1 =	ssub.s32 @!p0 $0x0, s1;
	[sflag:s0] =	ssyncset.done @!p0 $0x0  }
0x268: {  	[sflag:s0] =	ssyncadd.s32 @!p0 s1  }
0x269: {  	[bflag:$0x3] =	sbarrier.arrive $0xFFFF  }
0x26a: {  	_ =	shalt  }

</sc_bundles>
